<compile_context>
chip_gen: v7x
topology: tpu7x:2x2x1
jax: 0.10.2.dev20260603
libtpu: 0.0.44.dev20260713+nightly
codegen_flags: <defaults>
</compile_context>

<pallas_src>
import functools

import jax
import jax.numpy as jnp
from jax import lax
from jax.experimental import pallas as pl
from jax.experimental.pallas import tpu as pltpu
from jax.experimental.pallas import tpu_sc as plsc

E_BLOCK = 3200
N_BLOCK = 1000

SC_CORES = 2
SC_SUBCORES = 16
SC_TILES = SC_CORES * SC_SUBCORES
EDGE_CHUNK = 80
ACC_N = 10240



def _t1_body(ef_ref, wea_ref, bea_ref, wm1_ref, bm1_ref,
             ei0_ref, ei1_ref, e1_ref):
    ef = ef_ref[...]
    ei = jnp.dot(ef, wea_ref[...],
                 preferred_element_type=jnp.float32) + bea_ref[...]
    h2 = ei.shape[1] // 2
    ei0_ref[...] = ei[:, :h2]
    ei1_ref[...] = ei[:, h2:]
    e1_ref[...] = jnp.maximum(
        jnp.dot(ef, wm1_ref[...], preferred_element_type=jnp.float32)
        + bm1_ref[...], 0.0)


def _t1(edge_feats, W_ea, b_ea, W_m1, b_m1):
    E, D = edge_feats.shape
    H = W_ea.shape[1]
    Hh = H // 2
    grid = (E // E_BLOCK,)
    return pl.pallas_call(
        _t1_body,
        grid=grid,
        in_specs=[
            pl.BlockSpec((E_BLOCK, D), lambda i: (i, 0)),
            pl.BlockSpec((D, H), lambda i: (0, 0)),
            pl.BlockSpec((1, H), lambda i: (0, 0)),
            pl.BlockSpec((D, H), lambda i: (0, 0)),
            pl.BlockSpec((1, H), lambda i: (0, 0)),
        ],
        out_specs=[
            pl.BlockSpec((E_BLOCK, Hh), lambda i: (i, 0)),
            pl.BlockSpec((E_BLOCK, Hh), lambda i: (i, 0)),
            pl.BlockSpec((E_BLOCK, H), lambda i: (i, 0)),
        ],
        out_shape=[
            jax.ShapeDtypeStruct((E, Hh), jnp.float32),
            jax.ShapeDtypeStruct((E, Hh), jnp.float32),
            jax.ShapeDtypeStruct((E, H), jnp.float32),
        ],
    )(edge_feats, W_ea, b_ea.reshape(1, H), W_m1, b_m1.reshape(1, H))


def _t2a_body(sr0_ref, sr1_ref, sc0_ref, sc1_ref, cr_ref, cc_ref,
              nf_ref, wg1_ref,
              agg_ref, dinv_ref, xw1_ref, y1p_ref):
    sum_row = jnp.concatenate([sr0_ref[...], sr1_ref[...]], axis=1)
    sum_col = jnp.concatenate([sc0_ref[...], sc1_ref[...]], axis=1)
    cnt_row = cr_ref[...]
    cnt_col = cc_ref[...]
    raw_row = sum_row / jnp.maximum(cnt_row, 1.0)
    raw_col = sum_col / jnp.maximum(cnt_col, 1.0)
    agg_ref[...] = jax.nn.sigmoid(raw_row * raw_col)
    dinv = jax.lax.rsqrt(cnt_col + 1.0)
    dinv_ref[...] = dinv
    xw1 = jnp.dot(nf_ref[...], wg1_ref[...], preferred_element_type=jnp.float32)
    xw1_ref[...] = xw1
    y1 = xw1 * dinv
    y1p_ref[...] = jnp.concatenate(
        [y1, jnp.zeros_like(y1)], axis=1)


def _t2a(sr0, sr1, sc0, sc1, cr, cc, node_feats, W_g1):
    N, Hh = sr0.shape
    H = 2 * Hh
    D = node_feats.shape[1]
    NB = N_BLOCK
    rb = lambda w: pl.BlockSpec((NB, w), lambda i: (i, 0))
    full = lambda a, b: pl.BlockSpec((a, b), lambda i: (0, 0))
    return pl.pallas_call(
        _t2a_body,
        grid=(N // NB,),
        in_specs=[rb(Hh), rb(Hh), rb(Hh), rb(Hh), rb(1), rb(1),
                  rb(D), full(D, H)],
        out_specs=[rb(H), rb(1), rb(H), rb(2 * H)],
        out_shape=[
            jax.ShapeDtypeStruct((N, H), jnp.float32),
            jax.ShapeDtypeStruct((N, 1), jnp.float32),
            jax.ShapeDtypeStruct((N, H), jnp.float32),
            jax.ShapeDtypeStruct((N, 2 * H), jnp.float32),
        ],
    )(sr0, sr1, sc0, sc1, cr, cc, node_feats, W_g1)


def _t2b_body(s1a_ref, s1b_ref, dinv_ref, xw1_ref, agg_ref, wg2_ref, bg1_ref,
              xw2_ref, y2d_ref):
    dinv = dinv_ref[...]
    H = xw1_ref.shape[1]
    s1 = (s1a_ref[...] + s1b_ref[...])[:, :H]
    out1 = s1 * dinv + xw1_ref[...] * (dinv * dinv) + bg1_ref[...]
    x1 = jnp.maximum(out1, 0.0) * agg_ref[...]
    xw2 = jnp.dot(x1, wg2_ref[...], preferred_element_type=jnp.float32)
    xw2_ref[...] = xw2
    y2d_ref[...] = xw2 * dinv


def _t2b(S1a, S1b, dinv, xw1, agg, W_g2, b_g1):
    N, H = xw1.shape
    D = W_g2.shape[1]
    NB = N_BLOCK
    rb = lambda w: pl.BlockSpec((NB, w), lambda i: (i, 0))
    full = lambda a, b: pl.BlockSpec((a, b), lambda i: (0, 0))
    return pl.pallas_call(
        _t2b_body,
        grid=(N // NB,),
        in_specs=[rb(2 * H), rb(2 * H), rb(1), rb(H), rb(H),
                  full(H, D), full(1, H)],
        out_specs=[rb(D), rb(D)],
        out_shape=[
            jax.ShapeDtypeStruct((N, D), jnp.float32),
            jax.ShapeDtypeStruct((N, D), jnp.float32),
        ],
    )(S1a, S1b, dinv, xw1, agg, W_g2, b_g1.reshape(1, H))


def _t2c_body(s2a_ref, s2b_ref, dinv_ref, xw2_ref,
              wna_ref, bna_ref, wnra_ref, wnrb_ref, bnr_ref, bg2_ref,
              x_ref, ab_ref):
    dinv = dinv_ref[...]
    s2 = s2a_ref[...] + s2b_ref[...]
    x = jnp.maximum(s2 * dinv + xw2_ref[...] * (dinv * dinv) + bg2_ref[...],
                    0.0)
    x_ref[...] = x
    node_ind = jnp.maximum(
        jnp.dot(x, wna_ref[...], preferred_element_type=jnp.float32)
        + bna_ref[...], 0.0)
    a = jnp.dot(node_ind, wnra_ref[...],
                preferred_element_type=jnp.float32) + bnr_ref[...]
    b = jnp.dot(node_ind, wnrb_ref[...],
                preferred_element_type=jnp.float32)
    ab_ref[...] = jnp.concatenate([a, b], axis=1)


def _t2c(S2a, S2b, dinv, xw2, W_na, b_na, W_nrA, W_nrB, b_nr, b_g2):
    N, D = xw2.shape
    H = W_na.shape[1]
    NB = N_BLOCK
    rb = lambda w: pl.BlockSpec((NB, w), lambda i: (i, 0))
    full = lambda a, b: pl.BlockSpec((a, b), lambda i: (0, 0))
    return pl.pallas_call(
        _t2c_body,
        grid=(N // NB,),
        in_specs=[rb(D), rb(D),
                  rb(1), rb(D), full(D, H), full(1, H),
                  full(H, H), full(H, H), full(1, H), full(1, D)],
        out_specs=[rb(D), rb(2 * H)],
        out_shape=[
            jax.ShapeDtypeStruct((N, D), jnp.float32),
            jax.ShapeDtypeStruct((N, 2 * H), jnp.float32),
        ],
    )(S2a, S2b, dinv, xw2, W_na, b_na.reshape(1, H),
      W_nrA, W_nrB, b_nr.reshape(1, H), b_g2.reshape(1, D))


def _t3_body(e1_ref, ga_ref, gb_ref, wm2_ref, bm2_ref, e_ref):
    H = e1_ref.shape[1]
    p = ga_ref[...][:, :H] + gb_ref[...][:, H:]
    g = e1_ref[...] * jax.nn.sigmoid(p)
    e_ref[...] = jnp.maximum(
        jnp.dot(g, wm2_ref[...], preferred_element_type=jnp.float32)
        + bm2_ref[...], 0.0)


def _t3(e1, GAx, GBx, W_m2, b_m2):
    E, H = e1.shape
    D = W_m2.shape[1]
    grid = (E // E_BLOCK,)
    return pl.pallas_call(
        _t3_body,
        grid=grid,
        in_specs=[
            pl.BlockSpec((E_BLOCK, H), lambda i: (i, 0)),
            pl.BlockSpec((E_BLOCK, 2 * H), lambda i: (i, 0)),
            pl.BlockSpec((E_BLOCK, 2 * H), lambda i: (i, 0)),
            pl.BlockSpec((H, D), lambda i: (0, 0)),
            pl.BlockSpec((1, D), lambda i: (0, 0)),
        ],
        out_specs=pl.BlockSpec((E_BLOCK, D), lambda i: (i, 0)),
        out_shape=jax.ShapeDtypeStruct((E, D), jnp.float32),
    )(e1, GAx, GBx, W_m2, b_m2.reshape(1, D))



def _sc_mesh():
    return plsc.VectorSubcoreMesh(core_axis_name="c", subcore_axis_name="s")



def _k1_scatter_stats(ei0, ei1, src3d, dst3d):
    E, Hh = ei0.shape
    _, nchunk, C = src3d.shape
    per_tile = nchunk * C
    wb = ACC_N // SC_SUBCORES
    zeros_h = jnp.zeros((wb, Hh), jnp.float32)

    @functools.partial(
        pl.kernel,
        out_type=[
            jax.ShapeDtypeStruct((SC_CORES, ACC_N, Hh), jnp.float32),
            jax.ShapeDtypeStruct((SC_CORES, ACC_N, Hh), jnp.float32),
        ],
        mesh=_sc_mesh(),
        scratch_types=[
            pltpu.VMEM_SHARED((ACC_N, Hh), jnp.float32),
            pltpu.VMEM_SHARED((ACC_N, Hh), jnp.float32),
            pltpu.VMEM((nchunk, C), jnp.int32),
            pltpu.VMEM((nchunk, C), jnp.int32),
            pltpu.VMEM((C, Hh), jnp.float32),
        ],
    )
    def k1(ei0_hbm, ei1_hbm, src_hbm, dst_hbm, z_hbm,
           sr_out, sc_out,
           acc_sr, acc_sc, src_v, dst_v, vals_v):
        cid = lax.axis_index("c")
        sid = lax.axis_index("s")
        base = sid * wb
        ebase = sid * per_tile
        pltpu.sync_copy(z_hbm, acc_sr.at[pl.ds(base, wb)])
        pltpu.sync_copy(z_hbm, acc_sc.at[pl.ds(base, wb)])
        pltpu.sync_copy(src_hbm.at[sid], src_v)
        pltpu.sync_copy(dst_hbm.at[sid], dst_v)
        plsc.subcore_barrier()

        @pl.loop(0, nchunk)
        def _(j):
            @pl.when(cid == 0)
            def _():
                pltpu.sync_copy(ei0_hbm.at[pl.ds(ebase + j * C, C)], vals_v)

            @pl.when(cid == 1)
            def _():
                pltpu.sync_copy(ei1_hbm.at[pl.ds(ebase + j * C, C)], vals_v)

            pltpu.sync_copy(vals_v, acc_sr.at[src_v.at[j]], add=True)
            pltpu.sync_copy(vals_v, acc_sc.at[dst_v.at[j]], add=True)

        plsc.subcore_barrier()
        pltpu.sync_copy(acc_sr.at[pl.ds(base, wb)],
                        sr_out.at[cid, pl.ds(base, wb)])
        pltpu.sync_copy(acc_sc.at[pl.ds(base, wb)],
                        sc_out.at[cid, pl.ds(base, wb)])

    return k1(ei0, ei1, src3d, dst3d, zeros_h)


def _k1b_counts(src3d, dst3d):
    _, nchunk, C = src3d.shape
    wb = ACC_N // SC_SUBCORES
    ones_h = jnp.ones((C, 16), jnp.float32)
    zeros_c = jnp.zeros((wb, 16), jnp.float32)

    @functools.partial(
        pl.kernel,
        out_type=[
            jax.ShapeDtypeStruct((ACC_N, 16), jnp.float32),
            jax.ShapeDtypeStruct((ACC_N, 16), jnp.float32),
        ],
        mesh=_sc_mesh(),
        scratch_types=[
            pltpu.VMEM_SHARED((ACC_N, 16), jnp.float32),
            pltpu.VMEM((C, 16), jnp.float32),
            pltpu.VMEM((nchunk, C), jnp.int32),
        ],
    )
    def k1b(src_hbm, dst_hbm, ones_hbm, zc_hbm, cr_out, cc_out,
            acc_cnt, ones_v, idx_v):
        cid = lax.axis_index("c")
        sid = lax.axis_index("s")
        base = sid * wb
        pltpu.sync_copy(zc_hbm, acc_cnt.at[pl.ds(base, wb)])
        pltpu.sync_copy(ones_hbm, ones_v)

        @pl.when(cid == 0)
        def _():
            pltpu.sync_copy(src_hbm.at[sid], idx_v)

        @pl.when(cid == 1)
        def _():
            pltpu.sync_copy(dst_hbm.at[sid], idx_v)

        plsc.subcore_barrier()

        @pl.loop(0, nchunk)
        def _(j):
            pltpu.sync_copy(ones_v, acc_cnt.at[idx_v.at[j]], add=True)

        plsc.subcore_barrier()

        @pl.when(cid == 0)
        def _():
            pltpu.sync_copy(acc_cnt.at[pl.ds(base, wb)],
                            cr_out.at[pl.ds(base, wb)])

        @pl.when(cid == 1)
        def _():
            pltpu.sync_copy(acc_cnt.at[pl.ds(base, wb)],
                            cc_out.at[pl.ds(base, wb)])

    return k1b(src3d, dst3d, ones_h, zeros_c)


def _k_msg(table, src3d32, dst3d32, passes):
    Ntab, F = table.shape
    Fh = F // 2
    _, nchunk, C = src3d32.shape
    per_tile = nchunk * C
    wb = ACC_N // SC_SUBCORES
    zeros_h = jnp.zeros((wb, Fh), jnp.float32)

    @functools.partial(
        pl.kernel,
        out_type=jax.ShapeDtypeStruct((SC_CORES, passes, ACC_N, Fh),
                                      jnp.float32),
        mesh=_sc_mesh(),
        scratch_types=[
            pltpu.VMEM_SHARED((ACC_N, Fh), jnp.float32),
            pltpu.VMEM((C, F), jnp.float32),
            pltpu.VMEM((C, Fh), jnp.float32),
            pltpu.VMEM((nchunk, C), jnp.int32),
            pltpu.VMEM((nchunk, C), jnp.int32),
        ],
    )
    def kmsg(tab_hbm, src_hbm, dst_hbm, z_hbm, s_out,
             acc, vals_v, half_v, src_v, dst_v):
        cid = lax.axis_index("c")
        sid = lax.axis_index("s")
        wid = cid * SC_SUBCORES + sid
        base = sid * wb
        pltpu.sync_copy(src_hbm.at[wid], src_v)
        pltpu.sync_copy(dst_hbm.at[wid], dst_v)
        for p in range(passes):
            pltpu.sync_copy(z_hbm, acc.at[pl.ds(base, wb)])
            plsc.subcore_barrier()

            @pl.loop(0, nchunk)
            def _(j):
                pltpu.sync_copy(tab_hbm.at[pl.ds(0, C)], vals_v)

                @pl.loop(0, C)
                def _(r):
                    for cc0 in range(Fh // 16):
                        half_v[r, pl.ds(cc0 * 16, 16)] = vals_v[
                            r, pl.ds(p * Fh + cc0 * 16, 16)]

                pltpu.sync_copy(half_v, acc.at[dst_v.at[j]], add=True)

            plsc.subcore_barrier()
            pltpu.sync_copy(acc.at[pl.ds(base, wb)],
                            s_out.at[cid, p, pl.ds(base, wb)])
            plsc.subcore_barrier()

    return kmsg(table, src3d32, dst3d32, zeros_h)


def _k4_pair_gather(AB, src3d32, dst3d32):
    Ntab, F = AB.shape
    _, nchunk, C = src3d32.shape
    E = SC_TILES * nchunk * C
    per_tile = nchunk * C

    @functools.partial(
        pl.kernel,
        out_type=[
            jax.ShapeDtypeStruct((E, F), jnp.float32),
            jax.ShapeDtypeStruct((E, F), jnp.float32),
        ],
        mesh=_sc_mesh(),
        scratch_types=[
            pltpu.VMEM((nchunk, C), jnp.int32),
            pltpu.VMEM((nchunk, C), jnp.int32),
            pltpu.VMEM((C, F), jnp.float32),
            pltpu.VMEM((C, F), jnp.float32),
            pltpu.VMEM((C, F), jnp.float32),
            pltpu.VMEM((C, F), jnp.float32),
        ],
    )
    def k4(ab_hbm, src_hbm, dst_hbm, ga_out, gb_out,
           src_v, dst_v, buf_a0, buf_b0, buf_a1, buf_b1):
        cid = lax.axis_index("c")
        sid = lax.axis_index("s")
        wid = cid * SC_SUBCORES + sid
        ebase = wid * per_tile
        pltpu.sync_copy(src_hbm.at[wid], src_v)
        pltpu.sync_copy(dst_hbm.at[wid], dst_v)

        @pl.loop(0, nchunk // 2)
        def _(jj):
            for k, (ba, bb) in enumerate(((buf_a0, buf_b0),
                                          (buf_a1, buf_b1))):
                j = jj * 2 + k
                pltpu.sync_copy(ab_hbm.at[src_v.at[j]], ba)
                pltpu.sync_copy(ba, ga_out.at[pl.ds(ebase + j * C, C)])
                pltpu.sync_copy(ab_hbm.at[dst_v.at[j]], bb)
                pltpu.sync_copy(bb, gb_out.at[pl.ds(ebase + j * C, C)])

        if nchunk % 2:
            j = nchunk - 1
            pltpu.sync_copy(ab_hbm.at[src_v.at[j]], buf_a0)
            pltpu.sync_copy(buf_a0, ga_out.at[pl.ds(ebase + j * C, C)])
            pltpu.sync_copy(ab_hbm.at[dst_v.at[j]], buf_b0)
            pltpu.sync_copy(buf_b0, gb_out.at[pl.ds(ebase + j * C, C)])

    return k4(AB, src3d32, dst3d32)



def kernel(node_feats, edge_feats, edge_index, W_g1, b_g1, W_g2, b_g2,
           W_ea, b_ea, W_na, b_na, W_nr, b_nr, W_m1, b_m1, W_m2, b_m2):
    src = edge_index[0]
    dst = edge_index[1]
    N, D = node_feats.shape
    H = D // 2
    E = src.shape[0]
    C = EDGE_CHUNK
    nchunk16 = E // (SC_SUBCORES * C)
    nchunk32 = E // (SC_TILES * C)
    src3d = src.reshape(SC_SUBCORES, nchunk16, C)
    dst3d = dst.reshape(SC_SUBCORES, nchunk16, C)
    src3d32 = src.reshape(SC_TILES, nchunk32, C)
    dst3d32 = dst.reshape(SC_TILES, nchunk32, C)

    ei0, ei1, e1 = _t1(edge_feats, W_ea, b_ea, W_m1, b_m1)

    srp, scp = _k1_scatter_stats(ei0, ei1, src3d, dst3d)
    crp, ccp = _k1b_counts(src3d, dst3d)
    agg, dinv, xw1, y1p = _t2a(srp[0, :N], srp[1, :N],
                               scp[0, :N], scp[1, :N],
                               crp[:N, :1], ccp[:N, :1],
                               node_feats, W_g1)

    S1f = jnp.zeros_like(y1p).at[dst].add(y1p[src])
    xw2, y2d = _t2b(S1f, jnp.zeros_like(S1f), dinv, xw1, agg, W_g2, b_g1)

    S2p = _k_msg(y2d, src3d32, dst3d32, 2)
    x, AB = _t2c(jnp.concatenate([S2p[0, 0, :N], S2p[0, 1, :N]], axis=1),
                 jnp.concatenate([S2p[1, 0, :N], S2p[1, 1, :N]], axis=1),
                 dinv, xw2, W_na, b_na,
                 W_nr[:H], W_nr[H:], b_nr, b_g2)

    GAx, GBx = _k4_pair_gather(AB, src3d32, dst3d32)
    e = _t3(e1, GAx, GBx, W_m2, b_m2)
    return (x, e)

# --- scband reference (transcript-rebuilt; emitter-appended) ---
"""Pipeline reference for scband-edge-gcn-29154238005898 (READ-ONLY COPY).

The authoritative reference and input builder live on the scoring server;
editing this copy changes nothing except your own understanding.
"""

import jax, jax.numpy as jnp
import numpy as np

N = 10000
E = 320000
D = 128
H = D // 2


def _scatter_mean(vals, idx, dim_size):
    s = jnp.zeros((dim_size, vals.shape[1]), vals.dtype).at[idx].add(vals)
    c = jnp.zeros((dim_size,), vals.dtype).at[idx].add(1.0)
    c = jnp.clip(c, 1.0, None)
    return s / c[:, None]


def _gcn_conv(x, src, dst, W, b, num_nodes):
    # PyG GCNConv with add_self_loops=True, symmetric normalization, bias
    loop = jnp.arange(num_nodes, dtype=src.dtype)
    s = jnp.concatenate([src, loop])
    d = jnp.concatenate([dst, loop])
    xw = x @ W
    deg = jnp.zeros((num_nodes,), xw.dtype).at[d].add(1.0)
    dinv = jnp.where(deg > 0, deg ** -0.5, 0.0)
    norm = dinv[s] * dinv[d]
    msg = xw[s] * norm[:, None]
    out = jnp.zeros((num_nodes, xw.shape[1]), xw.dtype).at[d].add(msg)
    return out + b


def setup_inputs(seed: int = 0):
    key = jax.random.key(seed)
    ks = jax.random.split(key, 20)

    def lin(k, fan_in, fan_out):
        return jax.random.normal(k, (fan_in, fan_out), jnp.float32) / np.sqrt(fan_in)

    return {
        "node_feats": jax.random.normal(ks[0], (N, D), jnp.float32),
        "edge_feats": jax.random.normal(ks[1], (E, D), jnp.float32),
        "edge_index": jax.random.randint(ks[2], (2, E), 0, N, dtype=jnp.int32),
        "W_g1": lin(ks[3], D, H), "b_g1": jnp.zeros((H,), jnp.float32),
        "W_g2": lin(ks[4], H, D), "b_g2": jnp.zeros((D,), jnp.float32),
        "W_ea": lin(ks[5], D, H), "b_ea": jnp.zeros((H,), jnp.float32),
        "W_na": lin(ks[6], D, H), "b_na": jnp.zeros((H,), jnp.float32),
        "W_nr": lin(ks[7], D, H), "b_nr": jnp.zeros((H,), jnp.float32),
        "W_m1": lin(ks[8], D, H), "b_m1": jnp.zeros((H,), jnp.float32),
        "W_m2": lin(ks[9], H, D), "b_m2": jnp.zeros((D,), jnp.float32),
    }


def reference(node_feats, edge_feats, edge_index, W_g1, b_g1, W_g2, b_g2,
              W_ea, b_ea, W_na, b_na, W_nr, b_nr, W_m1, b_m1, W_m2, b_m2):
    src = edge_index[0]
    dst = edge_index[1]
    num_nodes = node_feats.shape[0]

    # AttnEdgeFlag branch: edge attention -> aggregated edge indicator on nodes
    edge_ind = edge_feats @ W_ea + b_ea                      # [E, H]
    raw_row = _scatter_mean(edge_ind, src, num_nodes)        # [N, H]
    raw_col = _scatter_mean(edge_ind, dst, num_nodes)        # [N, H]
    agg_edge_indicator = jax.nn.sigmoid(raw_row * raw_col)   # [N, H]

    # node branch (dropout is identity in eval mode)
    x = jax.nn.relu(_gcn_conv(node_feats, src, dst, W_g1, b_g1, num_nodes)) * agg_edge_indicator
    x = jax.nn.relu(_gcn_conv(x, src, dst, W_g2, b_g2, num_nodes))  # [N, D]

    # AttnNodeFlag branch: node attention -> per-edge indicator
    node_ind = jax.nn.relu(x @ W_na + b_na)                  # [N, H]
    edge_concat = jnp.concatenate([node_ind[src], node_ind[dst]], axis=-1)  # [E, 2H]
    agg_node_indicator = jax.nn.sigmoid(edge_concat @ W_nr + b_nr)          # [E, H]

    # edge branch (Conv1d with kernel 1 == per-edge linear)
    e = jax.nn.relu(edge_feats @ W_m1 + b_m1)                # [E, H]
    e = e * agg_node_indicator
    e = jax.nn.relu(e @ W_m2 + b_m2)                         # [E, D]

    return (x, e)

if __name__ == "__main__":
    import jax
    _d = setup_inputs()
    print(jax.jit(kernel)(*tuple(_d.values())))

</pallas_src>

<mosaic_0001>
#map = affine_map<(d0, d1) -> (0, 0)>
#map1 = affine_map<(d0, d1) -> (0, 0, 0)>
module attributes {stable_mosaic.version = 14 : i64} {
  func.func @k1(%arg0: i32, %arg1: i32, %arg2: memref<320000x32xf32, #tpu.memory_space<hbm>>, %arg3: memref<320000x32xf32, #tpu.memory_space<hbm>>, %arg4: memref<16x250x80xi32, #tpu.memory_space<hbm>>, %arg5: memref<16x250x80xi32, #tpu.memory_space<hbm>>, %arg6: memref<640x32xf32, #tpu.memory_space<hbm>>, %arg7: memref<2x10240x32xf32, #tpu.memory_space<hbm>>, %arg8: memref<2x10240x32xf32, #tpu.memory_space<hbm>>, %arg9: memref<10240x32xf32, #tpu.memory_space<vmem_shared>>, %arg10: memref<10240x32xf32, #tpu.memory_space<vmem_shared>>, %arg11: memref<250x80xi32, #tpu.memory_space<vmem>>, %arg12: memref<250x80xi32, #tpu.memory_space<vmem>>, %arg13: memref<80x32xf32, #tpu.memory_space<vmem>>) attributes {dimension_semantics = [#tpu.dimension_semantics<core_parallel>, #tpu.dimension_semantics<subcore_parallel>], iteration_bounds = array<i64: 2, 16>, scalar_prefetch = 0 : i64, scratch_operands = 5 : i64, tpu.core_type = #tpu.core_type<sc_vector_subcore>, window_params = [{transform_indices = #map}, {transform_indices = #map}, {transform_indices = #map1}, {transform_indices = #map1}, {transform_indices = #map}, {transform_indices = #map1}, {transform_indices = #map1}]} {
    %mul3A = arith.constant 640 : i32
    %mul3A_0 = arith.muli %arg1, %mul3A : i32
    %mul3A_1 = arith.constant 20000 : i32
    %mul3A_2 = arith.muli %arg1, %mul3A_1 : i32
    "tpu.region"() ({
      %run_scoped3A = tpu.sem_alloc : memref<!tpu.dma_semaphore, #tpu.memory_space<semaphore_mem>>
      %dma_start3A = arith.constant 0 : i32
      %dma_start3A_8 = tpu.memref_slice %arg9[%mul3A_0, %dma_start3A] : memref<10240x32xf32, #tpu.memory_space<vmem_shared>> -> memref<640x32xf32, #tpu.memory_space<vmem_shared>>
      tpu.enqueue_dma source(%arg6 : memref<640x32xf32, #tpu.memory_space<hbm>>) target(%dma_start3A_8 : memref<640x32xf32, #tpu.memory_space<vmem_shared>>) target_semaphore(%run_scoped3A : memref<!tpu.dma_semaphore, #tpu.memory_space<semaphore_mem>>)
      %dma_wait3A = arith.constant 0 : i32
      %dma_wait3A_9 = tpu.memref_slice %arg9[%mul3A_0, %dma_wait3A] : memref<10240x32xf32, #tpu.memory_space<vmem_shared>> -> memref<640x32xf32, #tpu.memory_space<vmem_shared>>
      tpu.wait_dma2 semaphore(%run_scoped3A : memref<!tpu.dma_semaphore, #tpu.memory_space<semaphore_mem>>) src(%arg6 : memref<640x32xf32, #tpu.memory_space<hbm>>) dst(%dma_wait3A_9 : memref<640x32xf32, #tpu.memory_space<vmem_shared>>)
      tpu.yield
    }) : () -> ()
    "tpu.region"() ({
      %run_scoped3A = tpu.sem_alloc : memref<!tpu.dma_semaphore, #tpu.memory_space<semaphore_mem>>
      %dma_start3A = arith.constant 0 : i32
      %dma_start3A_8 = tpu.memref_slice %arg10[%mul3A_0, %dma_start3A] : memref<10240x32xf32, #tpu.memory_space<vmem_shared>> -> memref<640x32xf32, #tpu.memory_space<vmem_shared>>
      tpu.enqueue_dma source(%arg6 : memref<640x32xf32, #tpu.memory_space<hbm>>) target(%dma_start3A_8 : memref<640x32xf32, #tpu.memory_space<vmem_shared>>) target_semaphore(%run_scoped3A : memref<!tpu.dma_semaphore, #tpu.memory_space<semaphore_mem>>)
      %dma_wait3A = arith.constant 0 : i32
      %dma_wait3A_9 = tpu.memref_slice %arg10[%mul3A_0, %dma_wait3A] : memref<10240x32xf32, #tpu.memory_space<vmem_shared>> -> memref<640x32xf32, #tpu.memory_space<vmem_shared>>
      tpu.wait_dma2 semaphore(%run_scoped3A : memref<!tpu.dma_semaphore, #tpu.memory_space<semaphore_mem>>) src(%arg6 : memref<640x32xf32, #tpu.memory_space<hbm>>) dst(%dma_wait3A_9 : memref<640x32xf32, #tpu.memory_space<vmem_shared>>)
      tpu.yield
    }) : () -> ()
    "tpu.region"() ({
      %run_scoped3A = tpu.sem_alloc : memref<!tpu.dma_semaphore, #tpu.memory_space<semaphore_mem>>
      %dma_start3A = arith.constant 0 : i32
      %dma_start3A_8 = arith.constant 0 : i32
      %dma_start3A_9 = tpu.memref_slice %arg4[%arg1, %dma_start3A, %dma_start3A_8] : memref<16x250x80xi32, #tpu.memory_space<hbm>> -> memref<1x250x80xi32, #tpu.memory_space<hbm>>
      %dma_start3A_10 = tpu.memref_squeeze %dma_start3A_9 : memref<1x250x80xi32, #tpu.memory_space<hbm>> -> memref<250x80xi32, #tpu.memory_space<hbm>>
      %dma_start3A_11 = arith.constant 0 : i32
      %dma_start3A_12 = arith.constant 0 : i32
      %dma_start3A_13 = tpu.memref_slice %arg4[%arg1, %dma_start3A_11, %dma_start3A_12] : memref<16x250x80xi32, #tpu.memory_space<hbm>> -> memref<1x250x80xi32, #tpu.memory_space<hbm>>
      %dma_start3A_14 = tpu.memref_squeeze %dma_start3A_13 : memref<1x250x80xi32, #tpu.memory_space<hbm>> -> memref<250x80xi32, #tpu.memory_space<hbm>>
      tpu.enqueue_dma source(%dma_start3A_14 : memref<250x80xi32, #tpu.memory_space<hbm>>) target(%arg11 : memref<250x80xi32, #tpu.memory_space<vmem>>) target_semaphore(%run_scoped3A : memref<!tpu.dma_semaphore, #tpu.memory_space<semaphore_mem>>)
      %dma_wait3A = arith.constant 0 : i32
      %dma_wait3A_15 = arith.constant 0 : i32
      %dma_wait3A_16 = tpu.memref_slice %arg4[%arg1, %dma_wait3A, %dma_wait3A_15] : memref<16x250x80xi32, #tpu.memory_space<hbm>> -> memref<1x250x80xi32, #tpu.memory_space<hbm>>
      %dma_wait3A_17 = tpu.memref_squeeze %dma_wait3A_16 : memref<1x250x80xi32, #tpu.memory_space<hbm>> -> memref<250x80xi32, #tpu.memory_space<hbm>>
      %dma_wait3A_18 = arith.constant 0 : i32
      %dma_wait3A_19 = arith.constant 0 : i32
      %dma_wait3A_20 = tpu.memref_slice %arg4[%arg1, %dma_wait3A_18, %dma_wait3A_19] : memref<16x250x80xi32, #tpu.memory_space<hbm>> -> memref<1x250x80xi32, #tpu.memory_space<hbm>>
      %dma_wait3A_21 = tpu.memref_squeeze %dma_wait3A_20 : memref<1x250x80xi32, #tpu.memory_space<hbm>> -> memref<250x80xi32, #tpu.memory_space<hbm>>
      tpu.wait_dma2 semaphore(%run_scoped3A : memref<!tpu.dma_semaphore, #tpu.memory_space<semaphore_mem>>) src(%dma_wait3A_21 : memref<250x80xi32, #tpu.memory_space<hbm>>) dst(%arg11 : memref<250x80xi32, #tpu.memory_space<vmem>>)
      tpu.yield
    }) : () -> ()
    "tpu.region"() ({
      %run_scoped3A = tpu.sem_alloc : memref<!tpu.dma_semaphore, #tpu.memory_space<semaphore_mem>>
      %dma_start3A = arith.constant 0 : i32
      %dma_start3A_8 = arith.constant 0 : i32
      %dma_start3A_9 = tpu.memref_slice %arg5[%arg1, %dma_start3A, %dma_start3A_8] : memref<16x250x80xi32, #tpu.memory_space<hbm>> -> memref<1x250x80xi32, #tpu.memory_space<hbm>>
      %dma_start3A_10 = tpu.memref_squeeze %dma_start3A_9 : memref<1x250x80xi32, #tpu.memory_space<hbm>> -> memref<250x80xi32, #tpu.memory_space<hbm>>
      %dma_start3A_11 = arith.constant 0 : i32
      %dma_start3A_12 = arith.constant 0 : i32
      %dma_start3A_13 = tpu.memref_slice %arg5[%arg1, %dma_start3A_11, %dma_start3A_12] : memref<16x250x80xi32, #tpu.memory_space<hbm>> -> memref<1x250x80xi32, #tpu.memory_space<hbm>>
      %dma_start3A_14 = tpu.memref_squeeze %dma_start3A_13 : memref<1x250x80xi32, #tpu.memory_space<hbm>> -> memref<250x80xi32, #tpu.memory_space<hbm>>
      tpu.enqueue_dma source(%dma_start3A_14 : memref<250x80xi32, #tpu.memory_space<hbm>>) target(%arg12 : memref<250x80xi32, #tpu.memory_space<vmem>>) target_semaphore(%run_scoped3A : memref<!tpu.dma_semaphore, #tpu.memory_space<semaphore_mem>>)
      %dma_wait3A = arith.constant 0 : i32
      %dma_wait3A_15 = arith.constant 0 : i32
      %dma_wait3A_16 = tpu.memref_slice %arg5[%arg1, %dma_wait3A, %dma_wait3A_15] : memref<16x250x80xi32, #tpu.memory_space<hbm>> -> memref<1x250x80xi32, #tpu.memory_space<hbm>>
      %dma_wait3A_17 = tpu.memref_squeeze %dma_wait3A_16 : memref<1x250x80xi32, #tpu.memory_space<hbm>> -> memref<250x80xi32, #tpu.memory_space<hbm>>
      %dma_wait3A_18 = arith.constant 0 : i32
      %dma_wait3A_19 = arith.constant 0 : i32
      %dma_wait3A_20 = tpu.memref_slice %arg5[%arg1, %dma_wait3A_18, %dma_wait3A_19] : memref<16x250x80xi32, #tpu.memory_space<hbm>> -> memref<1x250x80xi32, #tpu.memory_space<hbm>>
      %dma_wait3A_21 = tpu.memref_squeeze %dma_wait3A_20 : memref<1x250x80xi32, #tpu.memory_space<hbm>> -> memref<250x80xi32, #tpu.memory_space<hbm>>
      tpu.wait_dma2 semaphore(%run_scoped3A : memref<!tpu.dma_semaphore, #tpu.memory_space<semaphore_mem>>) src(%dma_wait3A_21 : memref<250x80xi32, #tpu.memory_space<hbm>>) dst(%arg12 : memref<250x80xi32, #tpu.memory_space<vmem>>)
      tpu.yield
    }) : () -> ()
    %barrier3A = arith.constant 0 : index
    tpu.barrier barrier_id(%barrier3A)
    %scan3A = arith.constant 0 : i32
    %scan3A_3 = arith.constant 250 : i32
    %scan3A_4 = arith.addi %scan3A, %scan3A_3 : i32
    %scan3A_5 = arith.constant 1 : i32
    scf.for %scan3A_8 = %scan3A to %scan3A_4 step %scan3A_5  : i32 {
      %mul3A_9 = arith.constant 1 : i32
      %mul3A_10 = arith.muli %scan3A_8, %mul3A_9 : i32
      %add3A = arith.constant 0 : i32
      %add3A_11 = arith.addi %add3A, %mul3A_10 : i32
      %eq3A = arith.constant 0 : i32
      %eq3A_12 = arith.cmpi eq, %arg0, %eq3A : i32
      %convert_element_type3A = arith.extui %eq3A_12 : i1 to i32
      %cond3A = arith.constant 0 : i32
      %cond3A_13 = arith.cmpi ne, %convert_element_type3A, %cond3A : i32
      scf.if %cond3A_13 {
        %mul3A_19 = arith.constant 80 : i32
        %mul3A_20 = arith.muli %add3A_11, %mul3A_19 : i32
        %add3A_21 = arith.addi %mul3A_2, %mul3A_20 : i32
        "tpu.region"() ({
          %run_scoped3A = tpu.sem_alloc : memref<!tpu.dma_semaphore, #tpu.memory_space<semaphore_mem>>
          %dma_start3A = arith.constant 0 : i32
          %dma_start3A_22 = tpu.memref_slice %arg2[%add3A_21, %dma_start3A] : memref<320000x32xf32, #tpu.memory_space<hbm>> -> memref<80x32xf32, #tpu.memory_space<hbm>>
          %dma_start3A_23 = arith.constant 0 : i32
          %dma_start3A_24 = tpu.memref_slice %arg2[%add3A_21, %dma_start3A_23] : memref<320000x32xf32, #tpu.memory_space<hbm>> -> memref<80x32xf32, #tpu.memory_space<hbm>>
          tpu.enqueue_dma source(%dma_start3A_24 : memref<80x32xf32, #tpu.memory_space<hbm>>) target(%arg13 : memref<80x32xf32, #tpu.memory_space<vmem>>) target_semaphore(%run_scoped3A : memref<!tpu.dma_semaphore, #tpu.memory_space<semaphore_mem>>)
          %dma_wait3A = arith.constant 0 : i32
          %dma_wait3A_25 = tpu.memref_slice %arg2[%add3A_21, %dma_wait3A] : memref<320000x32xf32, #tpu.memory_space<hbm>> -> memref<80x32xf32, #tpu.memory_space<hbm>>
          %dma_wait3A_26 = arith.constant 0 : i32
          %dma_wait3A_27 = tpu.memref_slice %arg2[%add3A_21, %dma_wait3A_26] : memref<320000x32xf32, #tpu.memory_space<hbm>> -> memref<80x32xf32, #tpu.memory_space<hbm>>
          tpu.wait_dma2 semaphore(%run_scoped3A : memref<!tpu.dma_semaphore, #tpu.memory_space<semaphore_mem>>) src(%dma_wait3A_27 : memref<80x32xf32, #tpu.memory_space<hbm>>) dst(%arg13 : memref<80x32xf32, #tpu.memory_space<vmem>>)
          tpu.yield
        }) : () -> ()
      } else {
      }
      %eq3A_14 = arith.constant 1 : i32
      %eq3A_15 = arith.cmpi eq, %arg0, %eq3A_14 : i32
      %convert_element_type3A_16 = arith.extui %eq3A_15 : i1 to i32
      %cond3A_17 = arith.constant 0 : i32
      %cond3A_18 = arith.cmpi ne, %convert_element_type3A_16, %cond3A_17 : i32
      scf.if %cond3A_18 {
        %mul3A_19 = arith.constant 80 : i32
        %mul3A_20 = arith.muli %add3A_11, %mul3A_19 : i32
        %add3A_21 = arith.addi %mul3A_2, %mul3A_20 : i32
        "tpu.region"() ({
          %run_scoped3A = tpu.sem_alloc : memref<!tpu.dma_semaphore, #tpu.memory_space<semaphore_mem>>
          %dma_start3A = arith.constant 0 : i32
          %dma_start3A_22 = tpu.memref_slice %arg3[%add3A_21, %dma_start3A] : memref<320000x32xf32, #tpu.memory_space<hbm>> -> memref<80x32xf32, #tpu.memory_space<hbm>>
          %dma_start3A_23 = arith.constant 0 : i32
          %dma_start3A_24 = tpu.memref_slice %arg3[%add3A_21, %dma_start3A_23] : memref<320000x32xf32, #tpu.memory_space<hbm>> -> memref<80x32xf32, #tpu.memory_space<hbm>>
          tpu.enqueue_dma source(%dma_start3A_24 : memref<80x32xf32, #tpu.memory_space<hbm>>) target(%arg13 : memref<80x32xf32, #tpu.memory_space<vmem>>) target_semaphore(%run_scoped3A : memref<!tpu.dma_semaphore, #tpu.memory_space<semaphore_mem>>)
          %dma_wait3A = arith.constant 0 : i32
          %dma_wait3A_25 = tpu.memref_slice %arg3[%add3A_21, %dma_wait3A] : memref<320000x32xf32, #tpu.memory_space<hbm>> -> memref<80x32xf32, #tpu.memory_space<hbm>>
          %dma_wait3A_26 = arith.constant 0 : i32
          %dma_wait3A_27 = tpu.memref_slice %arg3[%add3A_21, %dma_wait3A_26] : memref<320000x32xf32, #tpu.memory_space<hbm>> -> memref<80x32xf32, #tpu.memory_space<hbm>>
          tpu.wait_dma2 semaphore(%run_scoped3A : memref<!tpu.dma_semaphore, #tpu.memory_space<semaphore_mem>>) src(%dma_wait3A_27 : memref<80x32xf32, #tpu.memory_space<hbm>>) dst(%arg13 : memref<80x32xf32, #tpu.memory_space<vmem>>)
          tpu.yield
        }) : () -> ()
      } else {
      }
      "tpu.region"() ({
        %run_scoped3A = tpu.sem_alloc : memref<!tpu.dma_semaphore, #tpu.memory_space<semaphore_mem>>
        %dma_start3A = arith.constant 0 : i32
        %dma_start3A_19 = tpu.memref_slice %arg11[%add3A_11, %dma_start3A] : memref<250x80xi32, #tpu.memory_space<vmem>> -> memref<1x80xi32, #tpu.memory_space<vmem>>
        %dma_start3A_20 = tpu.memref_squeeze %dma_start3A_19 : memref<1x80xi32, #tpu.memory_space<vmem>> -> memref<80xi32, #tpu.memory_space<vmem>>
        %dma_start3A_21 = arith.constant 0 : i32
        %dma_start3A_22 = arith.constant 0 : i32
        %dma_start3A_23 = tpu.memref_slice %arg9[%dma_start3A_21, %dma_start3A_22] : memref<10240x32xf32, #tpu.memory_space<vmem_shared>> -> memref<10240x32xf32, #tpu.memory_space<vmem_shared>>
        tpu.enqueue_indirect_dma source(%arg13 : memref<80x32xf32, #tpu.memory_space<vmem>>) target(%dma_start3A_23 : memref<10240x32xf32, #tpu.memory_space<vmem_shared>>) offsets(%dma_start3A_20 : memref<80xi32, #tpu.memory_space<vmem>>) semaphore(%run_scoped3A : memref<!tpu.dma_semaphore, #tpu.memory_space<semaphore_mem>>) {add = true}
        %dma_wait3A = arith.constant 0 : i32
        %dma_wait3A_24 = tpu.memref_slice %arg11[%add3A_11, %dma_wait3A] : memref<250x80xi32, #tpu.memory_space<vmem>> -> memref<1x80xi32, #tpu.memory_space<vmem>>
        %dma_wait3A_25 = tpu.memref_squeeze %dma_wait3A_24 : memref<1x80xi32, #tpu.memory_space<vmem>> -> memref<80xi32, #tpu.memory_space<vmem>>
        %dma_wait3A_26 = arith.constant 0 : i32
        %dma_wait3A_27 = arith.constant 0 : i32
        %dma_wait3A_28 = tpu.memref_slice %arg9[%dma_wait3A_26, %dma_wait3A_27] : memref<10240x32xf32, #tpu.memory_space<vmem_shared>> -> memref<10240x32xf32, #tpu.memory_space<vmem_shared>>
        tpu.wait_indirect_dma semaphore(%run_scoped3A : memref<!tpu.dma_semaphore, #tpu.memory_space<semaphore_mem>>) src(%arg13 : memref<80x32xf32, #tpu.memory_space<vmem>>) dst(%dma_wait3A_28 : memref<10240x32xf32, #tpu.memory_space<vmem_shared>>)
        tpu.yield
      }) : () -> ()
      "tpu.region"() ({
        %run_scoped3A = tpu.sem_alloc : memref<!tpu.dma_semaphore, #tpu.memory_space<semaphore_mem>>
        %dma_start3A = arith.constant 0 : i32
        %dma_start3A_19 = tpu.memref_slice %arg12[%add3A_11, %dma_start3A] : memref<250x80xi32, #tpu.memory_space<vmem>> -> memref<1x80xi32, #tpu.memory_space<vmem>>
        %dma_start3A_20 = tpu.memref_squeeze %dma_start3A_19 : memref<1x80xi32, #tpu.memory_space<vmem>> -> memref<80xi32, #tpu.memory_space<vmem>>
        %dma_start3A_21 = arith.constant 0 : i32
        %dma_start3A_22 = arith.constant 0 : i32
        %dma_start3A_23 = tpu.memref_slice %arg10[%dma_start3A_21, %dma_start3A_22] : memref<10240x32xf32, #tpu.memory_space<vmem_shared>> -> memref<10240x32xf32, #tpu.memory_space<vmem_shared>>
        tpu.enqueue_indirect_dma source(%arg13 : memref<80x32xf32, #tpu.memory_space<vmem>>) target(%dma_start3A_23 : memref<10240x32xf32, #tpu.memory_space<vmem_shared>>) offsets(%dma_start3A_20 : memref<80xi32, #tpu.memory_space<vmem>>) semaphore(%run_scoped3A : memref<!tpu.dma_semaphore, #tpu.memory_space<semaphore_mem>>) {add = true}
        %dma_wait3A = arith.constant 0 : i32
        %dma_wait3A_24 = tpu.memref_slice %arg12[%add3A_11, %dma_wait3A] : memref<250x80xi32, #tpu.memory_space<vmem>> -> memref<1x80xi32, #tpu.memory_space<vmem>>
        %dma_wait3A_25 = tpu.memref_squeeze %dma_wait3A_24 : memref<1x80xi32, #tpu.memory_space<vmem>> -> memref<80xi32, #tpu.memory_space<vmem>>
        %dma_wait3A_26 = arith.constant 0 : i32
        %dma_wait3A_27 = arith.constant 0 : i32
        %dma_wait3A_28 = tpu.memref_slice %arg10[%dma_wait3A_26, %dma_wait3A_27] : memref<10240x32xf32, #tpu.memory_space<vmem_shared>> -> memref<10240x32xf32, #tpu.memory_space<vmem_shared>>
        tpu.wait_indirect_dma semaphore(%run_scoped3A : memref<!tpu.dma_semaphore, #tpu.memory_space<semaphore_mem>>) src(%arg13 : memref<80x32xf32, #tpu.memory_space<vmem>>) dst(%dma_wait3A_28 : memref<10240x32xf32, #tpu.memory_space<vmem_shared>>)
        tpu.yield
      }) : () -> ()
    }
    %scan3A_6 = arith.constant 250 : i32
    %barrier3A_7 = arith.constant 0 : index
    tpu.barrier barrier_id(%barrier3A_7)
    "tpu.region"() ({
      %run_scoped3A = tpu.sem_alloc : memref<!tpu.dma_semaphore, #tpu.memory_space<semaphore_mem>>
      %dma_start3A = arith.constant 0 : i32
      %dma_start3A_8 = tpu.memref_slice %arg7[%arg0, %mul3A_0, %dma_start3A] : memref<2x10240x32xf32, #tpu.memory_space<hbm>> -> memref<1x640x32xf32, #tpu.memory_space<hbm>>
      %dma_start3A_9 = tpu.memref_squeeze %dma_start3A_8 : memref<1x640x32xf32, #tpu.memory_space<hbm>> -> memref<640x32xf32, #tpu.memory_space<hbm>>
      %dma_start3A_10 = arith.constant 0 : i32
      %dma_start3A_11 = tpu.memref_slice %arg9[%mul3A_0, %dma_start3A_10] : memref<10240x32xf32, #tpu.memory_space<vmem_shared>> -> memref<640x32xf32, #tpu.memory_space<vmem_shared>>
      tpu.enqueue_dma source(%dma_start3A_11 : memref<640x32xf32, #tpu.memory_space<vmem_shared>>) target(%dma_start3A_9 : memref<640x32xf32, #tpu.memory_space<hbm>>) target_semaphore(%run_scoped3A : memref<!tpu.dma_semaphore, #tpu.memory_space<semaphore_mem>>)
      %dma_wait3A = arith.constant 0 : i32
      %dma_wait3A_12 = tpu.memref_slice %arg7[%arg0, %mul3A_0, %dma_wait3A] : memref<2x10240x32xf32, #tpu.memory_space<hbm>> -> memref<1x640x32xf32, #tpu.memory_space<hbm>>
      %dma_wait3A_13 = tpu.memref_squeeze %dma_wait3A_12 : memref<1x640x32xf32, #tpu.memory_space<hbm>> -> memref<640x32xf32, #tpu.memory_space<hbm>>
      %dma_wait3A_14 = arith.constant 0 : i32
      %dma_wait3A_15 = tpu.memref_slice %arg9[%mul3A_0, %dma_wait3A_14] : memref<10240x32xf32, #tpu.memory_space<vmem_shared>> -> memref<640x32xf32, #tpu.memory_space<vmem_shared>>
      tpu.wait_dma2 semaphore(%run_scoped3A : memref<!tpu.dma_semaphore, #tpu.memory_space<semaphore_mem>>) src(%dma_wait3A_15 : memref<640x32xf32, #tpu.memory_space<vmem_shared>>) dst(%dma_wait3A_13 : memref<640x32xf32, #tpu.memory_space<hbm>>)
      tpu.yield
    }) : () -> ()
    "tpu.region"() ({
      %run_scoped3A = tpu.sem_alloc : memref<!tpu.dma_semaphore, #tpu.memory_space<semaphore_mem>>
      %dma_start3A = arith.constant 0 : i32
      %dma_start3A_8 = tpu.memref_slice %arg8[%arg0, %mul3A_0, %dma_start3A] : memref<2x10240x32xf32, #tpu.memory_space<hbm>> -> memref<1x640x32xf32, #tpu.memory_space<hbm>>
      %dma_start3A_9 = tpu.memref_squeeze %dma_start3A_8 : memref<1x640x32xf32, #tpu.memory_space<hbm>> -> memref<640x32xf32, #tpu.memory_space<hbm>>
      %dma_start3A_10 = arith.constant 0 : i32
      %dma_start3A_11 = tpu.memref_slice %arg10[%mul3A_0, %dma_start3A_10] : memref<10240x32xf32, #tpu.memory_space<vmem_shared>> -> memref<640x32xf32, #tpu.memory_space<vmem_shared>>
      tpu.enqueue_dma source(%dma_start3A_11 : memref<640x32xf32, #tpu.memory_space<vmem_shared>>) target(%dma_start3A_9 : memref<640x32xf32, #tpu.memory_space<hbm>>) target_semaphore(%run_scoped3A : memref<!tpu.dma_semaphore, #tpu.memory_space<semaphore_mem>>)
      %dma_wait3A = arith.constant 0 : i32
      %dma_wait3A_12 = tpu.memref_slice %arg8[%arg0, %mul3A_0, %dma_wait3A] : memref<2x10240x32xf32, #tpu.memory_space<hbm>> -> memref<1x640x32xf32, #tpu.memory_space<hbm>>
      %dma_wait3A_13 = tpu.memref_squeeze %dma_wait3A_12 : memref<1x640x32xf32, #tpu.memory_space<hbm>> -> memref<640x32xf32, #tpu.memory_space<hbm>>
      %dma_wait3A_14 = arith.constant 0 : i32
      %dma_wait3A_15 = tpu.memref_slice %arg10[%mul3A_0, %dma_wait3A_14] : memref<10240x32xf32, #tpu.memory_space<vmem_shared>> -> memref<640x32xf32, #tpu.memory_space<vmem_shared>>
      tpu.wait_dma2 semaphore(%run_scoped3A : memref<!tpu.dma_semaphore, #tpu.memory_space<semaphore_mem>>) src(%dma_wait3A_15 : memref<640x32xf32, #tpu.memory_space<vmem_shared>>) dst(%dma_wait3A_13 : memref<640x32xf32, #tpu.memory_space<hbm>>)
      tpu.yield
    }) : () -> ()
    return
  }
}

#map = affine_map<(d0, d1) -> (0, 0)>
#map1 = affine_map<(d0, d1) -> (0, 0, 0)>
#map2 = affine_map<(d0, d1) -> (0, 0, 0, 0)>
module attributes {stable_mosaic.version = 14 : i64} {
  func.func @kmsg(%arg0: i32, %arg1: i32, %arg2: memref<10000x128xf32, #tpu.memory_space<hbm>>, %arg3: memref<32x125x80xi32, #tpu.memory_space<hbm>>, %arg4: memref<32x125x80xi32, #tpu.memory_space<hbm>>, %arg5: memref<640x64xf32, #tpu.memory_space<hbm>>, %arg6: memref<2x2x10240x64xf32, #tpu.memory_space<hbm>>, %arg7: memref<10240x64xf32, #tpu.memory_space<vmem_shared>>, %arg8: memref<80x128xf32, #tpu.memory_space<vmem>>, %arg9: memref<80x64xf32, #tpu.memory_space<vmem>>, %arg10: memref<125x80xi32, #tpu.memory_space<vmem>>, %arg11: memref<125x80xi32, #tpu.memory_space<vmem>>) attributes {dimension_semantics = [#tpu.dimension_semantics<core_parallel>, #tpu.dimension_semantics<subcore_parallel>], iteration_bounds = array<i64: 2, 16>, scalar_prefetch = 0 : i64, scratch_operands = 5 : i64, tpu.core_type = #tpu.core_type<sc_vector_subcore>, window_params = [{transform_indices = #map}, {transform_indices = #map1}, {transform_indices = #map1}, {transform_indices = #map}, {transform_indices = #map2}]} {
    %mul3A = arith.constant 16 : i32
    %mul3A_0 = arith.muli %arg0, %mul3A : i32
    %add3A = arith.addi %mul3A_0, %arg1 : i32
    %mul3A_1 = arith.constant 640 : i32
    %mul3A_2 = arith.muli %arg1, %mul3A_1 : i32
    "tpu.region"() ({
      %run_scoped3A_18 = tpu.sem_alloc : memref<!tpu.dma_semaphore, #tpu.memory_space<semaphore_mem>>
      %dma_start3A = arith.constant 0 : i32
      %dma_start3A_19 = arith.constant 0 : i32
      %dma_start3A_20 = tpu.memref_slice %arg3[%add3A, %dma_start3A, %dma_start3A_19] : memref<32x125x80xi32, #tpu.memory_space<hbm>> -> memref<1x125x80xi32, #tpu.memory_space<hbm>>
      %dma_start3A_21 = tpu.memref_squeeze %dma_start3A_20 : memref<1x125x80xi32, #tpu.memory_space<hbm>> -> memref<125x80xi32, #tpu.memory_space<hbm>>
      %dma_start3A_22 = arith.constant 0 : i32
      %dma_start3A_23 = arith.constant 0 : i32
      %dma_start3A_24 = tpu.memref_slice %arg3[%add3A, %dma_start3A_22, %dma_start3A_23] : memref<32x125x80xi32, #tpu.memory_space<hbm>> -> memref<1x125x80xi32, #tpu.memory_space<hbm>>
      %dma_start3A_25 = tpu.memref_squeeze %dma_start3A_24 : memref<1x125x80xi32, #tpu.memory_space<hbm>> -> memref<125x80xi32, #tpu.memory_space<hbm>>
      tpu.enqueue_dma source(%dma_start3A_25 : memref<125x80xi32, #tpu.memory_space<hbm>>) target(%arg10 : memref<125x80xi32, #tpu.memory_space<vmem>>) target_semaphore(%run_scoped3A_18 : memref<!tpu.dma_semaphore, #tpu.memory_space<semaphore_mem>>)
      %dma_wait3A = arith.constant 0 : i32
      %dma_wait3A_26 = arith.constant 0 : i32
      %dma_wait3A_27 = tpu.memref_slice %arg3[%add3A, %dma_wait3A, %dma_wait3A_26] : memref<32x125x80xi32, #tpu.memory_space<hbm>> -> memref<1x125x80xi32, #tpu.memory_space<hbm>>
      %dma_wait3A_28 = tpu.memref_squeeze %dma_wait3A_27 : memref<1x125x80xi32, #tpu.memory_space<hbm>> -> memref<125x80xi32, #tpu.memory_space<hbm>>
      %dma_wait3A_29 = arith.constant 0 : i32
      %dma_wait3A_30 = arith.constant 0 : i32
      %dma_wait3A_31 = tpu.memref_slice %arg3[%add3A, %dma_wait3A_29, %dma_wait3A_30] : memref<32x125x80xi32, #tpu.memory_space<hbm>> -> memref<1x125x80xi32, #tpu.memory_space<hbm>>
      %dma_wait3A_32 = tpu.memref_squeeze %dma_wait3A_31 : memref<1x125x80xi32, #tpu.memory_space<hbm>> -> memref<125x80xi32, #tpu.memory_space<hbm>>
      tpu.wait_dma2 semaphore(%run_scoped3A_18 : memref<!tpu.dma_semaphore, #tpu.memory_space<semaphore_mem>>) src(%dma_wait3A_32 : memref<125x80xi32, #tpu.memory_space<hbm>>) dst(%arg10 : memref<125x80xi32, #tpu.memory_space<vmem>>)
      tpu.yield
    }) : () -> ()
    "tpu.region"() ({
      %run_scoped3A_18 = tpu.sem_alloc : memref<!tpu.dma_semaphore, #tpu.memory_space<semaphore_mem>>
      %dma_start3A = arith.constant 0 : i32
      %dma_start3A_19 = arith.constant 0 : i32
      %dma_start3A_20 = tpu.memref_slice %arg4[%add3A, %dma_start3A, %dma_start3A_19] : memref<32x125x80xi32, #tpu.memory_space<hbm>> -> memref<1x125x80xi32, #tpu.memory_space<hbm>>
      %dma_start3A_21 = tpu.memref_squeeze %dma_start3A_20 : memref<1x125x80xi32, #tpu.memory_space<hbm>> -> memref<125x80xi32, #tpu.memory_space<hbm>>
      %dma_start3A_22 = arith.constant 0 : i32
      %dma_start3A_23 = arith.constant 0 : i32
      %dma_start3A_24 = tpu.memref_slice %arg4[%add3A, %dma_start3A_22, %dma_start3A_23] : memref<32x125x80xi32, #tpu.memory_space<hbm>> -> memref<1x125x80xi32, #tpu.memory_space<hbm>>
      %dma_start3A_25 = tpu.memref_squeeze %dma_start3A_24 : memref<1x125x80xi32, #tpu.memory_space<hbm>> -> memref<125x80xi32, #tpu.memory_space<hbm>>
      tpu.enqueue_dma source(%dma_start3A_25 : memref<125x80xi32, #tpu.memory_space<hbm>>) target(%arg11 : memref<125x80xi32, #tpu.memory_space<vmem>>) target_semaphore(%run_scoped3A_18 : memref<!tpu.dma_semaphore, #tpu.memory_space<semaphore_mem>>)
      %dma_wait3A = arith.constant 0 : i32
      %dma_wait3A_26 = arith.constant 0 : i32
      %dma_wait3A_27 = tpu.memref_slice %arg4[%add3A, %dma_wait3A, %dma_wait3A_26] : memref<32x125x80xi32, #tpu.memory_space<hbm>> -> memref<1x125x80xi32, #tpu.memory_space<hbm>>
      %dma_wait3A_28 = tpu.memref_squeeze %dma_wait3A_27 : memref<1x125x80xi32, #tpu.memory_space<hbm>> -> memref<125x80xi32, #tpu.memory_space<hbm>>
      %dma_wait3A_29 = arith.constant 0 : i32
      %dma_wait3A_30 = arith.constant 0 : i32
      %dma_wait3A_31 = tpu.memref_slice %arg4[%add3A, %dma_wait3A_29, %dma_wait3A_30] : memref<32x125x80xi32, #tpu.memory_space<hbm>> -> memref<1x125x80xi32, #tpu.memory_space<hbm>>
      %dma_wait3A_32 = tpu.memref_squeeze %dma_wait3A_31 : memref<1x125x80xi32, #tpu.memory_space<hbm>> -> memref<125x80xi32, #tpu.memory_space<hbm>>
      tpu.wait_dma2 semaphore(%run_scoped3A_18 : memref<!tpu.dma_semaphore, #tpu.memory_space<semaphore_mem>>) src(%dma_wait3A_32 : memref<125x80xi32, #tpu.memory_space<hbm>>) dst(%arg11 : memref<125x80xi32, #tpu.memory_space<vmem>>)
      tpu.yield
    }) : () -> ()
    "tpu.region"() ({
      %run_scoped3A_18 = tpu.sem_alloc : memref<!tpu.dma_semaphore, #tpu.memory_space<semaphore_mem>>
      %dma_start3A = arith.constant 0 : i32
      %dma_start3A_19 = tpu.memref_slice %arg7[%mul3A_2, %dma_start3A] : memref<10240x64xf32, #tpu.memory_space<vmem_shared>> -> memref<640x64xf32, #tpu.memory_space<vmem_shared>>
      tpu.enqueue_dma source(%arg5 : memref<640x64xf32, #tpu.memory_space<hbm>>) target(%dma_start3A_19 : memref<640x64xf32, #tpu.memory_space<vmem_shared>>) target_semaphore(%run_scoped3A_18 : memref<!tpu.dma_semaphore, #tpu.memory_space<semaphore_mem>>)
      %dma_wait3A = arith.constant 0 : i32
      %dma_wait3A_20 = tpu.memref_slice %arg7[%mul3A_2, %dma_wait3A] : memref<10240x64xf32, #tpu.memory_space<vmem_shared>> -> memref<640x64xf32, #tpu.memory_space<vmem_shared>>
      tpu.wait_dma2 semaphore(%run_scoped3A_18 : memref<!tpu.dma_semaphore, #tpu.memory_space<semaphore_mem>>) src(%arg5 : memref<640x64xf32, #tpu.memory_space<hbm>>) dst(%dma_wait3A_20 : memref<640x64xf32, #tpu.memory_space<vmem_shared>>)
      tpu.yield
    }) : () -> ()
    %barrier3A = arith.constant 0 : index
    tpu.barrier barrier_id(%barrier3A)
    %scan3A = arith.constant 0 : i32
    %scan3A_3 = arith.constant 125 : i32
    %scan3A_4 = arith.addi %scan3A, %scan3A_3 : i32
    %scan3A_5 = arith.constant 1 : i32
    scf.for %scan3A_18 = %scan3A to %scan3A_4 step %scan3A_5  : i32 {
      %mul3A_19 = arith.constant 1 : i32
      %mul3A_20 = arith.muli %scan3A_18, %mul3A_19 : i32
      %add3A_21 = arith.constant 0 : i32
      %add3A_22 = arith.addi %add3A_21, %mul3A_20 : i32
      "tpu.region"() ({
        %run_scoped3A_28 = tpu.sem_alloc : memref<!tpu.dma_semaphore, #tpu.memory_space<semaphore_mem>>
        %dma_start3A = arith.constant 0 : i32
        %dma_start3A_29 = arith.constant 0 : i32
        %dma_start3A_30 = tpu.memref_slice %arg2[%dma_start3A, %dma_start3A_29] : memref<10000x128xf32, #tpu.memory_space<hbm>> -> memref<80x128xf32, #tpu.memory_space<hbm>>
        %dma_start3A_31 = arith.constant 0 : i32
        %dma_start3A_32 = arith.constant 0 : i32
        %dma_start3A_33 = tpu.memref_slice %arg2[%dma_start3A_31, %dma_start3A_32] : memref<10000x128xf32, #tpu.memory_space<hbm>> -> memref<80x128xf32, #tpu.memory_space<hbm>>
        tpu.enqueue_dma source(%dma_start3A_33 : memref<80x128xf32, #tpu.memory_space<hbm>>) target(%arg8 : memref<80x128xf32, #tpu.memory_space<vmem>>) target_semaphore(%run_scoped3A_28 : memref<!tpu.dma_semaphore, #tpu.memory_space<semaphore_mem>>)
        %dma_wait3A = arith.constant 0 : i32
        %dma_wait3A_34 = arith.constant 0 : i32
        %dma_wait3A_35 = tpu.memref_slice %arg2[%dma_wait3A, %dma_wait3A_34] : memref<10000x128xf32, #tpu.memory_space<hbm>> -> memref<80x128xf32, #tpu.memory_space<hbm>>
        %dma_wait3A_36 = arith.constant 0 : i32
        %dma_wait3A_37 = arith.constant 0 : i32
        %dma_wait3A_38 = tpu.memref_slice %arg2[%dma_wait3A_36, %dma_wait3A_37] : memref<10000x128xf32, #tpu.memory_space<hbm>> -> memref<80x128xf32, #tpu.memory_space<hbm>>
        tpu.wait_dma2 semaphore(%run_scoped3A_28 : memref<!tpu.dma_semaphore, #tpu.memory_space<semaphore_mem>>) src(%dma_wait3A_38 : memref<80x128xf32, #tpu.memory_space<hbm>>) dst(%arg8 : memref<80x128xf32, #tpu.memory_space<vmem>>)
        tpu.yield
      }) : () -> ()
      %scan3A_23 = arith.constant 0 : i32
      %scan3A_24 = arith.constant 80 : i32
      %scan3A_25 = arith.addi %scan3A_23, %scan3A_24 : i32
      %scan3A_26 = arith.constant 1 : i32
      scf.for %scan3A_28 = %scan3A_23 to %scan3A_25 step %scan3A_26  : i32 {
        %mul3A_29 = arith.constant 1 : i32
        %mul3A_30 = arith.muli %scan3A_28, %mul3A_29 : i32
        %add3A_31 = arith.constant 0 : i32
        %add3A_32 = arith.addi %add3A_31, %mul3A_30 : i32
        %get3A = arith.index_cast %add3A_32 : i32 to index
        %get3A_33 = arith.constant 0 : index
        %get3A_34 = tpu.vector_load %arg8[%get3A, %get3A_33] {strides = array<i32>} : memref<80x128xf32, #tpu.memory_space<vmem>>, vector<1x16xf32>,
        %get3A_35 = vector.shape_cast %get3A_34 : vector<1x16xf32> to vector<16xf32>
        %swap3A = arith.index_cast %add3A_32 : i32 to index
        %swap3A_36 = arith.constant 0 : index
        %swap3A_37 = tpu.vector_load %arg9[%swap3A, %swap3A_36] {strides = array<i32>} : memref<80x64xf32, #tpu.memory_space<vmem>>, vector<1x16xf32>,
        %swap3A_38 = vector.shape_cast %swap3A_37 : vector<1x16xf32> to vector<16xf32>
        %swap3A_39 = vector.shape_cast %get3A_35 : vector<16xf32> to vector<1x16xf32>
        tpu.vector_store %arg9[%swap3A, %swap3A_36], %swap3A_39 {strides = array<i32>} : memref<80x64xf32, #tpu.memory_space<vmem>>, vector<1x16xf32>,
        %get3A_40 = arith.index_cast %add3A_32 : i32 to index
        %get3A_41 = arith.constant 16 : index
        %get3A_42 = tpu.vector_load %arg8[%get3A_40, %get3A_41] {strides = array<i32>} : memref<80x128xf32, #tpu.memory_space<vmem>>, vector<1x16xf32>,
        %get3A_43 = vector.shape_cast %get3A_42 : vector<1x16xf32> to vector<16xf32>
        %swap3A_44 = arith.index_cast %add3A_32 : i32 to index
        %swap3A_45 = arith.constant 16 : index
        %swap3A_46 = tpu.vector_load %arg9[%swap3A_44, %swap3A_45] {strides = array<i32>} : memref<80x64xf32, #tpu.memory_space<vmem>>, vector<1x16xf32>,
        %swap3A_47 = vector.shape_cast %swap3A_46 : vector<1x16xf32> to vector<16xf32>
        %swap3A_48 = vector.shape_cast %get3A_43 : vector<16xf32> to vector<1x16xf32>
        tpu.vector_store %arg9[%swap3A_44, %swap3A_45], %swap3A_48 {strides = array<i32>} : memref<80x64xf32, #tpu.memory_space<vmem>>, vector<1x16xf32>,
        %get3A_49 = arith.index_cast %add3A_32 : i32 to index
        %get3A_50 = arith.constant 32 : index
        %get3A_51 = tpu.vector_load %arg8[%get3A_49, %get3A_50] {strides = array<i32>} : memref<80x128xf32, #tpu.memory_space<vmem>>, vector<1x16xf32>,
        %get3A_52 = vector.shape_cast %get3A_51 : vector<1x16xf32> to vector<16xf32>
        %swap3A_53 = arith.index_cast %add3A_32 : i32 to index
        %swap3A_54 = arith.constant 32 : index
        %swap3A_55 = tpu.vector_load %arg9[%swap3A_53, %swap3A_54] {strides = array<i32>} : memref<80x64xf32, #tpu.memory_space<vmem>>, vector<1x16xf32>,
        %swap3A_56 = vector.shape_cast %swap3A_55 : vector<1x16xf32> to vector<16xf32>
        %swap3A_57 = vector.shape_cast %get3A_52 : vector<16xf32> to vector<1x16xf32>
        tpu.vector_store %arg9[%swap3A_53, %swap3A_54], %swap3A_57 {strides = array<i32>} : memref<80x64xf32, #tpu.memory_space<vmem>>, vector<1x16xf32>,
        %get3A_58 = arith.index_cast %add3A_32 : i32 to index
        %get3A_59 = arith.constant 48 : index
        %get3A_60 = tpu.vector_load %arg8[%get3A_58, %get3A_59] {strides = array<i32>} : memref<80x128xf32, #tpu.memory_space<vmem>>, vector<1x16xf32>,
        %get3A_61 = vector.shape_cast %get3A_60 : vector<1x16xf32> to vector<16xf32>
        %swap3A_62 = arith.index_cast %add3A_32 : i32 to index
        %swap3A_63 = arith.constant 48 : index
        %swap3A_64 = tpu.vector_load %arg9[%swap3A_62, %swap3A_63] {strides = array<i32>} : memref<80x64xf32, #tpu.memory_space<vmem>>, vector<1x16xf32>,
        %swap3A_65 = vector.shape_cast %swap3A_64 : vector<1x16xf32> to vector<16xf32>
        %swap3A_66 = vector.shape_cast %get3A_61 : vector<16xf32> to vector<1x16xf32>
        tpu.vector_store %arg9[%swap3A_62, %swap3A_63], %swap3A_66 {strides = array<i32>} : memref<80x64xf32, #tpu.memory_space<vmem>>, vector<1x16xf32>,
      }
      %scan3A_27 = arith.constant 80 : i32
      "tpu.region"() ({
        %run_scoped3A_28 = tpu.sem_alloc : memref<!tpu.dma_semaphore, #tpu.memory_space<semaphore_mem>>
        %dma_start3A = arith.constant 0 : i32
        %dma_start3A_29 = tpu.memref_slice %arg11[%add3A_22, %dma_start3A] : memref<125x80xi32, #tpu.memory_space<vmem>> -> memref<1x80xi32, #tpu.memory_space<vmem>>
        %dma_start3A_30 = tpu.memref_squeeze %dma_start3A_29 : memref<1x80xi32, #tpu.memory_space<vmem>> -> memref<80xi32, #tpu.memory_space<vmem>>
        %dma_start3A_31 = arith.constant 0 : i32
        %dma_start3A_32 = arith.constant 0 : i32
        %dma_start3A_33 = tpu.memref_slice %arg7[%dma_start3A_31, %dma_start3A_32] : memref<10240x64xf32, #tpu.memory_space<vmem_shared>> -> memref<10240x64xf32, #tpu.memory_space<vmem_shared>>
        tpu.enqueue_indirect_dma source(%arg9 : memref<80x64xf32, #tpu.memory_space<vmem>>) target(%dma_start3A_33 : memref<10240x64xf32, #tpu.memory_space<vmem_shared>>) offsets(%dma_start3A_30 : memref<80xi32, #tpu.memory_space<vmem>>) semaphore(%run_scoped3A_28 : memref<!tpu.dma_semaphore, #tpu.memory_space<semaphore_mem>>) {add = true}
        %dma_wait3A = arith.constant 0 : i32
        %dma_wait3A_34 = tpu.memref_slice %arg11[%add3A_22, %dma_wait3A] : memref<125x80xi32, #tpu.memory_space<vmem>> -> memref<1x80xi32, #tpu.memory_space<vmem>>
        %dma_wait3A_35 = tpu.memref_squeeze %dma_wait3A_34 : memref<1x80xi32, #tpu.memory_space<vmem>> -> memref<80xi32, #tpu.memory_space<vmem>>
        %dma_wait3A_36 = arith.constant 0 : i32
        %dma_wait3A_37 = arith.constant 0 : i32
        %dma_wait3A_38 = tpu.memref_slice %arg7[%dma_wait3A_36, %dma_wait3A_37] : memref<10240x64xf32, #tpu.memory_space<vmem_shared>> -> memref<10240x64xf32, #tpu.memory_space<vmem_shared>>
        tpu.wait_indirect_dma semaphore(%run_scoped3A_28 : memref<!tpu.dma_semaphore, #tpu.memory_space<semaphore_mem>>) src(%arg9 : memref<80x64xf32, #tpu.memory_space<vmem>>) dst(%dma_wait3A_38 : memref<10240x64xf32, #tpu.memory_space<vmem_shared>>)
        tpu.yield
      }) : () -> ()
    }
    %scan3A_6 = arith.constant 125 : i32
    %barrier3A_7 = arith.constant 0 : index
    tpu.barrier barrier_id(%barrier3A_7)
    %run_scoped3A = arith.constant 0 : i32
    "tpu.region"() ({
      %run_scoped3A_18 = tpu.sem_alloc : memref<!tpu.dma_semaphore, #tpu.memory_space<semaphore_mem>>
      %dma_start3A = arith.constant 0 : i32
      %dma_start3A_19 = tpu.memref_slice %arg6[%arg0, %run_scoped3A, %mul3A_2, %dma_start3A] : memref<2x2x10240x64xf32, #tpu.memory_space<hbm>> -> memref<1x1x640x64xf32, #tpu.memory_space<hbm>>
      %dma_start3A_20 = tpu.memref_squeeze %dma_start3A_19 : memref<1x1x640x64xf32, #tpu.memory_space<hbm>> -> memref<640x64xf32, #tpu.memory_space<hbm>>
      %dma_start3A_21 = arith.constant 0 : i32
      %dma_start3A_22 = tpu.memref_slice %arg7[%mul3A_2, %dma_start3A_21] : memref<10240x64xf32, #tpu.memory_space<vmem_shared>> -> memref<640x64xf32, #tpu.memory_space<vmem_shared>>
      tpu.enqueue_dma source(%dma_start3A_22 : memref<640x64xf32, #tpu.memory_space<vmem_shared>>) target(%dma_start3A_20 : memref<640x64xf32, #tpu.memory_space<hbm>>) target_semaphore(%run_scoped3A_18 : memref<!tpu.dma_semaphore, #tpu.memory_space<semaphore_mem>>)
      %dma_wait3A = arith.constant 0 : i32
      %dma_wait3A_23 = tpu.memref_slice %arg6[%arg0, %run_scoped3A, %mul3A_2, %dma_wait3A] : memref<2x2x10240x64xf32, #tpu.memory_space<hbm>> -> memref<1x1x640x64xf32, #tpu.memory_space<hbm>>
      %dma_wait3A_24 = tpu.memref_squeeze %dma_wait3A_23 : memref<1x1x640x64xf32, #tpu.memory_space<hbm>> -> memref<640x64xf32, #tpu.memory_space<hbm>>
      %dma_wait3A_25 = arith.constant 0 : i32
      %dma_wait3A_26 = tpu.memref_slice %arg7[%mul3A_2, %dma_wait3A_25] : memref<10240x64xf32, #tpu.memory_space<vmem_shared>> -> memref<640x64xf32, #tpu.memory_space<vmem_shared>>
      tpu.wait_dma2 semaphore(%run_scoped3A_18 : memref<!tpu.dma_semaphore, #tpu.memory_space<semaphore_mem>>) src(%dma_wait3A_26 : memref<640x64xf32, #tpu.memory_space<vmem_shared>>) dst(%dma_wait3A_24 : memref<640x64xf32, #tpu.memory_space<hbm>>)
      tpu.yield
    }) : () -> ()
    %barrier3A_8 = arith.constant 0 : index
    tpu.barrier barrier_id(%barrier3A_8)
    "tpu.region"() ({
      %run_scoped3A_18 = tpu.sem_alloc : memref<!tpu.dma_semaphore, #tpu.memory_space<semaphore_mem>>
      %dma_start3A = arith.constant 0 : i32
      %dma_start3A_19 = tpu.memref_slice %arg7[%mul3A_2, %dma_start3A] : memref<10240x64xf32, #tpu.memory_space<vmem_shared>> -> memref<640x64xf32, #tpu.memory_space<vmem_shared>>
      tpu.enqueue_dma source(%arg5 : memref<640x64xf32, #tpu.memory_space<hbm>>) target(%dma_start3A_19 : memref<640x64xf32, #tpu.memory_space<vmem_shared>>) target_semaphore(%run_scoped3A_18 : memref<!tpu.dma_semaphore, #tpu.memory_space<semaphore_mem>>)
      %dma_wait3A = arith.constant 0 : i32
      %dma_wait3A_20 = tpu.memref_slice %arg7[%mul3A_2, %dma_wait3A] : memref<10240x64xf32, #tpu.memory_space<vmem_shared>> -> memref<640x64xf32, #tpu.memory_space<vmem_shared>>
      tpu.wait_dma2 semaphore(%run_scoped3A_18 : memref<!tpu.dma_semaphore, #tpu.memory_space<semaphore_mem>>) src(%arg5 : memref<640x64xf32, #tpu.memory_space<hbm>>) dst(%dma_wait3A_20 : memref<640x64xf32, #tpu.memory_space<vmem_shared>>)
      tpu.yield
    }) : () -> ()
    %barrier3A_9 = arith.constant 0 : index
    tpu.barrier barrier_id(%barrier3A_9)
    %scan3A_10 = arith.constant 0 : i32
    %scan3A_11 = arith.constant 125 : i32
    %scan3A_12 = arith.addi %scan3A_10, %scan3A_11 : i32
    %scan3A_13 = arith.constant 1 : i32
    scf.for %scan3A_18 = %scan3A_10 to %scan3A_12 step %scan3A_13  : i32 {
      %mul3A_19 = arith.constant 1 : i32
      %mul3A_20 = arith.muli %scan3A_18, %mul3A_19 : i32
      %add3A_21 = arith.constant 0 : i32
      %add3A_22 = arith.addi %add3A_21, %mul3A_20 : i32
      "tpu.region"() ({
        %run_scoped3A_28 = tpu.sem_alloc : memref<!tpu.dma_semaphore, #tpu.memory_space<semaphore_mem>>
        %dma_start3A = arith.constant 0 : i32
        %dma_start3A_29 = arith.constant 0 : i32
        %dma_start3A_30 = tpu.memref_slice %arg2[%dma_start3A, %dma_start3A_29] : memref<10000x128xf32, #tpu.memory_space<hbm>> -> memref<80x128xf32, #tpu.memory_space<hbm>>
        %dma_start3A_31 = arith.constant 0 : i32
        %dma_start3A_32 = arith.constant 0 : i32
        %dma_start3A_33 = tpu.memref_slice %arg2[%dma_start3A_31, %dma_start3A_32] : memref<10000x128xf32, #tpu.memory_space<hbm>> -> memref<80x128xf32, #tpu.memory_space<hbm>>
        tpu.enqueue_dma source(%dma_start3A_33 : memref<80x128xf32, #tpu.memory_space<hbm>>) target(%arg8 : memref<80x128xf32, #tpu.memory_space<vmem>>) target_semaphore(%run_scoped3A_28 : memref<!tpu.dma_semaphore, #tpu.memory_space<semaphore_mem>>)
        %dma_wait3A = arith.constant 0 : i32
        %dma_wait3A_34 = arith.constant 0 : i32
        %dma_wait3A_35 = tpu.memref_slice %arg2[%dma_wait3A, %dma_wait3A_34] : memref<10000x128xf32, #tpu.memory_space<hbm>> -> memref<80x128xf32, #tpu.memory_space<hbm>>
        %dma_wait3A_36 = arith.constant 0 : i32
        %dma_wait3A_37 = arith.constant 0 : i32
        %dma_wait3A_38 = tpu.memref_slice %arg2[%dma_wait3A_36, %dma_wait3A_37] : memref<10000x128xf32, #tpu.memory_space<hbm>> -> memref<80x128xf32, #tpu.memory_space<hbm>>
        tpu.wait_dma2 semaphore(%run_scoped3A_28 : memref<!tpu.dma_semaphore, #tpu.memory_space<semaphore_mem>>) src(%dma_wait3A_38 : memref<80x128xf32, #tpu.memory_space<hbm>>) dst(%arg8 : memref<80x128xf32, #tpu.memory_space<vmem>>)
        tpu.yield
      }) : () -> ()
      %scan3A_23 = arith.constant 0 : i32
      %scan3A_24 = arith.constant 80 : i32
      %scan3A_25 = arith.addi %scan3A_23, %scan3A_24 : i32
      %scan3A_26 = arith.constant 1 : i32
      scf.for %scan3A_28 = %scan3A_23 to %scan3A_25 step %scan3A_26  : i32 {
        %mul3A_29 = arith.constant 1 : i32
        %mul3A_30 = arith.muli %scan3A_28, %mul3A_29 : i32
        %add3A_31 = arith.constant 0 : i32
        %add3A_32 = arith.addi %add3A_31, %mul3A_30 : i32
        %get3A = arith.index_cast %add3A_32 : i32 to index
        %get3A_33 = arith.constant 64 : index
        %get3A_34 = tpu.vector_load %arg8[%get3A, %get3A_33] {strides = array<i32>} : memref<80x128xf32, #tpu.memory_space<vmem>>, vector<1x16xf32>,
        %get3A_35 = vector.shape_cast %get3A_34 : vector<1x16xf32> to vector<16xf32>
        %swap3A = arith.index_cast %add3A_32 : i32 to index
        %swap3A_36 = arith.constant 0 : index
        %swap3A_37 = tpu.vector_load %arg9[%swap3A, %swap3A_36] {strides = array<i32>} : memref<80x64xf32, #tpu.memory_space<vmem>>, vector<1x16xf32>,
        %swap3A_38 = vector.shape_cast %swap3A_37 : vector<1x16xf32> to vector<16xf32>
        %swap3A_39 = vector.shape_cast %get3A_35 : vector<16xf32> to vector<1x16xf32>
        tpu.vector_store %arg9[%swap3A, %swap3A_36], %swap3A_39 {strides = array<i32>} : memref<80x64xf32, #tpu.memory_space<vmem>>, vector<1x16xf32>,
        %get3A_40 = arith.index_cast %add3A_32 : i32 to index
        %get3A_41 = arith.constant 80 : index
        %get3A_42 = tpu.vector_load %arg8[%get3A_40, %get3A_41] {strides = array<i32>} : memref<80x128xf32, #tpu.memory_space<vmem>>, vector<1x16xf32>,
        %get3A_43 = vector.shape_cast %get3A_42 : vector<1x16xf32> to vector<16xf32>
        %swap3A_44 = arith.index_cast %add3A_32 : i32 to index
        %swap3A_45 = arith.constant 16 : index
        %swap3A_46 = tpu.vector_load %arg9[%swap3A_44, %swap3A_45] {strides = array<i32>} : memref<80x64xf32, #tpu.memory_space<vmem>>, vector<1x16xf32>,
        %swap3A_47 = vector.shape_cast %swap3A_46 : vector<1x16xf32> to vector<16xf32>
        %swap3A_48 = vector.shape_cast %get3A_43 : vector<16xf32> to vector<1x16xf32>
        tpu.vector_store %arg9[%swap3A_44, %swap3A_45], %swap3A_48 {strides = array<i32>} : memref<80x64xf32, #tpu.memory_space<vmem>>, vector<1x16xf32>,
        %get3A_49 = arith.index_cast %add3A_32 : i32 to index
        %get3A_50 = arith.constant 96 : index
        %get3A_51 = tpu.vector_load %arg8[%get3A_49, %get3A_50] {strides = array<i32>} : memref<80x128xf32, #tpu.memory_space<vmem>>, vector<1x16xf32>,
        %get3A_52 = vector.shape_cast %get3A_51 : vector<1x16xf32> to vector<16xf32>
        %swap3A_53 = arith.index_cast %add3A_32 : i32 to index
        %swap3A_54 = arith.constant 32 : index
        %swap3A_55 = tpu.vector_load %arg9[%swap3A_53, %swap3A_54] {strides = array<i32>} : memref<80x64xf32, #tpu.memory_space<vmem>>, vector<1x16xf32>,
        %swap3A_56 = vector.shape_cast %swap3A_55 : vector<1x16xf32> to vector<16xf32>
        %swap3A_57 = vector.shape_cast %get3A_52 : vector<16xf32> to vector<1x16xf32>
        tpu.vector_store %arg9[%swap3A_53, %swap3A_54], %swap3A_57 {strides = array<i32>} : memref<80x64xf32, #tpu.memory_space<vmem>>, vector<1x16xf32>,
        %get3A_58 = arith.index_cast %add3A_32 : i32 to index
        %get3A_59 = arith.constant 112 : index
        %get3A_60 = tpu.vector_load %arg8[%get3A_58, %get3A_59] {strides = array<i32>} : memref<80x128xf32, #tpu.memory_space<vmem>>, vector<1x16xf32>,
        %get3A_61 = vector.shape_cast %get3A_60 : vector<1x16xf32> to vector<16xf32>
        %swap3A_62 = arith.index_cast %add3A_32 : i32 to index
        %swap3A_63 = arith.constant 48 : index
        %swap3A_64 = tpu.vector_load %arg9[%swap3A_62, %swap3A_63] {strides = array<i32>} : memref<80x64xf32, #tpu.memory_space<vmem>>, vector<1x16xf32>,
        %swap3A_65 = vector.shape_cast %swap3A_64 : vector<1x16xf32> to vector<16xf32>
        %swap3A_66 = vector.shape_cast %get3A_61 : vector<16xf32> to vector<1x16xf32>
        tpu.vector_store %arg9[%swap3A_62, %swap3A_63], %swap3A_66 {strides = array<i32>} : memref<80x64xf32, #tpu.memory_space<vmem>>, vector<1x16xf32>,
      }
      %scan3A_27 = arith.constant 80 : i32
      "tpu.region"() ({
        %run_scoped3A_28 = tpu.sem_alloc : memref<!tpu.dma_semaphore, #tpu.memory_space<semaphore_mem>>
        %dma_start3A = arith.constant 0 : i32
        %dma_start3A_29 = tpu.memref_slice %arg11[%add3A_22, %dma_start3A] : memref<125x80xi32, #tpu.memory_space<vmem>> -> memref<1x80xi32, #tpu.memory_space<vmem>>
        %dma_start3A_30 = tpu.memref_squeeze %dma_start3A_29 : memref<1x80xi32, #tpu.memory_space<vmem>> -> memref<80xi32, #tpu.memory_space<vmem>>
        %dma_start3A_31 = arith.constant 0 : i32
        %dma_start3A_32 = arith.constant 0 : i32
        %dma_start3A_33 = tpu.memref_slice %arg7[%dma_start3A_31, %dma_start3A_32] : memref<10240x64xf32, #tpu.memory_space<vmem_shared>> -> memref<10240x64xf32, #tpu.memory_space<vmem_shared>>
        tpu.enqueue_indirect_dma source(%arg9 : memref<80x64xf32, #tpu.memory_space<vmem>>) target(%dma_start3A_33 : memref<10240x64xf32, #tpu.memory_space<vmem_shared>>) offsets(%dma_start3A_30 : memref<80xi32, #tpu.memory_space<vmem>>) semaphore(%run_scoped3A_28 : memref<!tpu.dma_semaphore, #tpu.memory_space<semaphore_mem>>) {add = true}
        %dma_wait3A = arith.constant 0 : i32
        %dma_wait3A_34 = tpu.memref_slice %arg11[%add3A_22, %dma_wait3A] : memref<125x80xi32, #tpu.memory_space<vmem>> -> memref<1x80xi32, #tpu.memory_space<vmem>>
        %dma_wait3A_35 = tpu.memref_squeeze %dma_wait3A_34 : memref<1x80xi32, #tpu.memory_space<vmem>> -> memref<80xi32, #tpu.memory_space<vmem>>
        %dma_wait3A_36 = arith.constant 0 : i32
        %dma_wait3A_37 = arith.constant 0 : i32
        %dma_wait3A_38 = tpu.memref_slice %arg7[%dma_wait3A_36, %dma_wait3A_37] : memref<10240x64xf32, #tpu.memory_space<vmem_shared>> -> memref<10240x64xf32, #tpu.memory_space<vmem_shared>>
        tpu.wait_indirect_dma semaphore(%run_scoped3A_28 : memref<!tpu.dma_semaphore, #tpu.memory_space<semaphore_mem>>) src(%arg9 : memref<80x64xf32, #tpu.memory_space<vmem>>) dst(%dma_wait3A_38 : memref<10240x64xf32, #tpu.memory_space<vmem_shared>>)
        tpu.yield
      }) : () -> ()
    }
    %scan3A_14 = arith.constant 125 : i32
    %barrier3A_15 = arith.constant 0 : index
    tpu.barrier barrier_id(%barrier3A_15)
    %run_scoped3A_16 = arith.constant 1 : i32
    "tpu.region"() ({
      %run_scoped3A_18 = tpu.sem_alloc : memref<!tpu.dma_semaphore, #tpu.memory_space<semaphore_mem>>
      %dma_start3A = arith.constant 0 : i32
      %dma_start3A_19 = tpu.memref_slice %arg6[%arg0, %run_scoped3A_16, %mul3A_2, %dma_start3A] : memref<2x2x10240x64xf32, #tpu.memory_space<hbm>> -> memref<1x1x640x64xf32, #tpu.memory_space<hbm>>
      %dma_start3A_20 = tpu.memref_squeeze %dma_start3A_19 : memref<1x1x640x64xf32, #tpu.memory_space<hbm>> -> memref<640x64xf32, #tpu.memory_space<hbm>>
      %dma_start3A_21 = arith.constant 0 : i32
      %dma_start3A_22 = tpu.memref_slice %arg7[%mul3A_2, %dma_start3A_21] : memref<10240x64xf32, #tpu.memory_space<vmem_shared>> -> memref<640x64xf32, #tpu.memory_space<vmem_shared>>
      tpu.enqueue_dma source(%dma_start3A_22 : memref<640x64xf32, #tpu.memory_space<vmem_shared>>) target(%dma_start3A_20 : memref<640x64xf32, #tpu.memory_space<hbm>>) target_semaphore(%run_scoped3A_18 : memref<!tpu.dma_semaphore, #tpu.memory_space<semaphore_mem>>)
      %dma_wait3A = arith.constant 0 : i32
      %dma_wait3A_23 = tpu.memref_slice %arg6[%arg0, %run_scoped3A_16, %mul3A_2, %dma_wait3A] : memref<2x2x10240x64xf32, #tpu.memory_space<hbm>> -> memref<1x1x640x64xf32, #tpu.memory_space<hbm>>
      %dma_wait3A_24 = tpu.memref_squeeze %dma_wait3A_23 : memref<1x1x640x64xf32, #tpu.memory_space<hbm>> -> memref<640x64xf32, #tpu.memory_space<hbm>>
      %dma_wait3A_25 = arith.constant 0 : i32
      %dma_wait3A_26 = tpu.memref_slice %arg7[%mul3A_2, %dma_wait3A_25] : memref<10240x64xf32, #tpu.memory_space<vmem_shared>> -> memref<640x64xf32, #tpu.memory_space<vmem_shared>>
      tpu.wait_dma2 semaphore(%run_scoped3A_18 : memref<!tpu.dma_semaphore, #tpu.memory_space<semaphore_mem>>) src(%dma_wait3A_26 : memref<640x64xf32, #tpu.memory_space<vmem_shared>>) dst(%dma_wait3A_24 : memref<640x64xf32, #tpu.memory_space<hbm>>)
      tpu.yield
    }) : () -> ()
    %barrier3A_17 = arith.constant 0 : index
    tpu.barrier barrier_id(%barrier3A_17)
    return
  }
}

#map = affine_map<(d0, d1) -> (0, 0, 0)>
#map1 = affine_map<(d0, d1) -> (0, 0)>
module attributes {stable_mosaic.version = 14 : i64} {
  func.func @k1b(%arg0: i32, %arg1: i32, %arg2: memref<16x250x80xi32, #tpu.memory_space<hbm>>, %arg3: memref<16x250x80xi32, #tpu.memory_space<hbm>>, %arg4: memref<80x16xf32, #tpu.memory_space<hbm>>, %arg5: memref<640x16xf32, #tpu.memory_space<hbm>>, %arg6: memref<10240x16xf32, #tpu.memory_space<hbm>>, %arg7: memref<10240x16xf32, #tpu.memory_space<hbm>>, %arg8: memref<10240x16xf32, #tpu.memory_space<vmem_shared>>, %arg9: memref<80x16xf32, #tpu.memory_space<vmem>>, %arg10: memref<250x80xi32, #tpu.memory_space<vmem>>) attributes {dimension_semantics = [#tpu.dimension_semantics<core_parallel>, #tpu.dimension_semantics<subcore_parallel>], iteration_bounds = array<i64: 2, 16>, scalar_prefetch = 0 : i64, scratch_operands = 3 : i64, tpu.core_type = #tpu.core_type<sc_vector_subcore>, window_params = [{transform_indices = #map}, {transform_indices = #map}, {transform_indices = #map1}, {transform_indices = #map1}, {transform_indices = #map1}, {transform_indices = #map1}]} {
    %mul3A = arith.constant 640 : i32
    %mul3A_0 = arith.muli %arg1, %mul3A : i32
    "tpu.region"() ({
      %run_scoped3A = tpu.sem_alloc : memref<!tpu.dma_semaphore, #tpu.memory_space<semaphore_mem>>
      %dma_start3A = arith.constant 0 : i32
      %dma_start3A_23 = tpu.memref_slice %arg8[%mul3A_0, %dma_start3A] : memref<10240x16xf32, #tpu.memory_space<vmem_shared>> -> memref<640x16xf32, #tpu.memory_space<vmem_shared>>
      tpu.enqueue_dma source(%arg5 : memref<640x16xf32, #tpu.memory_space<hbm>>) target(%dma_start3A_23 : memref<640x16xf32, #tpu.memory_space<vmem_shared>>) target_semaphore(%run_scoped3A : memref<!tpu.dma_semaphore, #tpu.memory_space<semaphore_mem>>)
      %dma_wait3A = arith.constant 0 : i32
      %dma_wait3A_24 = tpu.memref_slice %arg8[%mul3A_0, %dma_wait3A] : memref<10240x16xf32, #tpu.memory_space<vmem_shared>> -> memref<640x16xf32, #tpu.memory_space<vmem_shared>>
      tpu.wait_dma2 semaphore(%run_scoped3A : memref<!tpu.dma_semaphore, #tpu.memory_space<semaphore_mem>>) src(%arg5 : memref<640x16xf32, #tpu.memory_space<hbm>>) dst(%dma_wait3A_24 : memref<640x16xf32, #tpu.memory_space<vmem_shared>>)
      tpu.yield
    }) : () -> ()
    "tpu.region"() ({
      %run_scoped3A = tpu.sem_alloc : memref<!tpu.dma_semaphore, #tpu.memory_space<semaphore_mem>>
      tpu.enqueue_dma source(%arg4 : memref<80x16xf32, #tpu.memory_space<hbm>>) target(%arg9 : memref<80x16xf32, #tpu.memory_space<vmem>>) target_semaphore(%run_scoped3A : memref<!tpu.dma_semaphore, #tpu.memory_space<semaphore_mem>>)
      tpu.wait_dma2 semaphore(%run_scoped3A : memref<!tpu.dma_semaphore, #tpu.memory_space<semaphore_mem>>) src(%arg4 : memref<80x16xf32, #tpu.memory_space<hbm>>) dst(%arg9 : memref<80x16xf32, #tpu.memory_space<vmem>>)
      tpu.yield
    }) : () -> ()
    %eq3A = arith.constant 0 : i32
    %eq3A_1 = arith.cmpi eq, %arg0, %eq3A : i32
    %convert_element_type3A = arith.extui %eq3A_1 : i1 to i32
    %cond3A = arith.constant 0 : i32
    %cond3A_2 = arith.cmpi ne, %convert_element_type3A, %cond3A : i32
    scf.if %cond3A_2 {
      "tpu.region"() ({
        %run_scoped3A = tpu.sem_alloc : memref<!tpu.dma_semaphore, #tpu.memory_space<semaphore_mem>>
        %dma_start3A = arith.constant 0 : i32
        %dma_start3A_23 = arith.constant 0 : i32
        %dma_start3A_24 = tpu.memref_slice %arg2[%arg1, %dma_start3A, %dma_start3A_23] : memref<16x250x80xi32, #tpu.memory_space<hbm>> -> memref<1x250x80xi32, #tpu.memory_space<hbm>>
        %dma_start3A_25 = tpu.memref_squeeze %dma_start3A_24 : memref<1x250x80xi32, #tpu.memory_space<hbm>> -> memref<250x80xi32, #tpu.memory_space<hbm>>
        %dma_start3A_26 = arith.constant 0 : i32
        %dma_start3A_27 = arith.constant 0 : i32
        %dma_start3A_28 = tpu.memref_slice %arg2[%arg1, %dma_start3A_26, %dma_start3A_27] : memref<16x250x80xi32, #tpu.memory_space<hbm>> -> memref<1x250x80xi32, #tpu.memory_space<hbm>>
        %dma_start3A_29 = tpu.memref_squeeze %dma_start3A_28 : memref<1x250x80xi32, #tpu.memory_space<hbm>> -> memref<250x80xi32, #tpu.memory_space<hbm>>
        tpu.enqueue_dma source(%dma_start3A_29 : memref<250x80xi32, #tpu.memory_space<hbm>>) target(%arg10 : memref<250x80xi32, #tpu.memory_space<vmem>>) target_semaphore(%run_scoped3A : memref<!tpu.dma_semaphore, #tpu.memory_space<semaphore_mem>>)
        %dma_wait3A = arith.constant 0 : i32
        %dma_wait3A_30 = arith.constant 0 : i32
        %dma_wait3A_31 = tpu.memref_slice %arg2[%arg1, %dma_wait3A, %dma_wait3A_30] : memref<16x250x80xi32, #tpu.memory_space<hbm>> -> memref<1x250x80xi32, #tpu.memory_space<hbm>>
        %dma_wait3A_32 = tpu.memref_squeeze %dma_wait3A_31 : memref<1x250x80xi32, #tpu.memory_space<hbm>> -> memref<250x80xi32, #tpu.memory_space<hbm>>
        %dma_wait3A_33 = arith.constant 0 : i32
        %dma_wait3A_34 = arith.constant 0 : i32
        %dma_wait3A_35 = tpu.memref_slice %arg2[%arg1, %dma_wait3A_33, %dma_wait3A_34] : memref<16x250x80xi32, #tpu.memory_space<hbm>> -> memref<1x250x80xi32, #tpu.memory_space<hbm>>
        %dma_wait3A_36 = tpu.memref_squeeze %dma_wait3A_35 : memref<1x250x80xi32, #tpu.memory_space<hbm>> -> memref<250x80xi32, #tpu.memory_space<hbm>>
        tpu.wait_dma2 semaphore(%run_scoped3A : memref<!tpu.dma_semaphore, #tpu.memory_space<semaphore_mem>>) src(%dma_wait3A_36 : memref<250x80xi32, #tpu.memory_space<hbm>>) dst(%arg10 : memref<250x80xi32, #tpu.memory_space<vmem>>)
        tpu.yield
      }) : () -> ()
    } else {
    }
    %eq3A_3 = arith.constant 1 : i32
    %eq3A_4 = arith.cmpi eq, %arg0, %eq3A_3 : i32
    %convert_element_type3A_5 = arith.extui %eq3A_4 : i1 to i32
    %cond3A_6 = arith.constant 0 : i32
    %cond3A_7 = arith.cmpi ne, %convert_element_type3A_5, %cond3A_6 : i32
    scf.if %cond3A_7 {
      "tpu.region"() ({
        %run_scoped3A = tpu.sem_alloc : memref<!tpu.dma_semaphore, #tpu.memory_space<semaphore_mem>>
        %dma_start3A = arith.constant 0 : i32
        %dma_start3A_23 = arith.constant 0 : i32
        %dma_start3A_24 = tpu.memref_slice %arg3[%arg1, %dma_start3A, %dma_start3A_23] : memref<16x250x80xi32, #tpu.memory_space<hbm>> -> memref<1x250x80xi32, #tpu.memory_space<hbm>>
        %dma_start3A_25 = tpu.memref_squeeze %dma_start3A_24 : memref<1x250x80xi32, #tpu.memory_space<hbm>> -> memref<250x80xi32, #tpu.memory_space<hbm>>
        %dma_start3A_26 = arith.constant 0 : i32
        %dma_start3A_27 = arith.constant 0 : i32
        %dma_start3A_28 = tpu.memref_slice %arg3[%arg1, %dma_start3A_26, %dma_start3A_27] : memref<16x250x80xi32, #tpu.memory_space<hbm>> -> memref<1x250x80xi32, #tpu.memory_space<hbm>>
        %dma_start3A_29 = tpu.memref_squeeze %dma_start3A_28 : memref<1x250x80xi32, #tpu.memory_space<hbm>> -> memref<250x80xi32, #tpu.memory_space<hbm>>
        tpu.enqueue_dma source(%dma_start3A_29 : memref<250x80xi32, #tpu.memory_space<hbm>>) target(%arg10 : memref<250x80xi32, #tpu.memory_space<vmem>>) target_semaphore(%run_scoped3A : memref<!tpu.dma_semaphore, #tpu.memory_space<semaphore_mem>>)
        %dma_wait3A = arith.constant 0 : i32
        %dma_wait3A_30 = arith.constant 0 : i32
        %dma_wait3A_31 = tpu.memref_slice %arg3[%arg1, %dma_wait3A, %dma_wait3A_30] : memref<16x250x80xi32, #tpu.memory_space<hbm>> -> memref<1x250x80xi32, #tpu.memory_space<hbm>>
        %dma_wait3A_32 = tpu.memref_squeeze %dma_wait3A_31 : memref<1x250x80xi32, #tpu.memory_space<hbm>> -> memref<250x80xi32, #tpu.memory_space<hbm>>
        %dma_wait3A_33 = arith.constant 0 : i32
        %dma_wait3A_34 = arith.constant 0 : i32
        %dma_wait3A_35 = tpu.memref_slice %arg3[%arg1, %dma_wait3A_33, %dma_wait3A_34] : memref<16x250x80xi32, #tpu.memory_space<hbm>> -> memref<1x250x80xi32, #tpu.memory_space<hbm>>
        %dma_wait3A_36 = tpu.memref_squeeze %dma_wait3A_35 : memref<1x250x80xi32, #tpu.memory_space<hbm>> -> memref<250x80xi32, #tpu.memory_space<hbm>>
        tpu.wait_dma2 semaphore(%run_scoped3A : memref<!tpu.dma_semaphore, #tpu.memory_space<semaphore_mem>>) src(%dma_wait3A_36 : memref<250x80xi32, #tpu.memory_space<hbm>>) dst(%arg10 : memref<250x80xi32, #tpu.memory_space<vmem>>)
        tpu.yield
      }) : () -> ()
    } else {
    }
    %barrier3A = arith.constant 0 : index
    tpu.barrier barrier_id(%barrier3A)
    %scan3A = arith.constant 0 : i32
    %scan3A_8 = arith.constant 250 : i32
    %scan3A_9 = arith.addi %scan3A, %scan3A_8 : i32
    %scan3A_10 = arith.constant 1 : i32
    scf.for %scan3A_23 = %scan3A to %scan3A_9 step %scan3A_10  : i32 {
      %mul3A_24 = arith.constant 1 : i32
      %mul3A_25 = arith.muli %scan3A_23, %mul3A_24 : i32
      %add3A = arith.constant 0 : i32
      %add3A_26 = arith.addi %add3A, %mul3A_25 : i32
      "tpu.region"() ({
        %run_scoped3A = tpu.sem_alloc : memref<!tpu.dma_semaphore, #tpu.memory_space<semaphore_mem>>
        %dma_start3A = arith.constant 0 : i32
        %dma_start3A_27 = tpu.memref_slice %arg10[%add3A_26, %dma_start3A] : memref<250x80xi32, #tpu.memory_space<vmem>> -> memref<1x80xi32, #tpu.memory_space<vmem>>
        %dma_start3A_28 = tpu.memref_squeeze %dma_start3A_27 : memref<1x80xi32, #tpu.memory_space<vmem>> -> memref<80xi32, #tpu.memory_space<vmem>>
        %dma_start3A_29 = arith.constant 0 : i32
        %dma_start3A_30 = arith.constant 0 : i32
        %dma_start3A_31 = tpu.memref_slice %arg8[%dma_start3A_29, %dma_start3A_30] : memref<10240x16xf32, #tpu.memory_space<vmem_shared>> -> memref<10240x16xf32, #tpu.memory_space<vmem_shared>>
        tpu.enqueue_indirect_dma source(%arg9 : memref<80x16xf32, #tpu.memory_space<vmem>>) target(%dma_start3A_31 : memref<10240x16xf32, #tpu.memory_space<vmem_shared>>) offsets(%dma_start3A_28 : memref<80xi32, #tpu.memory_space<vmem>>) semaphore(%run_scoped3A : memref<!tpu.dma_semaphore, #tpu.memory_space<semaphore_mem>>) {add = true}
        %dma_wait3A = arith.constant 0 : i32
        %dma_wait3A_32 = tpu.memref_slice %arg10[%add3A_26, %dma_wait3A] : memref<250x80xi32, #tpu.memory_space<vmem>> -> memref<1x80xi32, #tpu.memory_space<vmem>>
        %dma_wait3A_33 = tpu.memref_squeeze %dma_wait3A_32 : memref<1x80xi32, #tpu.memory_space<vmem>> -> memref<80xi32, #tpu.memory_space<vmem>>
        %dma_wait3A_34 = arith.constant 0 : i32
        %dma_wait3A_35 = arith.constant 0 : i32
        %dma_wait3A_36 = tpu.memref_slice %arg8[%dma_wait3A_34, %dma_wait3A_35] : memref<10240x16xf32, #tpu.memory_space<vmem_shared>> -> memref<10240x16xf32, #tpu.memory_space<vmem_shared>>
        tpu.wait_indirect_dma semaphore(%run_scoped3A : memref<!tpu.dma_semaphore, #tpu.memory_space<semaphore_mem>>) src(%arg9 : memref<80x16xf32, #tpu.memory_space<vmem>>) dst(%dma_wait3A_36 : memref<10240x16xf32, #tpu.memory_space<vmem_shared>>)
        tpu.yield
      }) : () -> ()
    }
    %scan3A_11 = arith.constant 250 : i32
    %barrier3A_12 = arith.constant 0 : index
    tpu.barrier barrier_id(%barrier3A_12)
    %eq3A_13 = arith.constant 0 : i32
    %eq3A_14 = arith.cmpi eq, %arg0, %eq3A_13 : i32
    %convert_element_type3A_15 = arith.extui %eq3A_14 : i1 to i32
    %cond3A_16 = arith.constant 0 : i32
    %cond3A_17 = arith.cmpi ne, %convert_element_type3A_15, %cond3A_16 : i32
    scf.if %cond3A_17 {
      "tpu.region"() ({
        %run_scoped3A = tpu.sem_alloc : memref<!tpu.dma_semaphore, #tpu.memory_space<semaphore_mem>>
        %dma_start3A = arith.constant 0 : i32
        %dma_start3A_23 = tpu.memref_slice %arg6[%mul3A_0, %dma_start3A] : memref<10240x16xf32, #tpu.memory_space<hbm>> -> memref<640x16xf32, #tpu.memory_space<hbm>>
        %dma_start3A_24 = arith.constant 0 : i32
        %dma_start3A_25 = tpu.memref_slice %arg8[%mul3A_0, %dma_start3A_24] : memref<10240x16xf32, #tpu.memory_space<vmem_shared>> -> memref<640x16xf32, #tpu.memory_space<vmem_shared>>
        tpu.enqueue_dma source(%dma_start3A_25 : memref<640x16xf32, #tpu.memory_space<vmem_shared>>) target(%dma_start3A_23 : memref<640x16xf32, #tpu.memory_space<hbm>>) target_semaphore(%run_scoped3A : memref<!tpu.dma_semaphore, #tpu.memory_space<semaphore_mem>>)
        %dma_wait3A = arith.constant 0 : i32
        %dma_wait3A_26 = tpu.memref_slice %arg6[%mul3A_0, %dma_wait3A] : memref<10240x16xf32, #tpu.memory_space<hbm>> -> memref<640x16xf32, #tpu.memory_space<hbm>>
        %dma_wait3A_27 = arith.constant 0 : i32
        %dma_wait3A_28 = tpu.memref_slice %arg8[%mul3A_0, %dma_wait3A_27] : memref<10240x16xf32, #tpu.memory_space<vmem_shared>> -> memref<640x16xf32, #tpu.memory_space<vmem_shared>>
        tpu.wait_dma2 semaphore(%run_scoped3A : memref<!tpu.dma_semaphore, #tpu.memory_space<semaphore_mem>>) src(%dma_wait3A_28 : memref<640x16xf32, #tpu.memory_space<vmem_shared>>) dst(%dma_wait3A_26 : memref<640x16xf32, #tpu.memory_space<hbm>>)
        tpu.yield
      }) : () -> ()
    } else {
    }
    %eq3A_18 = arith.constant 1 : i32
    %eq3A_19 = arith.cmpi eq, %arg0, %eq3A_18 : i32
    %convert_element_type3A_20 = arith.extui %eq3A_19 : i1 to i32
    %cond3A_21 = arith.constant 0 : i32
    %cond3A_22 = arith.cmpi ne, %convert_element_type3A_20, %cond3A_21 : i32
    scf.if %cond3A_22 {
      "tpu.region"() ({
        %run_scoped3A = tpu.sem_alloc : memref<!tpu.dma_semaphore, #tpu.memory_space<semaphore_mem>>
        %dma_start3A = arith.constant 0 : i32
        %dma_start3A_23 = tpu.memref_slice %arg7[%mul3A_0, %dma_start3A] : memref<10240x16xf32, #tpu.memory_space<hbm>> -> memref<640x16xf32, #tpu.memory_space<hbm>>
        %dma_start3A_24 = arith.constant 0 : i32
        %dma_start3A_25 = tpu.memref_slice %arg8[%mul3A_0, %dma_start3A_24] : memref<10240x16xf32, #tpu.memory_space<vmem_shared>> -> memref<640x16xf32, #tpu.memory_space<vmem_shared>>
        tpu.enqueue_dma source(%dma_start3A_25 : memref<640x16xf32, #tpu.memory_space<vmem_shared>>) target(%dma_start3A_23 : memref<640x16xf32, #tpu.memory_space<hbm>>) target_semaphore(%run_scoped3A : memref<!tpu.dma_semaphore, #tpu.memory_space<semaphore_mem>>)
        %dma_wait3A = arith.constant 0 : i32
        %dma_wait3A_26 = tpu.memref_slice %arg7[%mul3A_0, %dma_wait3A] : memref<10240x16xf32, #tpu.memory_space<hbm>> -> memref<640x16xf32, #tpu.memory_space<hbm>>
        %dma_wait3A_27 = arith.constant 0 : i32
        %dma_wait3A_28 = tpu.memref_slice %arg8[%mul3A_0, %dma_wait3A_27] : memref<10240x16xf32, #tpu.memory_space<vmem_shared>> -> memref<640x16xf32, #tpu.memory_space<vmem_shared>>
        tpu.wait_dma2 semaphore(%run_scoped3A : memref<!tpu.dma_semaphore, #tpu.memory_space<semaphore_mem>>) src(%dma_wait3A_28 : memref<640x16xf32, #tpu.memory_space<vmem_shared>>) dst(%dma_wait3A_26 : memref<640x16xf32, #tpu.memory_space<hbm>>)
        tpu.yield
      }) : () -> ()
    } else {
    }
    return
  }
}

#map = affine_map<(d0, d1) -> (0, 0)>
#map1 = affine_map<(d0, d1) -> (0, 0, 0)>
module attributes {stable_mosaic.version = 14 : i64} {
  func.func @k4(%arg0: i32, %arg1: i32, %arg2: memref<10000x128xf32, #tpu.memory_space<hbm>>, %arg3: memref<32x125x80xi32, #tpu.memory_space<hbm>>, %arg4: memref<32x125x80xi32, #tpu.memory_space<hbm>>, %arg5: memref<320000x128xf32, #tpu.memory_space<hbm>>, %arg6: memref<320000x128xf32, #tpu.memory_space<hbm>>, %arg7: memref<125x80xi32, #tpu.memory_space<vmem>>, %arg8: memref<125x80xi32, #tpu.memory_space<vmem>>, %arg9: memref<80x128xf32, #tpu.memory_space<vmem>>, %arg10: memref<80x128xf32, #tpu.memory_space<vmem>>, %arg11: memref<80x128xf32, #tpu.memory_space<vmem>>, %arg12: memref<80x128xf32, #tpu.memory_space<vmem>>) attributes {dimension_semantics = [#tpu.dimension_semantics<core_parallel>, #tpu.dimension_semantics<subcore_parallel>], iteration_bounds = array<i64: 2, 16>, scalar_prefetch = 0 : i64, scratch_operands = 6 : i64, tpu.core_type = #tpu.core_type<sc_vector_subcore>, window_params = [{transform_indices = #map}, {transform_indices = #map1}, {transform_indices = #map1}, {transform_indices = #map}, {transform_indices = #map}]} {
    %mul3A = arith.constant 16 : i32
    %mul3A_0 = arith.muli %arg0, %mul3A : i32
    %add3A = arith.addi %mul3A_0, %arg1 : i32
    %mul3A_1 = arith.constant 10000 : i32
    %mul3A_2 = arith.muli %add3A, %mul3A_1 : i32
    "tpu.region"() ({
      %run_scoped3A_12 = tpu.sem_alloc : memref<!tpu.dma_semaphore, #tpu.memory_space<semaphore_mem>>
      %dma_start3A = arith.constant 0 : i32
      %dma_start3A_13 = arith.constant 0 : i32
      %dma_start3A_14 = tpu.memref_slice %arg3[%add3A, %dma_start3A, %dma_start3A_13] : memref<32x125x80xi32, #tpu.memory_space<hbm>> -> memref<1x125x80xi32, #tpu.memory_space<hbm>>
      %dma_start3A_15 = tpu.memref_squeeze %dma_start3A_14 : memref<1x125x80xi32, #tpu.memory_space<hbm>> -> memref<125x80xi32, #tpu.memory_space<hbm>>
      %dma_start3A_16 = arith.constant 0 : i32
      %dma_start3A_17 = arith.constant 0 : i32
      %dma_start3A_18 = tpu.memref_slice %arg3[%add3A, %dma_start3A_16, %dma_start3A_17] : memref<32x125x80xi32, #tpu.memory_space<hbm>> -> memref<1x125x80xi32, #tpu.memory_space<hbm>>
      %dma_start3A_19 = tpu.memref_squeeze %dma_start3A_18 : memref<1x125x80xi32, #tpu.memory_space<hbm>> -> memref<125x80xi32, #tpu.memory_space<hbm>>
      tpu.enqueue_dma source(%dma_start3A_19 : memref<125x80xi32, #tpu.memory_space<hbm>>) target(%arg7 : memref<125x80xi32, #tpu.memory_space<vmem>>) target_semaphore(%run_scoped3A_12 : memref<!tpu.dma_semaphore, #tpu.memory_space<semaphore_mem>>)
      %dma_wait3A = arith.constant 0 : i32
      %dma_wait3A_20 = arith.constant 0 : i32
      %dma_wait3A_21 = tpu.memref_slice %arg3[%add3A, %dma_wait3A, %dma_wait3A_20] : memref<32x125x80xi32, #tpu.memory_space<hbm>> -> memref<1x125x80xi32, #tpu.memory_space<hbm>>
      %dma_wait3A_22 = tpu.memref_squeeze %dma_wait3A_21 : memref<1x125x80xi32, #tpu.memory_space<hbm>> -> memref<125x80xi32, #tpu.memory_space<hbm>>
      %dma_wait3A_23 = arith.constant 0 : i32
      %dma_wait3A_24 = arith.constant 0 : i32
      %dma_wait3A_25 = tpu.memref_slice %arg3[%add3A, %dma_wait3A_23, %dma_wait3A_24] : memref<32x125x80xi32, #tpu.memory_space<hbm>> -> memref<1x125x80xi32, #tpu.memory_space<hbm>>
      %dma_wait3A_26 = tpu.memref_squeeze %dma_wait3A_25 : memref<1x125x80xi32, #tpu.memory_space<hbm>> -> memref<125x80xi32, #tpu.memory_space<hbm>>
      tpu.wait_dma2 semaphore(%run_scoped3A_12 : memref<!tpu.dma_semaphore, #tpu.memory_space<semaphore_mem>>) src(%dma_wait3A_26 : memref<125x80xi32, #tpu.memory_space<hbm>>) dst(%arg7 : memref<125x80xi32, #tpu.memory_space<vmem>>)
      tpu.yield
    }) : () -> ()
    "tpu.region"() ({
      %run_scoped3A_12 = tpu.sem_alloc : memref<!tpu.dma_semaphore, #tpu.memory_space<semaphore_mem>>
      %dma_start3A = arith.constant 0 : i32
      %dma_start3A_13 = arith.constant 0 : i32
      %dma_start3A_14 = tpu.memref_slice %arg4[%add3A, %dma_start3A, %dma_start3A_13] : memref<32x125x80xi32, #tpu.memory_space<hbm>> -> memref<1x125x80xi32, #tpu.memory_space<hbm>>
      %dma_start3A_15 = tpu.memref_squeeze %dma_start3A_14 : memref<1x125x80xi32, #tpu.memory_space<hbm>> -> memref<125x80xi32, #tpu.memory_space<hbm>>
      %dma_start3A_16 = arith.constant 0 : i32
      %dma_start3A_17 = arith.constant 0 : i32
      %dma_start3A_18 = tpu.memref_slice %arg4[%add3A, %dma_start3A_16, %dma_start3A_17] : memref<32x125x80xi32, #tpu.memory_space<hbm>> -> memref<1x125x80xi32, #tpu.memory_space<hbm>>
      %dma_start3A_19 = tpu.memref_squeeze %dma_start3A_18 : memref<1x125x80xi32, #tpu.memory_space<hbm>> -> memref<125x80xi32, #tpu.memory_space<hbm>>
      tpu.enqueue_dma source(%dma_start3A_19 : memref<125x80xi32, #tpu.memory_space<hbm>>) target(%arg8 : memref<125x80xi32, #tpu.memory_space<vmem>>) target_semaphore(%run_scoped3A_12 : memref<!tpu.dma_semaphore, #tpu.memory_space<semaphore_mem>>)
      %dma_wait3A = arith.constant 0 : i32
      %dma_wait3A_20 = arith.constant 0 : i32
      %dma_wait3A_21 = tpu.memref_slice %arg4[%add3A, %dma_wait3A, %dma_wait3A_20] : memref<32x125x80xi32, #tpu.memory_space<hbm>> -> memref<1x125x80xi32, #tpu.memory_space<hbm>>
      %dma_wait3A_22 = tpu.memref_squeeze %dma_wait3A_21 : memref<1x125x80xi32, #tpu.memory_space<hbm>> -> memref<125x80xi32, #tpu.memory_space<hbm>>
      %dma_wait3A_23 = arith.constant 0 : i32
      %dma_wait3A_24 = arith.constant 0 : i32
      %dma_wait3A_25 = tpu.memref_slice %arg4[%add3A, %dma_wait3A_23, %dma_wait3A_24] : memref<32x125x80xi32, #tpu.memory_space<hbm>> -> memref<1x125x80xi32, #tpu.memory_space<hbm>>
      %dma_wait3A_26 = tpu.memref_squeeze %dma_wait3A_25 : memref<1x125x80xi32, #tpu.memory_space<hbm>> -> memref<125x80xi32, #tpu.memory_space<hbm>>
      tpu.wait_dma2 semaphore(%run_scoped3A_12 : memref<!tpu.dma_semaphore, #tpu.memory_space<semaphore_mem>>) src(%dma_wait3A_26 : memref<125x80xi32, #tpu.memory_space<hbm>>) dst(%arg8 : memref<125x80xi32, #tpu.memory_space<vmem>>)
      tpu.yield
    }) : () -> ()
    %scan3A = arith.constant 0 : i32
    %scan3A_3 = arith.constant 62 : i32
    %scan3A_4 = arith.addi %scan3A, %scan3A_3 : i32
    %scan3A_5 = arith.constant 1 : i32
    scf.for %scan3A_12 = %scan3A to %scan3A_4 step %scan3A_5  : i32 {
      %mul3A_13 = arith.constant 1 : i32
      %mul3A_14 = arith.muli %scan3A_12, %mul3A_13 : i32
      %add3A_15 = arith.constant 0 : i32
      %add3A_16 = arith.addi %add3A_15, %mul3A_14 : i32
      %mul3A_17 = arith.constant 2 : i32
      %mul3A_18 = arith.muli %add3A_16, %mul3A_17 : i32
      %add3A_19 = arith.constant 0 : i32
      %add3A_20 = arith.addi %mul3A_18, %add3A_19 : i32
      "tpu.region"() ({
        %run_scoped3A_37 = tpu.sem_alloc : memref<!tpu.dma_semaphore, #tpu.memory_space<semaphore_mem>>
        %dma_start3A = arith.constant 0 : i32
        %dma_start3A_38 = tpu.memref_slice %arg7[%add3A_20, %dma_start3A] : memref<125x80xi32, #tpu.memory_space<vmem>> -> memref<1x80xi32, #tpu.memory_space<vmem>>
        %dma_start3A_39 = tpu.memref_squeeze %dma_start3A_38 : memref<1x80xi32, #tpu.memory_space<vmem>> -> memref<80xi32, #tpu.memory_space<vmem>>
        %dma_start3A_40 = arith.constant 0 : i32
        %dma_start3A_41 = arith.constant 0 : i32
        %dma_start3A_42 = tpu.memref_slice %arg2[%dma_start3A_40, %dma_start3A_41] : memref<10000x128xf32, #tpu.memory_space<hbm>> -> memref<10000x128xf32, #tpu.memory_space<hbm>>
        tpu.enqueue_indirect_dma source(%dma_start3A_42 : memref<10000x128xf32, #tpu.memory_space<hbm>>) target(%arg9 : memref<80x128xf32, #tpu.memory_space<vmem>>) offsets(%dma_start3A_39 : memref<80xi32, #tpu.memory_space<vmem>>) semaphore(%run_scoped3A_37 : memref<!tpu.dma_semaphore, #tpu.memory_space<semaphore_mem>>)
        %dma_wait3A = arith.constant 0 : i32
        %dma_wait3A_43 = tpu.memref_slice %arg7[%add3A_20, %dma_wait3A] : memref<125x80xi32, #tpu.memory_space<vmem>> -> memref<1x80xi32, #tpu.memory_space<vmem>>
        %dma_wait3A_44 = tpu.memref_squeeze %dma_wait3A_43 : memref<1x80xi32, #tpu.memory_space<vmem>> -> memref<80xi32, #tpu.memory_space<vmem>>
        %dma_wait3A_45 = arith.constant 0 : i32
        %dma_wait3A_46 = arith.constant 0 : i32
        %dma_wait3A_47 = tpu.memref_slice %arg2[%dma_wait3A_45, %dma_wait3A_46] : memref<10000x128xf32, #tpu.memory_space<hbm>> -> memref<10000x128xf32, #tpu.memory_space<hbm>>
        tpu.wait_indirect_dma semaphore(%run_scoped3A_37 : memref<!tpu.dma_semaphore, #tpu.memory_space<semaphore_mem>>) src(%dma_wait3A_47 : memref<10000x128xf32, #tpu.memory_space<hbm>>) dst(%arg9 : memref<80x128xf32, #tpu.memory_space<vmem>>)
        tpu.yield
      }) : () -> ()
      %mul3A_21 = arith.constant 80 : i32
      %mul3A_22 = arith.muli %add3A_20, %mul3A_21 : i32
      %add3A_23 = arith.addi %mul3A_2, %mul3A_22 : i32
      "tpu.region"() ({
        %run_scoped3A_37 = tpu.sem_alloc : memref<!tpu.dma_semaphore, #tpu.memory_space<semaphore_mem>>
        %dma_start3A = arith.constant 0 : i32
        %dma_start3A_38 = tpu.memref_slice %arg5[%add3A_23, %dma_start3A] : memref<320000x128xf32, #tpu.memory_space<hbm>> -> memref<80x128xf32, #tpu.memory_space<hbm>>
        %dma_start3A_39 = arith.constant 0 : i32
        %dma_start3A_40 = tpu.memref_slice %arg5[%add3A_23, %dma_start3A_39] : memref<320000x128xf32, #tpu.memory_space<hbm>> -> memref<80x128xf32, #tpu.memory_space<hbm>>
        tpu.enqueue_dma source(%arg9 : memref<80x128xf32, #tpu.memory_space<vmem>>) target(%dma_start3A_40 : memref<80x128xf32, #tpu.memory_space<hbm>>) target_semaphore(%run_scoped3A_37 : memref<!tpu.dma_semaphore, #tpu.memory_space<semaphore_mem>>)
        %dma_wait3A = arith.constant 0 : i32
        %dma_wait3A_41 = tpu.memref_slice %arg5[%add3A_23, %dma_wait3A] : memref<320000x128xf32, #tpu.memory_space<hbm>> -> memref<80x128xf32, #tpu.memory_space<hbm>>
        %dma_wait3A_42 = arith.constant 0 : i32
        %dma_wait3A_43 = tpu.memref_slice %arg5[%add3A_23, %dma_wait3A_42] : memref<320000x128xf32, #tpu.memory_space<hbm>> -> memref<80x128xf32, #tpu.memory_space<hbm>>
        tpu.wait_dma2 semaphore(%run_scoped3A_37 : memref<!tpu.dma_semaphore, #tpu.memory_space<semaphore_mem>>) src(%arg9 : memref<80x128xf32, #tpu.memory_space<vmem>>) dst(%dma_wait3A_43 : memref<80x128xf32, #tpu.memory_space<hbm>>)
        tpu.yield
      }) : () -> ()
      "tpu.region"() ({
        %run_scoped3A_37 = tpu.sem_alloc : memref<!tpu.dma_semaphore, #tpu.memory_space<semaphore_mem>>
        %dma_start3A = arith.constant 0 : i32
        %dma_start3A_38 = tpu.memref_slice %arg8[%add3A_20, %dma_start3A] : memref<125x80xi32, #tpu.memory_space<vmem>> -> memref<1x80xi32, #tpu.memory_space<vmem>>
        %dma_start3A_39 = tpu.memref_squeeze %dma_start3A_38 : memref<1x80xi32, #tpu.memory_space<vmem>> -> memref<80xi32, #tpu.memory_space<vmem>>
        %dma_start3A_40 = arith.constant 0 : i32
        %dma_start3A_41 = arith.constant 0 : i32
        %dma_start3A_42 = tpu.memref_slice %arg2[%dma_start3A_40, %dma_start3A_41] : memref<10000x128xf32, #tpu.memory_space<hbm>> -> memref<10000x128xf32, #tpu.memory_space<hbm>>
        tpu.enqueue_indirect_dma source(%dma_start3A_42 : memref<10000x128xf32, #tpu.memory_space<hbm>>) target(%arg10 : memref<80x128xf32, #tpu.memory_space<vmem>>) offsets(%dma_start3A_39 : memref<80xi32, #tpu.memory_space<vmem>>) semaphore(%run_scoped3A_37 : memref<!tpu.dma_semaphore, #tpu.memory_space<semaphore_mem>>)
        %dma_wait3A = arith.constant 0 : i32
        %dma_wait3A_43 = tpu.memref_slice %arg8[%add3A_20, %dma_wait3A] : memref<125x80xi32, #tpu.memory_space<vmem>> -> memref<1x80xi32, #tpu.memory_space<vmem>>
        %dma_wait3A_44 = tpu.memref_squeeze %dma_wait3A_43 : memref<1x80xi32, #tpu.memory_space<vmem>> -> memref<80xi32, #tpu.memory_space<vmem>>
        %dma_wait3A_45 = arith.constant 0 : i32
        %dma_wait3A_46 = arith.constant 0 : i32
        %dma_wait3A_47 = tpu.memref_slice %arg2[%dma_wait3A_45, %dma_wait3A_46] : memref<10000x128xf32, #tpu.memory_space<hbm>> -> memref<10000x128xf32, #tpu.memory_space<hbm>>
        tpu.wait_indirect_dma semaphore(%run_scoped3A_37 : memref<!tpu.dma_semaphore, #tpu.memory_space<semaphore_mem>>) src(%dma_wait3A_47 : memref<10000x128xf32, #tpu.memory_space<hbm>>) dst(%arg10 : memref<80x128xf32, #tpu.memory_space<vmem>>)
        tpu.yield
      }) : () -> ()
      %mul3A_24 = arith.constant 80 : i32
      %mul3A_25 = arith.muli %add3A_20, %mul3A_24 : i32
      %add3A_26 = arith.addi %mul3A_2, %mul3A_25 : i32
      "tpu.region"() ({
        %run_scoped3A_37 = tpu.sem_alloc : memref<!tpu.dma_semaphore, #tpu.memory_space<semaphore_mem>>
        %dma_start3A = arith.constant 0 : i32
        %dma_start3A_38 = tpu.memref_slice %arg6[%add3A_26, %dma_start3A] : memref<320000x128xf32, #tpu.memory_space<hbm>> -> memref<80x128xf32, #tpu.memory_space<hbm>>
        %dma_start3A_39 = arith.constant 0 : i32
        %dma_start3A_40 = tpu.memref_slice %arg6[%add3A_26, %dma_start3A_39] : memref<320000x128xf32, #tpu.memory_space<hbm>> -> memref<80x128xf32, #tpu.memory_space<hbm>>
        tpu.enqueue_dma source(%arg10 : memref<80x128xf32, #tpu.memory_space<vmem>>) target(%dma_start3A_40 : memref<80x128xf32, #tpu.memory_space<hbm>>) target_semaphore(%run_scoped3A_37 : memref<!tpu.dma_semaphore, #tpu.memory_space<semaphore_mem>>)
        %dma_wait3A = arith.constant 0 : i32
        %dma_wait3A_41 = tpu.memref_slice %arg6[%add3A_26, %dma_wait3A] : memref<320000x128xf32, #tpu.memory_space<hbm>> -> memref<80x128xf32, #tpu.memory_space<hbm>>
        %dma_wait3A_42 = arith.constant 0 : i32
        %dma_wait3A_43 = tpu.memref_slice %arg6[%add3A_26, %dma_wait3A_42] : memref<320000x128xf32, #tpu.memory_space<hbm>> -> memref<80x128xf32, #tpu.memory_space<hbm>>
        tpu.wait_dma2 semaphore(%run_scoped3A_37 : memref<!tpu.dma_semaphore, #tpu.memory_space<semaphore_mem>>) src(%arg10 : memref<80x128xf32, #tpu.memory_space<vmem>>) dst(%dma_wait3A_43 : memref<80x128xf32, #tpu.memory_space<hbm>>)
        tpu.yield
      }) : () -> ()
      %mul3A_27 = arith.constant 2 : i32
      %mul3A_28 = arith.muli %add3A_16, %mul3A_27 : i32
      %add3A_29 = arith.constant 1 : i32
      %add3A_30 = arith.addi %mul3A_28, %add3A_29 : i32
      "tpu.region"() ({
        %run_scoped3A_37 = tpu.sem_alloc : memref<!tpu.dma_semaphore, #tpu.memory_space<semaphore_mem>>
        %dma_start3A = arith.constant 0 : i32
        %dma_start3A_38 = tpu.memref_slice %arg7[%add3A_30, %dma_start3A] : memref<125x80xi32, #tpu.memory_space<vmem>> -> memref<1x80xi32, #tpu.memory_space<vmem>>
        %dma_start3A_39 = tpu.memref_squeeze %dma_start3A_38 : memref<1x80xi32, #tpu.memory_space<vmem>> -> memref<80xi32, #tpu.memory_space<vmem>>
        %dma_start3A_40 = arith.constant 0 : i32
        %dma_start3A_41 = arith.constant 0 : i32
        %dma_start3A_42 = tpu.memref_slice %arg2[%dma_start3A_40, %dma_start3A_41] : memref<10000x128xf32, #tpu.memory_space<hbm>> -> memref<10000x128xf32, #tpu.memory_space<hbm>>
        tpu.enqueue_indirect_dma source(%dma_start3A_42 : memref<10000x128xf32, #tpu.memory_space<hbm>>) target(%arg11 : memref<80x128xf32, #tpu.memory_space<vmem>>) offsets(%dma_start3A_39 : memref<80xi32, #tpu.memory_space<vmem>>) semaphore(%run_scoped3A_37 : memref<!tpu.dma_semaphore, #tpu.memory_space<semaphore_mem>>)
        %dma_wait3A = arith.constant 0 : i32
        %dma_wait3A_43 = tpu.memref_slice %arg7[%add3A_30, %dma_wait3A] : memref<125x80xi32, #tpu.memory_space<vmem>> -> memref<1x80xi32, #tpu.memory_space<vmem>>
        %dma_wait3A_44 = tpu.memref_squeeze %dma_wait3A_43 : memref<1x80xi32, #tpu.memory_space<vmem>> -> memref<80xi32, #tpu.memory_space<vmem>>
        %dma_wait3A_45 = arith.constant 0 : i32
        %dma_wait3A_46 = arith.constant 0 : i32
        %dma_wait3A_47 = tpu.memref_slice %arg2[%dma_wait3A_45, %dma_wait3A_46] : memref<10000x128xf32, #tpu.memory_space<hbm>> -> memref<10000x128xf32, #tpu.memory_space<hbm>>
        tpu.wait_indirect_dma semaphore(%run_scoped3A_37 : memref<!tpu.dma_semaphore, #tpu.memory_space<semaphore_mem>>) src(%dma_wait3A_47 : memref<10000x128xf32, #tpu.memory_space<hbm>>) dst(%arg11 : memref<80x128xf32, #tpu.memory_space<vmem>>)
        tpu.yield
      }) : () -> ()
      %mul3A_31 = arith.constant 80 : i32
      %mul3A_32 = arith.muli %add3A_30, %mul3A_31 : i32
      %add3A_33 = arith.addi %mul3A_2, %mul3A_32 : i32
      "tpu.region"() ({
        %run_scoped3A_37 = tpu.sem_alloc : memref<!tpu.dma_semaphore, #tpu.memory_space<semaphore_mem>>
        %dma_start3A = arith.constant 0 : i32
        %dma_start3A_38 = tpu.memref_slice %arg5[%add3A_33, %dma_start3A] : memref<320000x128xf32, #tpu.memory_space<hbm>> -> memref<80x128xf32, #tpu.memory_space<hbm>>
        %dma_start3A_39 = arith.constant 0 : i32
        %dma_start3A_40 = tpu.memref_slice %arg5[%add3A_33, %dma_start3A_39] : memref<320000x128xf32, #tpu.memory_space<hbm>> -> memref<80x128xf32, #tpu.memory_space<hbm>>
        tpu.enqueue_dma source(%arg11 : memref<80x128xf32, #tpu.memory_space<vmem>>) target(%dma_start3A_40 : memref<80x128xf32, #tpu.memory_space<hbm>>) target_semaphore(%run_scoped3A_37 : memref<!tpu.dma_semaphore, #tpu.memory_space<semaphore_mem>>)
        %dma_wait3A = arith.constant 0 : i32
        %dma_wait3A_41 = tpu.memref_slice %arg5[%add3A_33, %dma_wait3A] : memref<320000x128xf32, #tpu.memory_space<hbm>> -> memref<80x128xf32, #tpu.memory_space<hbm>>
        %dma_wait3A_42 = arith.constant 0 : i32
        %dma_wait3A_43 = tpu.memref_slice %arg5[%add3A_33, %dma_wait3A_42] : memref<320000x128xf32, #tpu.memory_space<hbm>> -> memref<80x128xf32, #tpu.memory_space<hbm>>
        tpu.wait_dma2 semaphore(%run_scoped3A_37 : memref<!tpu.dma_semaphore, #tpu.memory_space<semaphore_mem>>) src(%arg11 : memref<80x128xf32, #tpu.memory_space<vmem>>) dst(%dma_wait3A_43 : memref<80x128xf32, #tpu.memory_space<hbm>>)
        tpu.yield
      }) : () -> ()
      "tpu.region"() ({
        %run_scoped3A_37 = tpu.sem_alloc : memref<!tpu.dma_semaphore, #tpu.memory_space<semaphore_mem>>
        %dma_start3A = arith.constant 0 : i32
        %dma_start3A_38 = tpu.memref_slice %arg8[%add3A_30, %dma_start3A] : memref<125x80xi32, #tpu.memory_space<vmem>> -> memref<1x80xi32, #tpu.memory_space<vmem>>
        %dma_start3A_39 = tpu.memref_squeeze %dma_start3A_38 : memref<1x80xi32, #tpu.memory_space<vmem>> -> memref<80xi32, #tpu.memory_space<vmem>>
        %dma_start3A_40 = arith.constant 0 : i32
        %dma_start3A_41 = arith.constant 0 : i32
        %dma_start3A_42 = tpu.memref_slice %arg2[%dma_start3A_40, %dma_start3A_41] : memref<10000x128xf32, #tpu.memory_space<hbm>> -> memref<10000x128xf32, #tpu.memory_space<hbm>>
        tpu.enqueue_indirect_dma source(%dma_start3A_42 : memref<10000x128xf32, #tpu.memory_space<hbm>>) target(%arg12 : memref<80x128xf32, #tpu.memory_space<vmem>>) offsets(%dma_start3A_39 : memref<80xi32, #tpu.memory_space<vmem>>) semaphore(%run_scoped3A_37 : memref<!tpu.dma_semaphore, #tpu.memory_space<semaphore_mem>>)
        %dma_wait3A = arith.constant 0 : i32
        %dma_wait3A_43 = tpu.memref_slice %arg8[%add3A_30, %dma_wait3A] : memref<125x80xi32, #tpu.memory_space<vmem>> -> memref<1x80xi32, #tpu.memory_space<vmem>>
        %dma_wait3A_44 = tpu.memref_squeeze %dma_wait3A_43 : memref<1x80xi32, #tpu.memory_space<vmem>> -> memref<80xi32, #tpu.memory_space<vmem>>
        %dma_wait3A_45 = arith.constant 0 : i32
        %dma_wait3A_46 = arith.constant 0 : i32
        %dma_wait3A_47 = tpu.memref_slice %arg2[%dma_wait3A_45, %dma_wait3A_46] : memref<10000x128xf32, #tpu.memory_space<hbm>> -> memref<10000x128xf32, #tpu.memory_space<hbm>>
        tpu.wait_indirect_dma semaphore(%run_scoped3A_37 : memref<!tpu.dma_semaphore, #tpu.memory_space<semaphore_mem>>) src(%dma_wait3A_47 : memref<10000x128xf32, #tpu.memory_space<hbm>>) dst(%arg12 : memref<80x128xf32, #tpu.memory_space<vmem>>)
        tpu.yield
      }) : () -> ()
      %mul3A_34 = arith.constant 80 : i32
      %mul3A_35 = arith.muli %add3A_30, %mul3A_34 : i32
      %add3A_36 = arith.addi %mul3A_2, %mul3A_35 : i32
      "tpu.region"() ({
        %run_scoped3A_37 = tpu.sem_alloc : memref<!tpu.dma_semaphore, #tpu.memory_space<semaphore_mem>>
        %dma_start3A = arith.constant 0 : i32
        %dma_start3A_38 = tpu.memref_slice %arg6[%add3A_36, %dma_start3A] : memref<320000x128xf32, #tpu.memory_space<hbm>> -> memref<80x128xf32, #tpu.memory_space<hbm>>
        %dma_start3A_39 = arith.constant 0 : i32
        %dma_start3A_40 = tpu.memref_slice %arg6[%add3A_36, %dma_start3A_39] : memref<320000x128xf32, #tpu.memory_space<hbm>> -> memref<80x128xf32, #tpu.memory_space<hbm>>
        tpu.enqueue_dma source(%arg12 : memref<80x128xf32, #tpu.memory_space<vmem>>) target(%dma_start3A_40 : memref<80x128xf32, #tpu.memory_space<hbm>>) target_semaphore(%run_scoped3A_37 : memref<!tpu.dma_semaphore, #tpu.memory_space<semaphore_mem>>)
        %dma_wait3A = arith.constant 0 : i32
        %dma_wait3A_41 = tpu.memref_slice %arg6[%add3A_36, %dma_wait3A] : memref<320000x128xf32, #tpu.memory_space<hbm>> -> memref<80x128xf32, #tpu.memory_space<hbm>>
        %dma_wait3A_42 = arith.constant 0 : i32
        %dma_wait3A_43 = tpu.memref_slice %arg6[%add3A_36, %dma_wait3A_42] : memref<320000x128xf32, #tpu.memory_space<hbm>> -> memref<80x128xf32, #tpu.memory_space<hbm>>
        tpu.wait_dma2 semaphore(%run_scoped3A_37 : memref<!tpu.dma_semaphore, #tpu.memory_space<semaphore_mem>>) src(%arg12 : memref<80x128xf32, #tpu.memory_space<vmem>>) dst(%dma_wait3A_43 : memref<80x128xf32, #tpu.memory_space<hbm>>)
        tpu.yield
      }) : () -> ()
    }
    %scan3A_6 = arith.constant 62 : i32
    %run_scoped3A = arith.constant 124 : i32
    "tpu.region"() ({
      %run_scoped3A_12 = tpu.sem_alloc : memref<!tpu.dma_semaphore, #tpu.memory_space<semaphore_mem>>
      %dma_start3A = arith.constant 0 : i32
      %dma_start3A_13 = tpu.memref_slice %arg7[%run_scoped3A, %dma_start3A] : memref<125x80xi32, #tpu.memory_space<vmem>> -> memref<1x80xi32, #tpu.memory_space<vmem>>
      %dma_start3A_14 = tpu.memref_squeeze %dma_start3A_13 : memref<1x80xi32, #tpu.memory_space<vmem>> -> memref<80xi32, #tpu.memory_space<vmem>>
      %dma_start3A_15 = arith.constant 0 : i32
      %dma_start3A_16 = arith.constant 0 : i32
      %dma_start3A_17 = tpu.memref_slice %arg2[%dma_start3A_15, %dma_start3A_16] : memref<10000x128xf32, #tpu.memory_space<hbm>> -> memref<10000x128xf32, #tpu.memory_space<hbm>>
      tpu.enqueue_indirect_dma source(%dma_start3A_17 : memref<10000x128xf32, #tpu.memory_space<hbm>>) target(%arg9 : memref<80x128xf32, #tpu.memory_space<vmem>>) offsets(%dma_start3A_14 : memref<80xi32, #tpu.memory_space<vmem>>) semaphore(%run_scoped3A_12 : memref<!tpu.dma_semaphore, #tpu.memory_space<semaphore_mem>>)
      %dma_wait3A = arith.constant 0 : i32
      %dma_wait3A_18 = tpu.memref_slice %arg7[%run_scoped3A, %dma_wait3A] : memref<125x80xi32, #tpu.memory_space<vmem>> -> memref<1x80xi32, #tpu.memory_space<vmem>>
      %dma_wait3A_19 = tpu.memref_squeeze %dma_wait3A_18 : memref<1x80xi32, #tpu.memory_space<vmem>> -> memref<80xi32, #tpu.memory_space<vmem>>
      %dma_wait3A_20 = arith.constant 0 : i32
      %dma_wait3A_21 = arith.constant 0 : i32
      %dma_wait3A_22 = tpu.memref_slice %arg2[%dma_wait3A_20, %dma_wait3A_21] : memref<10000x128xf32, #tpu.memory_space<hbm>> -> memref<10000x128xf32, #tpu.memory_space<hbm>>
      tpu.wait_indirect_dma semaphore(%run_scoped3A_12 : memref<!tpu.dma_semaphore, #tpu.memory_space<semaphore_mem>>) src(%dma_wait3A_22 : memref<10000x128xf32, #tpu.memory_space<hbm>>) dst(%arg9 : memref<80x128xf32, #tpu.memory_space<vmem>>)
      tpu.yield
    }) : () -> ()
    %add3A_7 = arith.constant 9920 : i32
    %add3A_8 = arith.addi %mul3A_2, %add3A_7 : i32
    "tpu.region"() ({
      %run_scoped3A_12 = tpu.sem_alloc : memref<!tpu.dma_semaphore, #tpu.memory_space<semaphore_mem>>
      %dma_start3A = arith.constant 0 : i32
      %dma_start3A_13 = tpu.memref_slice %arg5[%add3A_8, %dma_start3A] : memref<320000x128xf32, #tpu.memory_space<hbm>> -> memref<80x128xf32, #tpu.memory_space<hbm>>
      %dma_start3A_14 = arith.constant 0 : i32
      %dma_start3A_15 = tpu.memref_slice %arg5[%add3A_8, %dma_start3A_14] : memref<320000x128xf32, #tpu.memory_space<hbm>> -> memref<80x128xf32, #tpu.memory_space<hbm>>
      tpu.enqueue_dma source(%arg9 : memref<80x128xf32, #tpu.memory_space<vmem>>) target(%dma_start3A_15 : memref<80x128xf32, #tpu.memory_space<hbm>>) target_semaphore(%run_scoped3A_12 : memref<!tpu.dma_semaphore, #tpu.memory_space<semaphore_mem>>)
      %dma_wait3A = arith.constant 0 : i32
      %dma_wait3A_16 = tpu.memref_slice %arg5[%add3A_8, %dma_wait3A] : memref<320000x128xf32, #tpu.memory_space<hbm>> -> memref<80x128xf32, #tpu.memory_space<hbm>>
      %dma_wait3A_17 = arith.constant 0 : i32
      %dma_wait3A_18 = tpu.memref_slice %arg5[%add3A_8, %dma_wait3A_17] : memref<320000x128xf32, #tpu.memory_space<hbm>> -> memref<80x128xf32, #tpu.memory_space<hbm>>
      tpu.wait_dma2 semaphore(%run_scoped3A_12 : memref<!tpu.dma_semaphore, #tpu.memory_space<semaphore_mem>>) src(%arg9 : memref<80x128xf32, #tpu.memory_space<vmem>>) dst(%dma_wait3A_18 : memref<80x128xf32, #tpu.memory_space<hbm>>)
      tpu.yield
    }) : () -> ()
    %run_scoped3A_9 = arith.constant 124 : i32
    "tpu.region"() ({
      %run_scoped3A_12 = tpu.sem_alloc : memref<!tpu.dma_semaphore, #tpu.memory_space<semaphore_mem>>
      %dma_start3A = arith.constant 0 : i32
      %dma_start3A_13 = tpu.memref_slice %arg8[%run_scoped3A_9, %dma_start3A] : memref<125x80xi32, #tpu.memory_space<vmem>> -> memref<1x80xi32, #tpu.memory_space<vmem>>
      %dma_start3A_14 = tpu.memref_squeeze %dma_start3A_13 : memref<1x80xi32, #tpu.memory_space<vmem>> -> memref<80xi32, #tpu.memory_space<vmem>>
      %dma_start3A_15 = arith.constant 0 : i32
      %dma_start3A_16 = arith.constant 0 : i32
      %dma_start3A_17 = tpu.memref_slice %arg2[%dma_start3A_15, %dma_start3A_16] : memref<10000x128xf32, #tpu.memory_space<hbm>> -> memref<10000x128xf32, #tpu.memory_space<hbm>>
      tpu.enqueue_indirect_dma source(%dma_start3A_17 : memref<10000x128xf32, #tpu.memory_space<hbm>>) target(%arg10 : memref<80x128xf32, #tpu.memory_space<vmem>>) offsets(%dma_start3A_14 : memref<80xi32, #tpu.memory_space<vmem>>) semaphore(%run_scoped3A_12 : memref<!tpu.dma_semaphore, #tpu.memory_space<semaphore_mem>>)
      %dma_wait3A = arith.constant 0 : i32
      %dma_wait3A_18 = tpu.memref_slice %arg8[%run_scoped3A_9, %dma_wait3A] : memref<125x80xi32, #tpu.memory_space<vmem>> -> memref<1x80xi32, #tpu.memory_space<vmem>>
      %dma_wait3A_19 = tpu.memref_squeeze %dma_wait3A_18 : memref<1x80xi32, #tpu.memory_space<vmem>> -> memref<80xi32, #tpu.memory_space<vmem>>
      %dma_wait3A_20 = arith.constant 0 : i32
      %dma_wait3A_21 = arith.constant 0 : i32
      %dma_wait3A_22 = tpu.memref_slice %arg2[%dma_wait3A_20, %dma_wait3A_21] : memref<10000x128xf32, #tpu.memory_space<hbm>> -> memref<10000x128xf32, #tpu.memory_space<hbm>>
      tpu.wait_indirect_dma semaphore(%run_scoped3A_12 : memref<!tpu.dma_semaphore, #tpu.memory_space<semaphore_mem>>) src(%dma_wait3A_22 : memref<10000x128xf32, #tpu.memory_space<hbm>>) dst(%arg10 : memref<80x128xf32, #tpu.memory_space<vmem>>)
      tpu.yield
    }) : () -> ()
    %add3A_10 = arith.constant 9920 : i32
    %add3A_11 = arith.addi %mul3A_2, %add3A_10 : i32
    "tpu.region"() ({
      %run_scoped3A_12 = tpu.sem_alloc : memref<!tpu.dma_semaphore, #tpu.memory_space<semaphore_mem>>
      %dma_start3A = arith.constant 0 : i32
      %dma_start3A_13 = tpu.memref_slice %arg6[%add3A_11, %dma_start3A] : memref<320000x128xf32, #tpu.memory_space<hbm>> -> memref<80x128xf32, #tpu.memory_space<hbm>>
      %dma_start3A_14 = arith.constant 0 : i32
      %dma_start3A_15 = tpu.memref_slice %arg6[%add3A_11, %dma_start3A_14] : memref<320000x128xf32, #tpu.memory_space<hbm>> -> memref<80x128xf32, #tpu.memory_space<hbm>>
      tpu.enqueue_dma source(%arg10 : memref<80x128xf32, #tpu.memory_space<vmem>>) target(%dma_start3A_15 : memref<80x128xf32, #tpu.memory_space<hbm>>) target_semaphore(%run_scoped3A_12 : memref<!tpu.dma_semaphore, #tpu.memory_space<semaphore_mem>>)
      %dma_wait3A = arith.constant 0 : i32
      %dma_wait3A_16 = tpu.memref_slice %arg6[%add3A_11, %dma_wait3A] : memref<320000x128xf32, #tpu.memory_space<hbm>> -> memref<80x128xf32, #tpu.memory_space<hbm>>
      %dma_wait3A_17 = arith.constant 0 : i32
      %dma_wait3A_18 = tpu.memref_slice %arg6[%add3A_11, %dma_wait3A_17] : memref<320000x128xf32, #tpu.memory_space<hbm>> -> memref<80x128xf32, #tpu.memory_space<hbm>>
      tpu.wait_dma2 semaphore(%run_scoped3A_12 : memref<!tpu.dma_semaphore, #tpu.memory_space<semaphore_mem>>) src(%arg10 : memref<80x128xf32, #tpu.memory_space<vmem>>) dst(%dma_wait3A_18 : memref<80x128xf32, #tpu.memory_space<hbm>>)
      tpu.yield
    }) : () -> ()
    return
  }
}

module attributes {stable_mosaic.version = 14 : i64} {
  func.func @_t1_body(%arg0: i32, %arg1: memref<3200x128xf32, #tpu.memory_space<vmem>>, %arg2: memref<128x64xf32, #tpu.memory_space<vmem>>, %arg3: memref<1x64xf32, #tpu.memory_space<vmem>>, %arg4: memref<128x64xf32, #tpu.memory_space<vmem>>, %arg5: memref<1x64xf32, #tpu.memory_space<vmem>>, %arg6: memref<3200x32xf32, #tpu.memory_space<vmem>>, %arg7: memref<3200x32xf32, #tpu.memory_space<vmem>>, %arg8: memref<3200x64xf32, #tpu.memory_space<vmem>>) attributes {dimension_semantics = [#tpu.dimension_semantics<arbitrary>], iteration_bounds = array<i64: 100>, scalar_prefetch = 0 : i64, scratch_operands = 0 : i64, tpu.core_type = #tpu.core_type<tc>, window_params = [{transform_indices = @transform_0, window_bounds = array<i64: 3200, 128>}, {pipeline_mode = #tpu.pipeline_mode<synchronous>, transform_indices = @transform_1, window_bounds = array<i64: 128, 64>}, {pipeline_mode = #tpu.pipeline_mode<synchronous>, transform_indices = @transform_2, window_bounds = array<i64: 1, 64>}, {pipeline_mode = #tpu.pipeline_mode<synchronous>, transform_indices = @transform_3, window_bounds = array<i64: 128, 64>}, {pipeline_mode = #tpu.pipeline_mode<synchronous>, transform_indices = @transform_4, window_bounds = array<i64: 1, 64>}, {transform_indices = @transform_5, window_bounds = array<i64: 3200, 32>}, {transform_indices = @transform_6, window_bounds = array<i64: 3200, 32>}, {transform_indices = @transform_7, window_bounds = array<i64: 3200, 64>}]} {
    %get3A = arith.constant 0 : index
    %get3A_0 = arith.constant 0 : index
    %get3A_1 = vector.load %arg1[%get3A, %get3A_0] : memref<3200x128xf32, #tpu.memory_space<vmem>>, vector<3200x128xf32>
    %get3A_2 = arith.constant 0 : index
    %get3A_3 = arith.constant 0 : index
    %get3A_4 = vector.load %arg2[%get3A_2, %get3A_3] : memref<128x64xf32, #tpu.memory_space<vmem>>, vector<128x64xf32>
    %dot_general3A = arith.constant dense<0.000000e+00> : vector<3200x64xf32>
    %dot_general3A_5 = tpu.matmul %get3A_1, %get3A_4, %dot_general3A {dimension_numbers = #tpu.dot_dimension_numbers<[1], [0], [0], [1], [0, 0, 1, 1], [], []>, transpose_lhs_hint = false} : vector<3200x128xf32>, vector<128x64xf32>, vector<3200x64xf32> -> vector<3200x64xf32>
    %get3A_6 = arith.constant 0 : index
    %get3A_7 = arith.constant 0 : index
    %get3A_8 = vector.load %arg3[%get3A_6, %get3A_7] : memref<1x64xf32, #tpu.memory_space<vmem>>, vector<1x64xf32>
    %add3A = vector.broadcast %get3A_8 : vector<1x64xf32> to vector<3200x64xf32>
    %add3A_9 = arith.addf %dot_general3A_5, %add3A : vector<3200x64xf32>
    %slice3A = vector.extract_strided_slice %add3A_9 {offsets = [0, 0], sizes = [3200, 32], strides = [1, 1]} : vector<3200x64xf32> to vector<3200x32xf32>
    %swap3A = arith.constant 0 : index
    %swap3A_10 = arith.constant 0 : index
    %swap3A_11 = vector.load %arg6[%swap3A, %swap3A_10] : memref<3200x32xf32, #tpu.memory_space<vmem>>, vector<3200x32xf32>
    tpu.vector_store %arg6[%swap3A, %swap3A_10], %slice3A {strides = array<i32>} : memref<3200x32xf32, #tpu.memory_space<vmem>>, vector<3200x32xf32>,
    %slice3A_12 = vector.extract_strided_slice %add3A_9 {offsets = [0, 32], sizes = [3200, 32], strides = [1, 1]} : vector<3200x64xf32> to vector<3200x32xf32>
    %swap3A_13 = arith.constant 0 : index
    %swap3A_14 = arith.constant 0 : index
    %swap3A_15 = vector.load %arg7[%swap3A_13, %swap3A_14] : memref<3200x32xf32, #tpu.memory_space<vmem>>, vector<3200x32xf32>
    tpu.vector_store %arg7[%swap3A_13, %swap3A_14], %slice3A_12 {strides = array<i32>} : memref<3200x32xf32, #tpu.memory_space<vmem>>, vector<3200x32xf32>,
    %get3A_16 = arith.constant 0 : index
    %get3A_17 = arith.constant 0 : index
    %get3A_18 = vector.load %arg4[%get3A_16, %get3A_17] : memref<128x64xf32, #tpu.memory_space<vmem>>, vector<128x64xf32>
    %dot_general3A_19 = arith.constant dense<0.000000e+00> : vector<3200x64xf32>
    %dot_general3A_20 = tpu.matmul %get3A_1, %get3A_18, %dot_general3A_19 {dimension_numbers = #tpu.dot_dimension_numbers<[1], [0], [0], [1], [0, 0, 1, 1], [], []>, transpose_lhs_hint = false} : vector<3200x128xf32>, vector<128x64xf32>, vector<3200x64xf32> -> vector<3200x64xf32>
    %get3A_21 = arith.constant 0 : index
    %get3A_22 = arith.constant 0 : index
    %get3A_23 = vector.load %arg5[%get3A_21, %get3A_22] : memref<1x64xf32, #tpu.memory_space<vmem>>, vector<1x64xf32>
    %add3A_24 = vector.broadcast %get3A_23 : vector<1x64xf32> to vector<3200x64xf32>
    %add3A_25 = arith.addf %dot_general3A_20, %add3A_24 : vector<3200x64xf32>
    %max3A = arith.constant 0.000000e+00 : f32
    %max3A_26 = vector.broadcast %max3A : f32 to vector<3200x64xf32>
    %max3A_27 = arith.maximumf %add3A_25, %max3A_26 : vector<3200x64xf32>
    %swap3A_28 = arith.constant 0 : index
    %swap3A_29 = arith.constant 0 : index
    %swap3A_30 = vector.load %arg8[%swap3A_28, %swap3A_29] : memref<3200x64xf32, #tpu.memory_space<vmem>>, vector<3200x64xf32>
    tpu.vector_store %arg8[%swap3A_28, %swap3A_29], %max3A_27 {strides = array<i32>} : memref<3200x64xf32, #tpu.memory_space<vmem>>, vector<3200x64xf32>,
    return
  }
  func.func @transform_0(%arg0: i32) -> (i32, i32) {
    %c0_i32 = arith.constant 0 : i32
    %c0_i32_0 = arith.constant 0 : i32
    return %arg0, %c0_i32 : i32, i32
  }
  func.func @transform_1(%arg0: i32) -> (i32, i32) {
    %c0_i32 = arith.constant 0 : i32
    %c0_i32_0 = arith.constant 0 : i32
    %c0_i32_1 = arith.constant 0 : i32
    return %c0_i32, %c0_i32_0 : i32, i32
  }
  func.func @transform_2(%arg0: i32) -> (i32, i32) {
    %c0_i32 = arith.constant 0 : i32
    %c0_i32_0 = arith.constant 0 : i32
    %c0_i32_1 = arith.constant 0 : i32
    return %c0_i32, %c0_i32_0 : i32, i32
  }
  func.func @transform_3(%arg0: i32) -> (i32, i32) {
    %c0_i32 = arith.constant 0 : i32
    %c0_i32_0 = arith.constant 0 : i32
    %c0_i32_1 = arith.constant 0 : i32
    return %c0_i32, %c0_i32_0 : i32, i32
  }
  func.func @transform_4(%arg0: i32) -> (i32, i32) {
    %c0_i32 = arith.constant 0 : i32
    %c0_i32_0 = arith.constant 0 : i32
    %c0_i32_1 = arith.constant 0 : i32
    return %c0_i32, %c0_i32_0 : i32, i32
  }
  func.func @transform_5(%arg0: i32) -> (i32, i32) {
    %c0_i32 = arith.constant 0 : i32
    %c0_i32_0 = arith.constant 0 : i32
    return %arg0, %c0_i32 : i32, i32
  }
  func.func @transform_6(%arg0: i32) -> (i32, i32) {
    %c0_i32 = arith.constant 0 : i32
    %c0_i32_0 = arith.constant 0 : i32
    return %arg0, %c0_i32 : i32, i32
  }
  func.func @transform_7(%arg0: i32) -> (i32, i32) {
    %c0_i32 = arith.constant 0 : i32
    %c0_i32_0 = arith.constant 0 : i32
    return %arg0, %c0_i32 : i32, i32
  }
}

module attributes {stable_mosaic.version = 14 : i64} {
  func.func @_t2a_body(%arg0: i32, %arg1: memref<1000x32xf32, #tpu.memory_space<vmem>>, %arg2: memref<1000x32xf32, #tpu.memory_space<vmem>>, %arg3: memref<1000x32xf32, #tpu.memory_space<vmem>>, %arg4: memref<1000x32xf32, #tpu.memory_space<vmem>>, %arg5: memref<1000x1xf32, #tpu.memory_space<vmem>>, %arg6: memref<1000x1xf32, #tpu.memory_space<vmem>>, %arg7: memref<1000x128xf32, #tpu.memory_space<vmem>>, %arg8: memref<128x64xf32, #tpu.memory_space<vmem>>, %arg9: memref<1000x64xf32, #tpu.memory_space<vmem>>, %arg10: memref<1000x1xf32, #tpu.memory_space<vmem>>, %arg11: memref<1000x64xf32, #tpu.memory_space<vmem>>, %arg12: memref<1000x128xf32, #tpu.memory_space<vmem>>) attributes {dimension_semantics = [#tpu.dimension_semantics<arbitrary>], iteration_bounds = array<i64: 10>, scalar_prefetch = 0 : i64, scratch_operands = 0 : i64, tpu.core_type = #tpu.core_type<tc>, window_params = [{transform_indices = @transform_0, window_bounds = array<i64: 1000, 32>}, {transform_indices = @transform_1, window_bounds = array<i64: 1000, 32>}, {transform_indices = @transform_2, window_bounds = array<i64: 1000, 32>}, {transform_indices = @transform_3, window_bounds = array<i64: 1000, 32>}, {transform_indices = @transform_4, window_bounds = array<i64: 1000, 1>}, {transform_indices = @transform_5, window_bounds = array<i64: 1000, 1>}, {transform_indices = @transform_6, window_bounds = array<i64: 1000, 128>}, {pipeline_mode = #tpu.pipeline_mode<synchronous>, transform_indices = @transform_7, window_bounds = array<i64: 128, 64>}, {transform_indices = @transform_8, window_bounds = array<i64: 1000, 64>}, {transform_indices = @transform_9, window_bounds = array<i64: 1000, 1>}, {transform_indices = @transform_10, window_bounds = array<i64: 1000, 64>}, {transform_indices = @transform_11, window_bounds = array<i64: 1000, 128>}]} {
    %get3A = arith.constant 0 : index
    %get3A_0 = arith.constant 0 : index
    %get3A_1 = vector.load %arg1[%get3A, %get3A_0] : memref<1000x32xf32, #tpu.memory_space<vmem>>, vector<1000x32xf32>
    %get3A_2 = arith.constant 0 : index
    %get3A_3 = arith.constant 0 : index
    %get3A_4 = vector.load %arg2[%get3A_2, %get3A_3] : memref<1000x32xf32, #tpu.memory_space<vmem>>, vector<1000x32xf32>
    %concatenate3A = tpu.concatenate %get3A_1, %get3A_4 in 1 : vector<1000x32xf32>, vector<1000x32xf32> -> vector<1000x64xf32>
    %get3A_5 = arith.constant 0 : index
    %get3A_6 = arith.constant 0 : index
    %get3A_7 = vector.load %arg3[%get3A_5, %get3A_6] : memref<1000x32xf32, #tpu.memory_space<vmem>>, vector<1000x32xf32>
    %get3A_8 = arith.constant 0 : index
    %get3A_9 = arith.constant 0 : index
    %get3A_10 = vector.load %arg4[%get3A_8, %get3A_9] : memref<1000x32xf32, #tpu.memory_space<vmem>>, vector<1000x32xf32>
    %concatenate3A_11 = tpu.concatenate %get3A_7, %get3A_10 in 1 : vector<1000x32xf32>, vector<1000x32xf32> -> vector<1000x64xf32>
    %get3A_12 = arith.constant 0 : index
    %get3A_13 = arith.constant 0 : index
    %get3A_14 = vector.load %arg5[%get3A_12, %get3A_13] : memref<1000x1xf32, #tpu.memory_space<vmem>>, vector<1000x1xf32>
    %get3A_15 = arith.constant 0 : index
    %get3A_16 = arith.constant 0 : index
    %get3A_17 = vector.load %arg6[%get3A_15, %get3A_16] : memref<1000x1xf32, #tpu.memory_space<vmem>>, vector<1000x1xf32>
    %max3A = arith.constant 1.000000e+00 : f32
    %max3A_18 = vector.broadcast %max3A : f32 to vector<1000x1xf32>
    %max3A_19 = arith.maximumf %get3A_14, %max3A_18 : vector<1000x1xf32>
    %div3A = vector.broadcast %max3A_19 : vector<1000x1xf32> to vector<1000x64xf32>
    %div3A_20 = arith.divf %concatenate3A, %div3A : vector<1000x64xf32>
    %max3A_21 = arith.constant 1.000000e+00 : f32
    %max3A_22 = vector.broadcast %max3A_21 : f32 to vector<1000x1xf32>
    %max3A_23 = arith.maximumf %get3A_17, %max3A_22 : vector<1000x1xf32>
    %div3A_24 = vector.broadcast %max3A_23 : vector<1000x1xf32> to vector<1000x64xf32>
    %div3A_25 = arith.divf %concatenate3A_11, %div3A_24 : vector<1000x64xf32>
    %mul3A = arith.mulf %div3A_20, %div3A_25 : vector<1000x64xf32>
    %logistic3A = arith.negf %mul3A : vector<1000x64xf32>
    %logistic3A_26 = math.exp %logistic3A : vector<1000x64xf32>
    %logistic3A_27 = arith.constant 1.000000e+00 : f32
    %logistic3A_28 = vector.broadcast %logistic3A_27 : f32 to vector<1000x64xf32>
    %logistic3A_29 = arith.addf %logistic3A_28, %logistic3A_26 : vector<1000x64xf32>
    %logistic3A_30 = arith.divf %logistic3A_28, %logistic3A_29 : vector<1000x64xf32>
    %swap3A = arith.constant 0 : index
    %swap3A_31 = arith.constant 0 : index
    %swap3A_32 = vector.load %arg9[%swap3A, %swap3A_31] : memref<1000x64xf32, #tpu.memory_space<vmem>>, vector<1000x64xf32>
    tpu.vector_store %arg9[%swap3A, %swap3A_31], %logistic3A_30 {strides = array<i32>} : memref<1000x64xf32, #tpu.memory_space<vmem>>, vector<1000x64xf32>,
    %add3A = arith.constant 1.000000e+00 : f32
    %add3A_33 = vector.broadcast %add3A : f32 to vector<1000x1xf32>
    %add3A_34 = arith.addf %get3A_17, %add3A_33 : vector<1000x1xf32>
    %rsqrt3A = math.rsqrt %add3A_34 : vector<1000x1xf32>
    %swap3A_35 = arith.constant 0 : index
    %swap3A_36 = arith.constant 0 : index
    %swap3A_37 = vector.load %arg10[%swap3A_35, %swap3A_36] : memref<1000x1xf32, #tpu.memory_space<vmem>>, vector<1000x1xf32>
    tpu.vector_store %arg10[%swap3A_35, %swap3A_36], %rsqrt3A {strides = array<i32>} : memref<1000x1xf32, #tpu.memory_space<vmem>>, vector<1000x1xf32>,
    %get3A_38 = arith.constant 0 : index
    %get3A_39 = arith.constant 0 : index
    %get3A_40 = vector.load %arg7[%get3A_38, %get3A_39] : memref<1000x128xf32, #tpu.memory_space<vmem>>, vector<1000x128xf32>
    %get3A_41 = arith.constant 0 : index
    %get3A_42 = arith.constant 0 : index
    %get3A_43 = vector.load %arg8[%get3A_41, %get3A_42] : memref<128x64xf32, #tpu.memory_space<vmem>>, vector<128x64xf32>
    %dot_general3A = arith.constant dense<0.000000e+00> : vector<1000x64xf32>
    %dot_general3A_44 = tpu.matmul %get3A_40, %get3A_43, %dot_general3A {dimension_numbers = #tpu.dot_dimension_numbers<[1], [0], [0], [1], [0, 0, 1, 1], [], []>, transpose_lhs_hint = false} : vector<1000x128xf32>, vector<128x64xf32>, vector<1000x64xf32> -> vector<1000x64xf32>
    %swap3A_45 = arith.constant 0 : index
    %swap3A_46 = arith.constant 0 : index
    %swap3A_47 = vector.load %arg11[%swap3A_45, %swap3A_46] : memref<1000x64xf32, #tpu.memory_space<vmem>>, vector<1000x64xf32>
    tpu.vector_store %arg11[%swap3A_45, %swap3A_46], %dot_general3A_44 {strides = array<i32>} : memref<1000x64xf32, #tpu.memory_space<vmem>>, vector<1000x64xf32>,
    %mul3A_48 = vector.broadcast %rsqrt3A : vector<1000x1xf32> to vector<1000x64xf32>
    %mul3A_49 = arith.mulf %dot_general3A_44, %mul3A_48 : vector<1000x64xf32>
    %broadcast_in_dim3A = arith.constant 0.000000e+00 : f32
    %broadcast_in_dim3A_50 = vector.broadcast %broadcast_in_dim3A : f32 to vector<1000x64xf32>
    %concatenate3A_51 = tpu.concatenate %mul3A_49, %broadcast_in_dim3A_50 in 1 : vector<1000x64xf32>, vector<1000x64xf32> -> vector<1000x128xf32>
    %swap3A_52 = arith.constant 0 : index
    %swap3A_53 = arith.constant 0 : index
    %swap3A_54 = vector.load %arg12[%swap3A_52, %swap3A_53] : memref<1000x128xf32, #tpu.memory_space<vmem>>, vector<1000x128xf32>
    tpu.vector_store %arg12[%swap3A_52, %swap3A_53], %concatenate3A_51 {strides = array<i32>} : memref<1000x128xf32, #tpu.memory_space<vmem>>, vector<1000x128xf32>,
    return
  }
  func.func @transform_0(%arg0: i32) -> (i32, i32) {
    %c0_i32 = arith.constant 0 : i32
    %c0_i32_0 = arith.constant 0 : i32
    return %arg0, %c0_i32 : i32, i32
  }
  func.func @transform_1(%arg0: i32) -> (i32, i32) {
    %c0_i32 = arith.constant 0 : i32
    %c0_i32_0 = arith.constant 0 : i32
    return %arg0, %c0_i32 : i32, i32
  }
  func.func @transform_2(%arg0: i32) -> (i32, i32) {
    %c0_i32 = arith.constant 0 : i32
    %c0_i32_0 = arith.constant 0 : i32
    return %arg0, %c0_i32 : i32, i32
  }
  func.func @transform_3(%arg0: i32) -> (i32, i32) {
    %c0_i32 = arith.constant 0 : i32
    %c0_i32_0 = arith.constant 0 : i32
    return %arg0, %c0_i32 : i32, i32
  }
  func.func @transform_4(%arg0: i32) -> (i32, i32) {
    %c0_i32 = arith.constant 0 : i32
    %c0_i32_0 = arith.constant 0 : i32
    return %arg0, %c0_i32 : i32, i32
  }
  func.func @transform_5(%arg0: i32) -> (i32, i32) {
    %c0_i32 = arith.constant 0 : i32
    %c0_i32_0 = arith.constant 0 : i32
    return %arg0, %c0_i32 : i32, i32
  }
  func.func @transform_6(%arg0: i32) -> (i32, i32) {
    %c0_i32 = arith.constant 0 : i32
    %c0_i32_0 = arith.constant 0 : i32
    return %arg0, %c0_i32 : i32, i32
  }
  func.func @transform_7(%arg0: i32) -> (i32, i32) {
    %c0_i32 = arith.constant 0 : i32
    %c0_i32_0 = arith.constant 0 : i32
    %c0_i32_1 = arith.constant 0 : i32
    return %c0_i32, %c0_i32_0 : i32, i32
  }
  func.func @transform_8(%arg0: i32) -> (i32, i32) {
    %c0_i32 = arith.constant 0 : i32
    %c0_i32_0 = arith.constant 0 : i32
    return %arg0, %c0_i32 : i32, i32
  }
  func.func @transform_9(%arg0: i32) -> (i32, i32) {
    %c0_i32 = arith.constant 0 : i32
    %c0_i32_0 = arith.constant 0 : i32
    return %arg0, %c0_i32 : i32, i32
  }
  func.func @transform_10(%arg0: i32) -> (i32, i32) {
    %c0_i32 = arith.constant 0 : i32
    %c0_i32_0 = arith.constant 0 : i32
    return %arg0, %c0_i32 : i32, i32
  }
  func.func @transform_11(%arg0: i32) -> (i32, i32) {
    %c0_i32 = arith.constant 0 : i32
    %c0_i32_0 = arith.constant 0 : i32
    return %arg0, %c0_i32 : i32, i32
  }
}

module attributes {stable_mosaic.version = 14 : i64} {
  func.func @_t2b_body(%arg0: i32, %arg1: memref<1000x128xf32, #tpu.memory_space<vmem>>, %arg2: memref<1000x128xf32, #tpu.memory_space<vmem>>, %arg3: memref<1000x1xf32, #tpu.memory_space<vmem>>, %arg4: memref<1000x64xf32, #tpu.memory_space<vmem>>, %arg5: memref<1000x64xf32, #tpu.memory_space<vmem>>, %arg6: memref<64x128xf32, #tpu.memory_space<vmem>>, %arg7: memref<1x64xf32, #tpu.memory_space<vmem>>, %arg8: memref<1000x128xf32, #tpu.memory_space<vmem>>, %arg9: memref<1000x128xf32, #tpu.memory_space<vmem>>) attributes {dimension_semantics = [#tpu.dimension_semantics<arbitrary>], iteration_bounds = array<i64: 10>, scalar_prefetch = 0 : i64, scratch_operands = 0 : i64, tpu.core_type = #tpu.core_type<tc>, window_params = [{transform_indices = @transform_0, window_bounds = array<i64: 1000, 128>}, {transform_indices = @transform_1, window_bounds = array<i64: 1000, 128>}, {transform_indices = @transform_2, window_bounds = array<i64: 1000, 1>}, {transform_indices = @transform_3, window_bounds = array<i64: 1000, 64>}, {transform_indices = @transform_4, window_bounds = array<i64: 1000, 64>}, {pipeline_mode = #tpu.pipeline_mode<synchronous>, transform_indices = @transform_5, window_bounds = array<i64: 64, 128>}, {pipeline_mode = #tpu.pipeline_mode<synchronous>, transform_indices = @transform_6, window_bounds = array<i64: 1, 64>}, {transform_indices = @transform_7, window_bounds = array<i64: 1000, 128>}, {transform_indices = @transform_8, window_bounds = array<i64: 1000, 128>}]} {
    %get3A = arith.constant 0 : index
    %get3A_0 = arith.constant 0 : index
    %get3A_1 = vector.load %arg3[%get3A, %get3A_0] : memref<1000x1xf32, #tpu.memory_space<vmem>>, vector<1000x1xf32>
    %get3A_2 = arith.constant 0 : index
    %get3A_3 = arith.constant 0 : index
    %get3A_4 = vector.load %arg1[%get3A_2, %get3A_3] : memref<1000x128xf32, #tpu.memory_space<vmem>>, vector<1000x128xf32>
    %get3A_5 = arith.constant 0 : index
    %get3A_6 = arith.constant 0 : index
    %get3A_7 = vector.load %arg2[%get3A_5, %get3A_6] : memref<1000x128xf32, #tpu.memory_space<vmem>>, vector<1000x128xf32>
    %add3A = arith.addf %get3A_4, %get3A_7 : vector<1000x128xf32>
    %slice3A = vector.extract_strided_slice %add3A {offsets = [0, 0], sizes = [1000, 64], strides = [1, 1]} : vector<1000x128xf32> to vector<1000x64xf32>
    %mul3A = vector.broadcast %get3A_1 : vector<1000x1xf32> to vector<1000x64xf32>
    %mul3A_8 = arith.mulf %slice3A, %mul3A : vector<1000x64xf32>
    %get3A_9 = arith.constant 0 : index
    %get3A_10 = arith.constant 0 : index
    %get3A_11 = vector.load %arg4[%get3A_9, %get3A_10] : memref<1000x64xf32, #tpu.memory_space<vmem>>, vector<1000x64xf32>
    %mul3A_12 = arith.mulf %get3A_1, %get3A_1 : vector<1000x1xf32>
    %mul3A_13 = vector.broadcast %mul3A_12 : vector<1000x1xf32> to vector<1000x64xf32>
    %mul3A_14 = arith.mulf %get3A_11, %mul3A_13 : vector<1000x64xf32>
    %add3A_15 = arith.addf %mul3A_8, %mul3A_14 : vector<1000x64xf32>
    %get3A_16 = arith.constant 0 : index
    %get3A_17 = arith.constant 0 : index
    %get3A_18 = vector.load %arg7[%get3A_16, %get3A_17] : memref<1x64xf32, #tpu.memory_space<vmem>>, vector<1x64xf32>
    %add3A_19 = vector.broadcast %get3A_18 : vector<1x64xf32> to vector<1000x64xf32>
    %add3A_20 = arith.addf %add3A_15, %add3A_19 : vector<1000x64xf32>
    %max3A = arith.constant 0.000000e+00 : f32
    %max3A_21 = vector.broadcast %max3A : f32 to vector<1000x64xf32>
    %max3A_22 = arith.maximumf %add3A_20, %max3A_21 : vector<1000x64xf32>
    %get3A_23 = arith.constant 0 : index
    %get3A_24 = arith.constant 0 : index
    %get3A_25 = vector.load %arg5[%get3A_23, %get3A_24] : memref<1000x64xf32, #tpu.memory_space<vmem>>, vector<1000x64xf32>
    %mul3A_26 = arith.mulf %max3A_22, %get3A_25 : vector<1000x64xf32>
    %get3A_27 = arith.constant 0 : index
    %get3A_28 = arith.constant 0 : index
    %get3A_29 = vector.load %arg6[%get3A_27, %get3A_28] : memref<64x128xf32, #tpu.memory_space<vmem>>, vector<64x128xf32>
    %dot_general3A = arith.constant dense<0.000000e+00> : vector<1000x128xf32>
    %dot_general3A_30 = tpu.matmul %mul3A_26, %get3A_29, %dot_general3A {dimension_numbers = #tpu.dot_dimension_numbers<[1], [0], [0], [1], [0, 0, 1, 1], [], []>, transpose_lhs_hint = false} : vector<1000x64xf32>, vector<64x128xf32>, vector<1000x128xf32> -> vector<1000x128xf32>
    %swap3A = arith.constant 0 : index
    %swap3A_31 = arith.constant 0 : index
    %swap3A_32 = vector.load %arg8[%swap3A, %swap3A_31] : memref<1000x128xf32, #tpu.memory_space<vmem>>, vector<1000x128xf32>
    tpu.vector_store %arg8[%swap3A, %swap3A_31], %dot_general3A_30 {strides = array<i32>} : memref<1000x128xf32, #tpu.memory_space<vmem>>, vector<1000x128xf32>,
    %mul3A_33 = vector.broadcast %get3A_1 : vector<1000x1xf32> to vector<1000x128xf32>
    %mul3A_34 = arith.mulf %dot_general3A_30, %mul3A_33 : vector<1000x128xf32>
    %swap3A_35 = arith.constant 0 : index
    %swap3A_36 = arith.constant 0 : index
    %swap3A_37 = vector.load %arg9[%swap3A_35, %swap3A_36] : memref<1000x128xf32, #tpu.memory_space<vmem>>, vector<1000x128xf32>
    tpu.vector_store %arg9[%swap3A_35, %swap3A_36], %mul3A_34 {strides = array<i32>} : memref<1000x128xf32, #tpu.memory_space<vmem>>, vector<1000x128xf32>,
    return
  }
  func.func @transform_0(%arg0: i32) -> (i32, i32) {
    %c0_i32 = arith.constant 0 : i32
    %c0_i32_0 = arith.constant 0 : i32
    return %arg0, %c0_i32 : i32, i32
  }
  func.func @transform_1(%arg0: i32) -> (i32, i32) {
    %c0_i32 = arith.constant 0 : i32
    %c0_i32_0 = arith.constant 0 : i32
    return %arg0, %c0_i32 : i32, i32
  }
  func.func @transform_2(%arg0: i32) -> (i32, i32) {
    %c0_i32 = arith.constant 0 : i32
    %c0_i32_0 = arith.constant 0 : i32
    return %arg0, %c0_i32 : i32, i32
  }
  func.func @transform_3(%arg0: i32) -> (i32, i32) {
    %c0_i32 = arith.constant 0 : i32
    %c0_i32_0 = arith.constant 0 : i32
    return %arg0, %c0_i32 : i32, i32
  }
  func.func @transform_4(%arg0: i32) -> (i32, i32) {
    %c0_i32 = arith.constant 0 : i32
    %c0_i32_0 = arith.constant 0 : i32
    return %arg0, %c0_i32 : i32, i32
  }
  func.func @transform_5(%arg0: i32) -> (i32, i32) {
    %c0_i32 = arith.constant 0 : i32
    %c0_i32_0 = arith.constant 0 : i32
    %c0_i32_1 = arith.constant 0 : i32
    return %c0_i32, %c0_i32_0 : i32, i32
  }
  func.func @transform_6(%arg0: i32) -> (i32, i32) {
    %c0_i32 = arith.constant 0 : i32
    %c0_i32_0 = arith.constant 0 : i32
    %c0_i32_1 = arith.constant 0 : i32
    return %c0_i32, %c0_i32_0 : i32, i32
  }
  func.func @transform_7(%arg0: i32) -> (i32, i32) {
    %c0_i32 = arith.constant 0 : i32
    %c0_i32_0 = arith.constant 0 : i32
    return %arg0, %c0_i32 : i32, i32
  }
  func.func @transform_8(%arg0: i32) -> (i32, i32) {
    %c0_i32 = arith.constant 0 : i32
    %c0_i32_0 = arith.constant 0 : i32
    return %arg0, %c0_i32 : i32, i32
  }
}

module attributes {stable_mosaic.version = 14 : i64} {
  func.func @_t2c_body(%arg0: i32, %arg1: memref<1000x128xf32, #tpu.memory_space<vmem>>, %arg2: memref<1000x128xf32, #tpu.memory_space<vmem>>, %arg3: memref<1000x1xf32, #tpu.memory_space<vmem>>, %arg4: memref<1000x128xf32, #tpu.memory_space<vmem>>, %arg5: memref<128x64xf32, #tpu.memory_space<vmem>>, %arg6: memref<1x64xf32, #tpu.memory_space<vmem>>, %arg7: memref<64x64xf32, #tpu.memory_space<vmem>>, %arg8: memref<64x64xf32, #tpu.memory_space<vmem>>, %arg9: memref<1x64xf32, #tpu.memory_space<vmem>>, %arg10: memref<1x128xf32, #tpu.memory_space<vmem>>, %arg11: memref<1000x128xf32, #tpu.memory_space<vmem>>, %arg12: memref<1000x128xf32, #tpu.memory_space<vmem>>) attributes {dimension_semantics = [#tpu.dimension_semantics<arbitrary>], iteration_bounds = array<i64: 10>, scalar_prefetch = 0 : i64, scratch_operands = 0 : i64, tpu.core_type = #tpu.core_type<tc>, window_params = [{transform_indices = @transform_0, window_bounds = array<i64: 1000, 128>}, {transform_indices = @transform_1, window_bounds = array<i64: 1000, 128>}, {transform_indices = @transform_2, window_bounds = array<i64: 1000, 1>}, {transform_indices = @transform_3, window_bounds = array<i64: 1000, 128>}, {pipeline_mode = #tpu.pipeline_mode<synchronous>, transform_indices = @transform_4, window_bounds = array<i64: 128, 64>}, {pipeline_mode = #tpu.pipeline_mode<synchronous>, transform_indices = @transform_5, window_bounds = array<i64: 1, 64>}, {pipeline_mode = #tpu.pipeline_mode<synchronous>, transform_indices = @transform_6, window_bounds = array<i64: 64, 64>}, {pipeline_mode = #tpu.pipeline_mode<synchronous>, transform_indices = @transform_7, window_bounds = array<i64: 64, 64>}, {pipeline_mode = #tpu.pipeline_mode<synchronous>, transform_indices = @transform_8, window_bounds = array<i64: 1, 64>}, {pipeline_mode = #tpu.pipeline_mode<synchronous>, transform_indices = @transform_9, window_bounds = array<i64: 1, 128>}, {transform_indices = @transform_10, window_bounds = array<i64: 1000, 128>}, {transform_indices = @transform_11, window_bounds = array<i64: 1000, 128>}]} {
    %get3A = arith.constant 0 : index
    %get3A_0 = arith.constant 0 : index
    %get3A_1 = vector.load %arg3[%get3A, %get3A_0] : memref<1000x1xf32, #tpu.memory_space<vmem>>, vector<1000x1xf32>
    %get3A_2 = arith.constant 0 : index
    %get3A_3 = arith.constant 0 : index
    %get3A_4 = vector.load %arg1[%get3A_2, %get3A_3] : memref<1000x128xf32, #tpu.memory_space<vmem>>, vector<1000x128xf32>
    %get3A_5 = arith.constant 0 : index
    %get3A_6 = arith.constant 0 : index
    %get3A_7 = vector.load %arg2[%get3A_5, %get3A_6] : memref<1000x128xf32, #tpu.memory_space<vmem>>, vector<1000x128xf32>
    %add3A = arith.addf %get3A_4, %get3A_7 : vector<1000x128xf32>
    %mul3A = vector.broadcast %get3A_1 : vector<1000x1xf32> to vector<1000x128xf32>
    %mul3A_8 = arith.mulf %add3A, %mul3A : vector<1000x128xf32>
    %get3A_9 = arith.constant 0 : index
    %get3A_10 = arith.constant 0 : index
    %get3A_11 = vector.load %arg4[%get3A_9, %get3A_10] : memref<1000x128xf32, #tpu.memory_space<vmem>>, vector<1000x128xf32>
    %mul3A_12 = arith.mulf %get3A_1, %get3A_1 : vector<1000x1xf32>
    %mul3A_13 = vector.broadcast %mul3A_12 : vector<1000x1xf32> to vector<1000x128xf32>
    %mul3A_14 = arith.mulf %get3A_11, %mul3A_13 : vector<1000x128xf32>
    %add3A_15 = arith.addf %mul3A_8, %mul3A_14 : vector<1000x128xf32>
    %get3A_16 = arith.constant 0 : index
    %get3A_17 = arith.constant 0 : index
    %get3A_18 = vector.load %arg10[%get3A_16, %get3A_17] : memref<1x128xf32, #tpu.memory_space<vmem>>, vector<1x128xf32>
    %add3A_19 = vector.broadcast %get3A_18 : vector<1x128xf32> to vector<1000x128xf32>
    %add3A_20 = arith.addf %add3A_15, %add3A_19 : vector<1000x128xf32>
    %max3A = arith.constant 0.000000e+00 : f32
    %max3A_21 = vector.broadcast %max3A : f32 to vector<1000x128xf32>
    %max3A_22 = arith.maximumf %add3A_20, %max3A_21 : vector<1000x128xf32>
    %swap3A = arith.constant 0 : index
    %swap3A_23 = arith.constant 0 : index
    %swap3A_24 = vector.load %arg11[%swap3A, %swap3A_23] : memref<1000x128xf32, #tpu.memory_space<vmem>>, vector<1000x128xf32>
    tpu.vector_store %arg11[%swap3A, %swap3A_23], %max3A_22 {strides = array<i32>} : memref<1000x128xf32, #tpu.memory_space<vmem>>, vector<1000x128xf32>,
    %get3A_25 = arith.constant 0 : index
    %get3A_26 = arith.constant 0 : index
    %get3A_27 = vector.load %arg5[%get3A_25, %get3A_26] : memref<128x64xf32, #tpu.memory_space<vmem>>, vector<128x64xf32>
    %dot_general3A = arith.constant dense<0.000000e+00> : vector<1000x64xf32>
    %dot_general3A_28 = tpu.matmul %max3A_22, %get3A_27, %dot_general3A {dimension_numbers = #tpu.dot_dimension_numbers<[1], [0], [0], [1], [0, 0, 1, 1], [], []>, transpose_lhs_hint = false} : vector<1000x128xf32>, vector<128x64xf32>, vector<1000x64xf32> -> vector<1000x64xf32>
    %get3A_29 = arith.constant 0 : index
    %get3A_30 = arith.constant 0 : index
    %get3A_31 = vector.load %arg6[%get3A_29, %get3A_30] : memref<1x64xf32, #tpu.memory_space<vmem>>, vector<1x64xf32>
    %add3A_32 = vector.broadcast %get3A_31 : vector<1x64xf32> to vector<1000x64xf32>
    %add3A_33 = arith.addf %dot_general3A_28, %add3A_32 : vector<1000x64xf32>
    %max3A_34 = arith.constant 0.000000e+00 : f32
    %max3A_35 = vector.broadcast %max3A_34 : f32 to vector<1000x64xf32>
    %max3A_36 = arith.maximumf %add3A_33, %max3A_35 : vector<1000x64xf32>
    %get3A_37 = arith.constant 0 : index
    %get3A_38 = arith.constant 0 : index
    %get3A_39 = vector.load %arg7[%get3A_37, %get3A_38] : memref<64x64xf32, #tpu.memory_space<vmem>>, vector<64x64xf32>
    %dot_general3A_40 = arith.constant dense<0.000000e+00> : vector<1000x64xf32>
    %dot_general3A_41 = tpu.matmul %max3A_36, %get3A_39, %dot_general3A_40 {dimension_numbers = #tpu.dot_dimension_numbers<[1], [0], [0], [1], [0, 0, 1, 1], [], []>, transpose_lhs_hint = false} : vector<1000x64xf32>, vector<64x64xf32>, vector<1000x64xf32> -> vector<1000x64xf32>
    %get3A_42 = arith.constant 0 : index
    %get3A_43 = arith.constant 0 : index
    %get3A_44 = vector.load %arg9[%get3A_42, %get3A_43] : memref<1x64xf32, #tpu.memory_space<vmem>>, vector<1x64xf32>
    %add3A_45 = vector.broadcast %get3A_44 : vector<1x64xf32> to vector<1000x64xf32>
    %add3A_46 = arith.addf %dot_general3A_41, %add3A_45 : vector<1000x64xf32>
    %get3A_47 = arith.constant 0 : index
    %get3A_48 = arith.constant 0 : index
    %get3A_49 = vector.load %arg8[%get3A_47, %get3A_48] : memref<64x64xf32, #tpu.memory_space<vmem>>, vector<64x64xf32>
    %dot_general3A_50 = arith.constant dense<0.000000e+00> : vector<1000x64xf32>
    %dot_general3A_51 = tpu.matmul %max3A_36, %get3A_49, %dot_general3A_50 {dimension_numbers = #tpu.dot_dimension_numbers<[1], [0], [0], [1], [0, 0, 1, 1], [], []>, transpose_lhs_hint = false} : vector<1000x64xf32>, vector<64x64xf32>, vector<1000x64xf32> -> vector<1000x64xf32>
    %concatenate3A = tpu.concatenate %add3A_46, %dot_general3A_51 in 1 : vector<1000x64xf32>, vector<1000x64xf32> -> vector<1000x128xf32>
    %swap3A_52 = arith.constant 0 : index
    %swap3A_53 = arith.constant 0 : index
    %swap3A_54 = vector.load %arg12[%swap3A_52, %swap3A_53] : memref<1000x128xf32, #tpu.memory_space<vmem>>, vector<1000x128xf32>
    tpu.vector_store %arg12[%swap3A_52, %swap3A_53], %concatenate3A {strides = array<i32>} : memref<1000x128xf32, #tpu.memory_space<vmem>>, vector<1000x128xf32>,
    return
  }
  func.func @transform_0(%arg0: i32) -> (i32, i32) {
    %c0_i32 = arith.constant 0 : i32
    %c0_i32_0 = arith.constant 0 : i32
    return %arg0, %c0_i32 : i32, i32
  }
  func.func @transform_1(%arg0: i32) -> (i32, i32) {
    %c0_i32 = arith.constant 0 : i32
    %c0_i32_0 = arith.constant 0 : i32
    return %arg0, %c0_i32 : i32, i32
  }
  func.func @transform_2(%arg0: i32) -> (i32, i32) {
    %c0_i32 = arith.constant 0 : i32
    %c0_i32_0 = arith.constant 0 : i32
    return %arg0, %c0_i32 : i32, i32
  }
  func.func @transform_3(%arg0: i32) -> (i32, i32) {
    %c0_i32 = arith.constant 0 : i32
    %c0_i32_0 = arith.constant 0 : i32
    return %arg0, %c0_i32 : i32, i32
  }
  func.func @transform_4(%arg0: i32) -> (i32, i32) {
    %c0_i32 = arith.constant 0 : i32
    %c0_i32_0 = arith.constant 0 : i32
    %c0_i32_1 = arith.constant 0 : i32
    return %c0_i32, %c0_i32_0 : i32, i32
  }
  func.func @transform_5(%arg0: i32) -> (i32, i32) {
    %c0_i32 = arith.constant 0 : i32
    %c0_i32_0 = arith.constant 0 : i32
    %c0_i32_1 = arith.constant 0 : i32
    return %c0_i32, %c0_i32_0 : i32, i32
  }
  func.func @transform_6(%arg0: i32) -> (i32, i32) {
    %c0_i32 = arith.constant 0 : i32
    %c0_i32_0 = arith.constant 0 : i32
    %c0_i32_1 = arith.constant 0 : i32
    return %c0_i32, %c0_i32_0 : i32, i32
  }
  func.func @transform_7(%arg0: i32) -> (i32, i32) {
    %c0_i32 = arith.constant 0 : i32
    %c0_i32_0 = arith.constant 0 : i32
    %c0_i32_1 = arith.constant 0 : i32
    return %c0_i32, %c0_i32_0 : i32, i32
  }
  func.func @transform_8(%arg0: i32) -> (i32, i32) {
    %c0_i32 = arith.constant 0 : i32
    %c0_i32_0 = arith.constant 0 : i32
    %c0_i32_1 = arith.constant 0 : i32
    return %c0_i32, %c0_i32_0 : i32, i32
  }
  func.func @transform_9(%arg0: i32) -> (i32, i32) {
    %c0_i32 = arith.constant 0 : i32
    %c0_i32_0 = arith.constant 0 : i32
    %c0_i32_1 = arith.constant 0 : i32
    return %c0_i32, %c0_i32_0 : i32, i32
  }
  func.func @transform_10(%arg0: i32) -> (i32, i32) {
    %c0_i32 = arith.constant 0 : i32
    %c0_i32_0 = arith.constant 0 : i32
    return %arg0, %c0_i32 : i32, i32
  }
  func.func @transform_11(%arg0: i32) -> (i32, i32) {
    %c0_i32 = arith.constant 0 : i32
    %c0_i32_0 = arith.constant 0 : i32
    return %arg0, %c0_i32 : i32, i32
  }
}

module attributes {stable_mosaic.version = 14 : i64} {
  func.func @_t3_body(%arg0: i32, %arg1: memref<3200x64xf32, #tpu.memory_space<vmem>>, %arg2: memref<3200x128xf32, #tpu.memory_space<vmem>>, %arg3: memref<3200x128xf32, #tpu.memory_space<vmem>>, %arg4: memref<64x128xf32, #tpu.memory_space<vmem>>, %arg5: memref<1x128xf32, #tpu.memory_space<vmem>>, %arg6: memref<3200x128xf32, #tpu.memory_space<vmem>>) attributes {dimension_semantics = [#tpu.dimension_semantics<arbitrary>], iteration_bounds = array<i64: 100>, scalar_prefetch = 0 : i64, scratch_operands = 0 : i64, tpu.core_type = #tpu.core_type<tc>, window_params = [{transform_indices = @transform_0, window_bounds = array<i64: 3200, 64>}, {transform_indices = @transform_1, window_bounds = array<i64: 3200, 128>}, {transform_indices = @transform_2, window_bounds = array<i64: 3200, 128>}, {pipeline_mode = #tpu.pipeline_mode<synchronous>, transform_indices = @transform_3, window_bounds = array<i64: 64, 128>}, {pipeline_mode = #tpu.pipeline_mode<synchronous>, transform_indices = @transform_4, window_bounds = array<i64: 1, 128>}, {transform_indices = @transform_5, window_bounds = array<i64: 3200, 128>}]} {
    %get3A = arith.constant 0 : index
    %get3A_0 = arith.constant 0 : index
    %get3A_1 = vector.load %arg2[%get3A, %get3A_0] : memref<3200x128xf32, #tpu.memory_space<vmem>>, vector<3200x128xf32>
    %slice3A = vector.extract_strided_slice %get3A_1 {offsets = [0, 0], sizes = [3200, 64], strides = [1, 1]} : vector<3200x128xf32> to vector<3200x64xf32>
    %get3A_2 = arith.constant 0 : index
    %get3A_3 = arith.constant 0 : index
    %get3A_4 = vector.load %arg3[%get3A_2, %get3A_3] : memref<3200x128xf32, #tpu.memory_space<vmem>>, vector<3200x128xf32>
    %slice3A_5 = vector.extract_strided_slice %get3A_4 {offsets = [0, 64], sizes = [3200, 64], strides = [1, 1]} : vector<3200x128xf32> to vector<3200x64xf32>
    %add3A = arith.addf %slice3A, %slice3A_5 : vector<3200x64xf32>
    %get3A_6 = arith.constant 0 : index
    %get3A_7 = arith.constant 0 : index
    %get3A_8 = vector.load %arg1[%get3A_6, %get3A_7] : memref<3200x64xf32, #tpu.memory_space<vmem>>, vector<3200x64xf32>
    %logistic3A = arith.negf %add3A : vector<3200x64xf32>
    %logistic3A_9 = math.exp %logistic3A : vector<3200x64xf32>
    %logistic3A_10 = arith.constant 1.000000e+00 : f32
    %logistic3A_11 = vector.broadcast %logistic3A_10 : f32 to vector<3200x64xf32>
    %logistic3A_12 = arith.addf %logistic3A_11, %logistic3A_9 : vector<3200x64xf32>
    %logistic3A_13 = arith.divf %logistic3A_11, %logistic3A_12 : vector<3200x64xf32>
    %mul3A = arith.mulf %get3A_8, %logistic3A_13 : vector<3200x64xf32>
    %get3A_14 = arith.constant 0 : index
    %get3A_15 = arith.constant 0 : index
    %get3A_16 = vector.load %arg4[%get3A_14, %get3A_15] : memref<64x128xf32, #tpu.memory_space<vmem>>, vector<64x128xf32>
    %dot_general3A = arith.constant dense<0.000000e+00> : vector<3200x128xf32>
    %dot_general3A_17 = tpu.matmul %mul3A, %get3A_16, %dot_general3A {dimension_numbers = #tpu.dot_dimension_numbers<[1], [0], [0], [1], [0, 0, 1, 1], [], []>, transpose_lhs_hint = false} : vector<3200x64xf32>, vector<64x128xf32>, vector<3200x128xf32> -> vector<3200x128xf32>
    %get3A_18 = arith.constant 0 : index
    %get3A_19 = arith.constant 0 : index
    %get3A_20 = vector.load %arg5[%get3A_18, %get3A_19] : memref<1x128xf32, #tpu.memory_space<vmem>>, vector<1x128xf32>
    %add3A_21 = vector.broadcast %get3A_20 : vector<1x128xf32> to vector<3200x128xf32>
    %add3A_22 = arith.addf %dot_general3A_17, %add3A_21 : vector<3200x128xf32>
    %max3A = arith.constant 0.000000e+00 : f32
    %max3A_23 = vector.broadcast %max3A : f32 to vector<3200x128xf32>
    %max3A_24 = arith.maximumf %add3A_22, %max3A_23 : vector<3200x128xf32>
    %swap3A = arith.constant 0 : index
    %swap3A_25 = arith.constant 0 : index
    %swap3A_26 = vector.load %arg6[%swap3A, %swap3A_25] : memref<3200x128xf32, #tpu.memory_space<vmem>>, vector<3200x128xf32>
    tpu.vector_store %arg6[%swap3A, %swap3A_25], %max3A_24 {strides = array<i32>} : memref<3200x128xf32, #tpu.memory_space<vmem>>, vector<3200x128xf32>,
    return
  }
  func.func @transform_0(%arg0: i32) -> (i32, i32) {
    %c0_i32 = arith.constant 0 : i32
    %c0_i32_0 = arith.constant 0 : i32
    return %arg0, %c0_i32 : i32, i32
  }
  func.func @transform_1(%arg0: i32) -> (i32, i32) {
    %c0_i32 = arith.constant 0 : i32
    %c0_i32_0 = arith.constant 0 : i32
    return %arg0, %c0_i32 : i32, i32
  }
  func.func @transform_2(%arg0: i32) -> (i32, i32) {
    %c0_i32 = arith.constant 0 : i32
    %c0_i32_0 = arith.constant 0 : i32
    return %arg0, %c0_i32 : i32, i32
  }
  func.func @transform_3(%arg0: i32) -> (i32, i32) {
    %c0_i32 = arith.constant 0 : i32
    %c0_i32_0 = arith.constant 0 : i32
    %c0_i32_1 = arith.constant 0 : i32
    return %c0_i32, %c0_i32_0 : i32, i32
  }
  func.func @transform_4(%arg0: i32) -> (i32, i32) {
    %c0_i32 = arith.constant 0 : i32
    %c0_i32_0 = arith.constant 0 : i32
    %c0_i32_1 = arith.constant 0 : i32
    return %c0_i32, %c0_i32_0 : i32, i32
  }
  func.func @transform_5(%arg0: i32) -> (i32, i32) {
    %c0_i32 = arith.constant 0 : i32
    %c0_i32_0 = arith.constant 0 : i32
    return %arg0, %c0_i32 : i32, i32
  }
}

</mosaic_0001>

<sc_bundles>
// kernel: kernel.11.cloned.1.call-start
scs
__scs_entry_jumppad:
0x0: {  	(pc) =	sbr.rel $0x88, $3  }
0x1: {  	(tag) =	ssettag $0x0;
	lr =	simm.s32 $0x1  }
0x2: {  	[smem:$0x3F90] =	sst lr;
	_ =	strace $0xD0000000  }
0x3: {  	_ = 	snop  }
0x4: {  	_ = 	snop  }
0x5: {  	_ = 	snop  }
0x6: {  	_ = 	snop  }
0x7: {  	_ = 	snop  }
__scs_overlays_trampoline_lowered:
0x8: {  	[smem:$0x3F9F] =	sst s0  }
0x9: {  	[smem:$0x3FA0] =	sst s1  }
0xa: {  	[smem:$0x3FA1] =	sst s2  }
0xb: {  	[smem:$0x3FA2] =	sst s3  }
0xc: {  	[smem:$0x3FA3] =	sst s4  }
0xd: {  	[smem:$0x3FA4] =	sst s5  }
0xe: {  	[smem:$0x3FA5] =	sst s6  }
0xf: {  	[smem:$0x3FA6] =	sst s7  }
0x10: {  	[smem:$0x3FA7] =	sst s8  }
0x11: {  	[smem:$0x3FA8] =	sst s9;
	s0 =	simm.s32 @!p0 $0x0  }
0x12: {  	s1 =	sld [smem:$0x3F8E];
	s0 =	simm.s32 @p0 $0x1  }
0x13: {  	[smem:$0x3FA9] =	sst s0;
	s0 =	simm.s32 @!p1 $0x0  }
0x14: {  	s2 =	sld [smem:$0x3F8D];
	s0 =	simm.s32 @p1 $0x1  }
0x15: {  	[smem:$0x3FAA] =	sst s0;
	s0 =	simm.s32 @!p2 $0x0  }
0x16: {  	s3 =	sld [smem:$0x3FDB];
	s0 =	simm.s32 @p2 $0x1  }
0x17: {  	s4 =	simm.s32 $0x1BF5;
	[smem:$0x3FAC] =	sst s0  }
0x18: {  	s0 =	sld [smem:$0x3F8F];
	_ =	swait.ge [sflag:s4], $0x0  }
0x19: {  	s7 =	sld [smem:$0x3F90]  }
0x1a: {  	s8 =	sadd.s32 $0xFFFFE003, lr  }
0x1b: {  	s9 =	sadd.s32 $0xFFFFFEF7, lr;
	s5 =	simm.s32 $0xFFFFFFFF;
	p2 =	slt.u32 s8, $0xFFFFF086  }
0x1c: {  	p1 =	slt.u32 s9, $0xF7A;
	s5 =	simm.s32 @!p2 $0x0  }
0x1d: {  	s5 =	simm.s32 @p1 $0x1;
	p0 =	seq.s32 s7, s2  }
0x1e: {  	s7 =	smul.u32 @!p0 $0xF7A, s2;
	p2 =	seq.s32 @!p0 s5, $0x0  }
0x1f: {  	s9 =	smul.u32 $0xF7A, s1;
	s8 =	simm.s32 @!p0 $0x1BF5;
	p2 =	por !p2, p0  }
0x20: {  	[sflag:s8] =	ssyncset.s32 @!p0 $0xFFFFF086;
	s6 =	sadd.s32 @!p0 s3, s7;
	s7 =	simm.s32 @!p0 $0x108  }
0x21: {  	s3 =	sadd.s32 s3, s9;
	s6 =	sadd.s32 @!p0 $0x88, s6;
	s7 =	simm.s32 @p2 $0x1082  }
0x22: {  	[simem:s7], [sflag:s8] =	dma.local @!p0 [hbm:s6], $0xF7A  }
0x23: {  	s9 =	sor.u32 $0xD0000000, s2;
	s6 =	simm.s32 $0x108;
	_ =	swait.ge @!p0 [sflag:s8], $0x0  }
0x24: {  	s3 =	sadd.s32 $0x88, s3;
	s6 =	simm.s32 @!p1 $0x1082;
	[sflag:s4] =	ssyncset.s32 $0xFFFFF086  }
0x25: {  	[simem:s6], [sflag:s4] =	dma.local [hbm:s3], $0xF7A  }
0x26: {  	[smem:$0x3F90] =	sst s1;
	(tag) =	ssettag s2;
	_ =	strace s9  }
0x27: {  	s1 =	sld [smem:$0x3FA0]  }
0x28: {  	s2 =	sld [smem:$0x3FA1]  }
0x29: {  	s4 =	sld [smem:$0x3FA3]  }
0x2a: {  	p0 =	seq.s32 s5, $0x0;
	s5 =	sld [smem:$0x3FA4]  }
0x2b: {  	s6 =	sld [smem:$0x3FA5]  }
0x2c: {  	s7 =	sld [smem:$0x3FA6]  }
0x2d: {  	s3 =	simm.s32 $0x108;
	s8 =	sld [smem:$0x3FA7]  }
0x2e: {  	s3 =	simm.s32 @!p0 $0x1082;
	s9 =	sld [smem:$0x3FA8]  }
0x2f: {  	lr =	sadd.s32 s0, s3;
	s0 =	sld [smem:$0x3F9F]  }
0x30: {  	s3 =	sld [smem:$0x3FA2]  }
0x31: {  	[smem:$0x3FAB] =	sst s10  }
0x32: {  	s10 =	sld [smem:$0x3FA9];
	_ =	sdelay $0x3  }
0x33: {  	p0 =	seq.s32 s10, $0x1;
	s10 =	sld [smem:$0x3FAB];
	_ =	sdelay $0x3  }
0x34: {  	[smem:$0x3FAB] =	sst s10  }
0x35: {  	s10 =	sld [smem:$0x3FAA];
	_ =	sdelay $0x3  }
0x36: {  	p1 =	seq.s32 s10, $0x1;
	s10 =	sld [smem:$0x3FAB];
	_ =	sdelay $0x3  }
0x37: {  	[smem:$0x3FAB] =	sst s10  }
0x38: {  	s10 =	sld [smem:$0x3FAC]  }
0x39: {  	_ = 	snop;
	(pc) =	sbr.ind lr, $3  }
0x3a: {  	_ = 	snop  }
0x3b: {  	_ = 	snop  }
0x3c: {  	p2 =	seq.s32 s10, $0x1;
	s10 =	sld [smem:$0x3FAB]  }
0x3d: {  	_ =	shalt  }
0x3e: {  	_ =	shalt  }
0x3f: {  	_ =	shalt  }
0x40: {  	_ =	shalt  }
0x41: {  	_ =	shalt  }
0x42: {  	_ =	shalt  }
0x43: {  	_ =	shalt  }
0x44: {  	_ =	shalt  }
0x45: {  	_ =	shalt  }
0x46: {  	_ =	shalt  }
0x47: {  	_ =	shalt  }
0x48: {  	_ =	shalt  }
0x49: {  	_ =	shalt  }
0x4a: {  	_ =	shalt  }
0x4b: {  	_ =	shalt  }
0x4c: {  	_ =	shalt  }
0x4d: {  	_ =	shalt  }
0x4e: {  	_ =	shalt  }
0x4f: {  	_ =	shalt  }
0x50: {  	_ =	shalt  }
0x51: {  	_ =	shalt  }
0x52: {  	_ =	shalt  }
0x53: {  	_ =	shalt  }
0x54: {  	_ =	shalt  }
0x55: {  	_ =	shalt  }
0x56: {  	_ =	shalt  }
0x57: {  	_ =	shalt  }
0x58: {  	_ =	shalt  }
0x59: {  	_ =	shalt  }
0x5a: {  	_ =	shalt  }
0x5b: {  	_ =	shalt  }
0x5c: {  	_ =	shalt  }
0x5d: {  	_ =	shalt  }
0x5e: {  	_ =	shalt  }
0x5f: {  	_ =	shalt  }
0x60: {  	_ =	shalt  }
0x61: {  	_ =	shalt  }
0x62: {  	_ =	shalt  }
0x63: {  	_ =	shalt  }
0x64: {  	_ =	shalt  }
0x65: {  	_ =	shalt  }
0x66: {  	_ =	shalt  }
0x67: {  	_ =	shalt  }
0x68: {  	_ =	shalt  }
0x69: {  	_ =	shalt  }
0x6a: {  	_ =	shalt  }
0x6b: {  	_ =	shalt  }
0x6c: {  	_ =	shalt  }
0x6d: {  	_ =	shalt  }
0x6e: {  	_ =	shalt  }
0x6f: {  	_ =	shalt  }
0x70: {  	_ =	shalt  }
0x71: {  	_ =	shalt  }
0x72: {  	_ =	shalt  }
0x73: {  	_ =	shalt  }
0x74: {  	_ =	shalt  }
0x75: {  	_ =	shalt  }
0x76: {  	_ =	shalt  }
0x77: {  	_ =	shalt  }
0x78: {  	_ =	shalt  }
0x79: {  	_ =	shalt  }
0x7a: {  	_ =	shalt  }
0x7b: {  	_ =	shalt  }
0x7c: {  	_ =	shalt  }
0x7d: {  	_ =	shalt  }
0x7e: {  	_ =	shalt  }
0x7f: {  	_ =	shalt  }
0x80: {  	_ =	shalt  }
0x81: {  	_ =	shalt  }
0x82: {  	_ =	shalt  }
0x83: {  	_ =	shalt  }
0x84: {  	_ =	shalt  }
0x85: {  	_ =	shalt  }
0x86: {  	_ =	shalt  }
0x87: {  	_ =	shalt  }
.Lfunc_end0:
.L_simem_size_0:
called_computation.1_lowered:
.L_overlay_start_0:
0x88: {  	s2 =	sld [smem:$0x3FD9]  }
0x89: {  	s3 =	sld [smem:$0x3FFE];
	_ =	sdelay $0x1  }
0x8a: {  	s1 =	srdreg.scid  }
0x8b: {  	s0 =	sand.u32 $0x1, s1  }
0x8c: {  	s15 =	sshll.u32 s0, $0xA;
	s2 =	sadd.s32 s3, s2  }
0x8d: {  	s2 =	sadd.s32 s2, s15  }
0x8e: {  	[smem:$0x3FB7] =	sst s2  }
0x8f: {  	_ = 	snop  }
0x90: {  	s2 =	sld [smem:$0x3FD0];
	_ =	sdelay $0x2  }
0x91: {  	s4 =	simm.s32 $0xB;
	s16 =	simm.s32 $0x10  }
0x92: {  	[smem:s16], [sflag:s4] =	dma.local [hbm:s2], $0x1  }
0x93: {  	_ =	swait.eq [sflag:s4], $0x1  }
0x94: {  	[sflag:s4] =	ssyncset.done $0x0  }
0x95: {  	s17 =	sld [smem:$0x10];
	[sflag:s4] =	ssyncadd.s32 $0xFFFFFFFF  }
0x96: {  	s18 =	sld [smem:$0x11];
	(tm) =	ssettm $0x1  }
0x97: {  	s19 =	sld [smem:$0x3FFB];
	_ =	sdelay $0x3  }
0x98: {  	_ =	strace s19  }
0x99: {  	s2 =	sld [smem:$0x3FFC];
	_ =	sdelay $0x3  }
0x9a: {  	_ =	strace s2  }
0x9b: {  	s2 =	sld [smem:$0x3FFD];
	_ =	sdelay $0x3  }
0x9c: {  	_ =	strace s2  }
0x9d: {  	_ =	strace $0x8FFFFFFF  }
0x9e: {  	s20 =	sld [smem:$0x3FDB];
	_ =	sdelay $0x1  }
0x9f: {  	s5 =	simm.s32 $_scs_section_size  }
0xa0: {  	s6 =	simm.s32 $_size__tile_overlayer_lowered;
	s7 =	simm.s32 $_tile_overlayer_lowered  }
0xa1: {  	s8 =	simm.s32 $0x1BFF;
	s21 =	sshll.u32 s7, $0x1;
	s5 =	sadd.s32 s5, s20  }
0xa2: {  	s22 =	simm.s32 $0x0;
	s6 =	sshll.u32 s6, $0x1;
	s7 =	sadd.s32 s21, s5  }
0xa3: {  	[timem:s22], [sflag:s8] =	dma.local [hbm:s7], s6  }
0xa4: {  	_ =	swait.ge [sflag:s8], s6  }
0xa5: {  	s6 =	ssub.s32 $0x0, s6;
	[sflag:s8] =	ssyncset.done $0x0  }
0xa6: {  	[sflag:s8] =	ssyncadd.s32 s6;
	_ =	sdelay $0x1  }
0xa7: {  	s23 =	simm.s32 $0x1B8B  }
0xa8: {  	_ =	swait.ge [sflag:s23], $0x1  }
0xa9: {  	[sflag:s23] =	ssyncset.done $0x0  }
0xaa: {  	[sflag:s23] =	ssyncadd.s32 $0xFFFFFFFF  }
0xab: {  	s6 =	sld [smem:$0x0]  }
0xac: {  	s7 =	sand.u32 $0xFFFFFFFE, s1  }
0xad: {  	p0 =	sne.s32 s1, s7  }
0xae: {  	s7 =	sshll.u32 @p0 s7, $0xE  }
0xaf: {  	s7 =	sadd.s32 @p0 $0x11B8D, s7;
	s8 =	sshll.u32 @p0 s6, $0x11  }
0xb0: {  	s7 =	sor.u32 @p0 s8, s7  }
0xb1: {  	[sflag:s7] =	ssyncadd.remote.s32 @p0 $0x1;
	_ =	sdelay $0x1  }
0xb2: {  	s7 =	simm.s32 @p0 $0x1B8D  }
0xb3: {  	_ =	swait.eq @p0 [sflag:s7], $0x1  }
0xb4: {  	[sflag:s7] =	ssyncadd.s32 @p0 $0xFFFFFFFF  }
0xb5: {  	s8 =	sshll.u32 @!p0 s1, $0xE  }
0xb6: {  	s8 =	sor.u32 @!p0 $0x4000, s8;
	s7 =	simm.s32 @!p0 $0x1B8D  }
0xb7: {  	s6 =	sshll.u32 @!p0 s6, $0x11;
	s8 =	sadd.s32 @!p0 $0x11B8D, s8;
	_ =	swait.eq @!p0 [sflag:s7], $0x1  }
0xb8: {  	s6 =	sor.u32 @!p0 s6, s8;
	[sflag:s7] =	ssyncadd.s32 @!p0 $0xFFFFFFFF  }
0xb9: {  	s25 =	simm.s32 $0x1B8E;
	s24 =	sld [smem:$0x3FFE];
	[sflag:s6] =	ssyncadd.remote.s32 @!p0 $0x1  }
0xba: {  	s26 =	simm.s32 $execute0_lowered;
	[smem:$0x3FD2] =	sst s25  }
0xbb: {  	s7 =	sshll.u32 s26, $0x1;
	_ =	strace $0x80000049;
	[dreg:$0x1] =	wrdreg $0xFFFFFFFF  }
0xbc: {  	s28 =	simm.s32 $_size_execute0_lowered;
	s5 =	sadd.s32 s5, s7;
	[dreg:$0x0] =	wrdreg $0x0  }
0xbd: {  	s7 =	sshll.u32 s28, $0x1;
	[dreg:$0x2] =	wrdreg s5  }
0xbe: {  	[dreg:$0x3] =	wrdreg s7  }
0xbf: {  	[dreg:$0x4] =	wrdreg $0xC0  }
0xc0: {  	_ =	task [dreg:s22], $0x5FFFF  }
0xc1: {  	[dreg:$0x1] =	wrdreg $0xFFFFFFFF  }
0xc2: {  	[dreg:$0x0] =	wrdreg $0x60  }
0xc3: {  	[dreg:$0x2] =	wrdreg s18  }
0xc4: {  	[dreg:$0x3] =	wrdreg s24  }
0xc5: {  	[dreg:$0x4] =	wrdreg s17  }
0xc6: {  	[dreg:$0x5] =	wrdreg $0x0  }
0xc7: {  	[dreg:$0x6] =	wrdreg $0x50000  }
0xc8: {  	[dreg:$0x7] =	wrdreg $0x9  }
0xc9: {  	_ =	task.clear_ibuf [dreg:s22], $0x8FFFF;
	_ =	strace $0x90000049  }
0xca: {  	s29 =	simm.s32 $0x9;
	_ =	strace $0x8000004B  }
0xcb: {  	_ =	swait.ge [sflag:s29], $0x1  }
0xcc: {  	[sflag:s29] =	ssyncadd.s32 $0xFFFFFFFF  }
0xcd: {  	_ =	strace $0x9000004B  }
0xce: {  	_ =	sfence  }
0xcf: {  	s30 =	sld [smem:$0x0];
	_ =	sdelay $0x2  }
0xd0: {  	s31 =	sshll.u32 s1, $0xD;
	s1 =	sshrl.u32 s1, $0x2  }
0xd1: {  	s4 =	sand.u32 $0x4000, s31;
	s1 =	sadd.s32 s1, s30  }
0xd2: {  	s0 =	sor.u32 s4, s0;
	s1 =	sshll.u32 s1, $0x11  }
0xd3: {  	s0 =	sor.u32 s1, s0  }
0xd4: {  	s0 =	sadd.s32 $0x8F2B, s0  }
0xd5: {  	[sflag:s0] =	ssyncadd.remote.s32 $0x1  }
0xd6: {  	_ =	sfence.sel $0xFFFF  }
0xd7: {  	[dreg:$0x0] =	wrdreg $0xFFFFFFFF;
	(pc) =	sbr.abs _section_cstart, $3  }
0xd8: {  	[dreg:$0x1] =	wrdreg $0xFFFFFFFF  }
0xd9: {  	_ =	task.clear_ibuf [dreg:s22], $0x2FFFF;
	_ =	strace $0x9FFFFFFF  }
0xda: {  	(tm) =	ssettm $0x7FFFFFFF  }
0xdb: {  	_ =	shalt  }
tec
execute0_lowered:
.L_overlay_start_1:
0x0: {  	(tag) =	ssettag $0x1  }
0x1: {  	s12 =	rddreg [dreg:$0x0]  }
0x2: {  	s6 =	rddreg [dreg:$0x1]  }
0x3: {  	s7 =	rddreg [dreg:$0x2]  }
0x4: {  	s2 =	rddreg [dreg:$0x3]  }
0x5: {  	s3 =	rddreg [dreg:$0x4]  }
0x6: {  	s0 =	rddreg [dreg:$0x5]  }
0x7: {  	s1 =	stileid.u32;
	s5 =	srdreg.scid;
	s4 =	simm.s32 $0x0  }
0x8: {  	s19 =	simm.s32 $0x50;
	s20 =	simm.s32 $0x0;
	s9 =	sand.u32 $0x1, s5  }
0x9: {  	s8 =	smul.u32 $0x14000, s1;
	[smem:$0x7FF] =	sst s4;
	s10 =	sshll.u32 s1, $0xC  }
0xa: {  	s13 =	sadd.s32 $0x7B200, s6;
	s16 =	sshll.u32 s1, $0x6;
	s18 =	smul.u32 $0x4E200, s1  }
0xb: {  	s5 =	smul.u32 $0x140000, s9;
	_ =	strace $0x8000004A;
	s11 =	sadd.s32 s10, s6  }
0xc: {  	s15 =	ssub.s32 $0x2, s9;
	s7 =	sadd.s32 s7, s10;
	p0 =	seq.s32 s9, $0x1  }
0xd: {  	s30 =	sshrl.u32 s15, $0x1;
	s17 =	sadd.s32 s8, s2;
	s31 =	sadd.s32 s8, s3  }
0xe: {  	s12 =	smov.u32 @p0 s13;
	s14 =	sadd.s32 s8, s5;
	s5 =	sadd.s32 $0xA3F200, s6  }
0xf: {  	s15 =	ssub.s32 s15, s30;
	s8 =	sadd.s32 $0x18400, s11;
	s12 =	sadd.s32 s18, s12  }
0x10: {  	s13 =	sshrl.u32 s17, $0x3;
	s17 =	simm.s32 $0x12000;
	s18 =	simm.s32 $0x1A000  }
0x11: {  	s14 =	sshrl.u32 s14, $0x3;
	s11 =	smax.u32 s15, $0x1;
	s15 =	sshrl.u32 s31, $0x3  }
0x12: {  	s14 =	sadd.s32 s14, s6;
	s6 =	sor.u32 $0x1C01, s16;
	s16 =	simm.s32 $0xA000  }
0x13: {  	s9 =	sadd.s32 $0xA41A00, s14;
	s10 =	sadd.s32 $0xA91A00, s14;
	s14 =	simm.s32 $0x1  }
.LBB2_1:
0x14: {  	[spmem:s13], [sflag:s6] =	dma.local [hbm:s5], $0x2800  }
0x15: {  	_ =	swait.ge [sflag:s14], $0x2800  }
0x16: {  	[sflag:s14] =	ssyncset.done $0x0  }
0x17: {  	[sflag:s14] =	ssyncadd.s32 $0xFFFFD800  }
0x18: {  	[spmem:s15], [sflag:s6] =	dma.local [hbm:s5], $0x2800  }
0x19: {  	_ =	swait.ge [sflag:s14], $0x2800  }
0x1a: {  	[sflag:s14] =	ssyncset.done $0x0  }
0x1b: {  	[sflag:s14] =	ssyncadd.s32 $0xFFFFD800  }
0x1c: {  	[tilespmem:s16], [sflag:$0x1] =	stream.linear.gather [hbm4b:s7+s4], $0x7D00, $0x38;
	[tilespmem:$0x1C800] =	vst v63  }
0x1d: {  	_ =	swait.ge [sflag:s14], $0x7D00  }
0x1e: {  	[sflag:s14] =	ssyncset.done $0x0  }
0x1f: {  	[sflag:s14] =	ssyncadd.s32 $0xFFFF8300  }
0x20: {  	[tilespmem:s17], [sflag:$0x1] =	stream.linear.gather [hbm4b:s8+s4], $0x7D00, $0x38;
	[tilespmem:$0x1C800] =	vst v63  }
0x21: {  	_ =	swait.ge [sflag:s14], $0x7D00  }
0x22: {  	[sflag:s14] =	ssyncset.done $0x0  }
0x23: {  	[sflag:s14] =	ssyncadd.s32 $0xFFFF8300  }
0x24: {  	[bflag:$0x0] =	sbarrier.arrive $0xFFFF  }
0x25: {  	[tilespmem:s18], [sflag:$0x1] =	stream.linear.gather [hbm4b:s12+s4], $0x2800, $0x38;
	[tilespmem:$0x1C800] =	vst v63  }
0x26: {  	_ =	swait.ge [sflag:s14], $0x2800  }
0x27: {  	[sflag:s14] =	ssyncset.done $0x0  }
0x28: {  	s21 =	simm.s32 $0xA000;
	[sflag:s14] =	ssyncadd.s32 $0xFFFFD800  }
0x29: {  	[spmem:s2] =	stream.indirect.scatter.add.f32 [tilespmem:s18], [sflag:$0x1], $0x20, s21, s19, $0xb8;
	[tilespmem:$0x1C800] =	vst v63  }
0x2a: {  	_ =	swait.ge [sflag:s14], $0xA00  }
0x2b: {  	[sflag:s14] =	ssyncset.done $0x0  }
0x2c: {  	s31 =	simm.s32 $0x12000;
	[sflag:s14] =	ssyncadd.s32 $0xFFFFF600  }
0x2d: {  	[spmem:s3] =	stream.indirect.scatter.add.f32 [tilespmem:s18], [sflag:$0x1], $0x20, s31, s19, $0xb8;
	[tilespmem:$0x1C800] =	vst v63  }
0x2e: {  	_ =	swait.ge [sflag:s14], $0xA00  }
0x2f: {  	s22 =	smov.u32 s12;
	s21 =	simm.s32 $0x200;
	[sflag:s14] =	ssyncset.done $0x0  }
.LBB2_2:
0x30: {  	p0 =	sne.s32 s21, $0x1F200;
	[sflag:s14] =	ssyncadd.s32 $0xFFFFF600;
	s22 =	sadd.s32 $0x500, s22  }
0x31: {  	[tilespmem:s18], [sflag:$0x1] =	stream.linear.gather [hbm4b:s22+s4], $0x2800, $0x38;
	[tilespmem:$0x1C800] =	vst v63  }
0x32: {  	s23 =	smov.u32 s21;
	s21 =	sadd.s32 $0x200, s21;
	_ =	swait.ge [sflag:s14], $0x2800  }
0x33: {  	s23 =	sshra.s32 s23, $0x2;
	[sflag:s14] =	ssyncset.done $0x0  }
0x34: {  	s24 =	sadd.s32 $0xA000, s23;
	[sflag:s14] =	ssyncadd.s32 $0xFFFFD800  }
0x35: {  	[spmem:s2] =	stream.indirect.scatter.add.f32 [tilespmem:s18], [sflag:$0x1], $0x20, s24, s19, $0xb8;
	[tilespmem:$0x1C800] =	vst v63  }
0x36: {  	_ =	swait.ge [sflag:s14], $0xA00  }
.Ltmp0:
0x37: {  	[sflag:s14] =	ssyncset.done $0x0;
	(pc) =	sbr.rel @p0 .LBB2_2-.Ltmp0, $4  }
0x38: {  	s23 =	sadd.s32 $0x12000, s23;
	[sflag:s14] =	ssyncadd.s32 $0xFFFFF600  }
0x39: {  	[spmem:s3] =	stream.indirect.scatter.add.f32 [tilespmem:s18], [sflag:$0x1], $0x20, s23, s19, $0xb8;
	[tilespmem:$0x1C800] =	vst v63  }
0x3a: {  	_ =	swait.ge [sflag:s14], $0xA00  }
0x3b: {  	[sflag:s14] =	ssyncset.done $0x0  }
0x3c: {  	[sflag:s14] =	ssyncadd.s32 $0xFFFFF600  }
0x3d: {  	[bflag:$0x0] =	sbarrier.arrive $0xFFFF  }
0x3e: {  	[hbm:s9], [sflag:s6] =	dma.local [spmem:s13], $0x2800  }
0x3f: {  	s20 =	sadd.s32 $0x1, s20;
	_ =	swait.ge [sflag:s14], $0x2800  }
0x40: {  	p0 =	sne.s32 s20, s11;
	[sflag:s14] =	ssyncset.done $0x0  }
.Ltmp1:
0x41: {  	[sflag:s14] =	ssyncadd.s32 $0xFFFFD800;
	(pc) =	sbr.rel @p0 .LBB2_1-.Ltmp1, $4  }
0x42: {  	[hbm:s10], [sflag:s6] =	dma.local [spmem:s15], $0x2800  }
0x43: {  	_ =	swait.ge [sflag:s14], $0x2800  }
0x44: {  	[sflag:s14] =	ssyncset.done $0x0  }
0x45: {  	[sflag:s14] =	ssyncadd.s32 $0xFFFFD800  }
0x46: {  	_ =	sfence.sel $0x180000  }
0x47: {  	[bflag:$0x0] =	sbarrier.arrive $0xFFFF  }
0x48: {  	p0 =	sne.s32 s1, $0x0;
	_ =	strace $0x9000004A  }
0x49: {  	s0 =	sadd.s32 @!p0 $0x100000, s0;
	[bflag:$0x2] =	sbarrier.arrive $0xFFFF  }
0x4a: {  	[sflag:s0] =	ssyncadd.tile.s32 @!p0 $0x1;
	_ =	shalt  }
.Lfunc_end2:
_tile_overlayer_lowered:
.L_overlay_start_2:
0x4b: {  	(tag) =	ssettag $0x2  }
0x4c: {  	s0 =	rddreg [dreg:$0x0];
	s2 =	stileid.u32  }
0x4d: {  	s1 =	rddreg [dreg:$0x1];
	p0 =	sne.s32 s2, $0x0  }
0x4e: {  	s3 =	rddreg [dreg:$0x2];
	[bflag:$0x3] =	sbarrier.arrive $0xFFFF;
	s2 =	simm.s32 @!p0 $0x1C01  }
0x4f: {  	[timem:s3], [sflag:s2] =	dma.local @!p0 [hbm:s0], s1  }
0x50: {  	s0 =	simm.s32 @!p0 $0x1  }
0x51: {  	_ =	swait.ge @!p0 [sflag:s0], s1  }
0x52: {  	s1 =	ssub.s32 @!p0 $0x0, s1;
	[sflag:s0] =	ssyncset.done @!p0 $0x0  }
0x53: {  	[sflag:s0] =	ssyncadd.s32 @!p0 s1  }
0x54: {  	[bflag:$0x3] =	sbarrier.arrive $0xFFFF  }
0x55: {  	_ =	shalt  }

// kernel: kernel.14.cloned.1.call-start
scs
__scs_entry_jumppad:
0x0: {  	(pc) =	sbr.rel $0x88, $3  }
0x1: {  	(tag) =	ssettag $0x0;
	lr =	simm.s32 $0x1  }
0x2: {  	[smem:$0x3F90] =	sst lr;
	_ =	strace $0xD0000000  }
0x3: {  	_ = 	snop  }
0x4: {  	_ = 	snop  }
0x5: {  	_ = 	snop  }
0x6: {  	_ = 	snop  }
0x7: {  	_ = 	snop  }
__scs_overlays_trampoline_lowered:
0x8: {  	[smem:$0x3F9F] =	sst s0  }
0x9: {  	[smem:$0x3FA0] =	sst s1  }
0xa: {  	[smem:$0x3FA1] =	sst s2  }
0xb: {  	[smem:$0x3FA2] =	sst s3  }
0xc: {  	[smem:$0x3FA3] =	sst s4  }
0xd: {  	[smem:$0x3FA4] =	sst s5  }
0xe: {  	[smem:$0x3FA5] =	sst s6  }
0xf: {  	[smem:$0x3FA6] =	sst s7  }
0x10: {  	[smem:$0x3FA7] =	sst s8  }
0x11: {  	[smem:$0x3FA8] =	sst s9;
	s0 =	simm.s32 @!p0 $0x0  }
0x12: {  	s1 =	sld [smem:$0x3F8E];
	s0 =	simm.s32 @p0 $0x1  }
0x13: {  	[smem:$0x3FA9] =	sst s0;
	s0 =	simm.s32 @!p1 $0x0  }
0x14: {  	s2 =	sld [smem:$0x3F8D];
	s0 =	simm.s32 @p1 $0x1  }
0x15: {  	[smem:$0x3FAA] =	sst s0;
	s0 =	simm.s32 @!p2 $0x0  }
0x16: {  	s3 =	sld [smem:$0x3FDB];
	s0 =	simm.s32 @p2 $0x1  }
0x17: {  	s4 =	simm.s32 $0x1BF5;
	[smem:$0x3FAC] =	sst s0  }
0x18: {  	s0 =	sld [smem:$0x3F8F];
	_ =	swait.ge [sflag:s4], $0x0  }
0x19: {  	s7 =	sld [smem:$0x3F90]  }
0x1a: {  	s8 =	sadd.s32 $0xFFFFE003, lr  }
0x1b: {  	s9 =	sadd.s32 $0xFFFFFEF7, lr;
	s5 =	simm.s32 $0xFFFFFFFF;
	p2 =	slt.u32 s8, $0xFFFFF086  }
0x1c: {  	p1 =	slt.u32 s9, $0xF7A;
	s5 =	simm.s32 @!p2 $0x0  }
0x1d: {  	s5 =	simm.s32 @p1 $0x1;
	p0 =	seq.s32 s7, s2  }
0x1e: {  	s7 =	smul.u32 @!p0 $0xF7A, s2;
	p2 =	seq.s32 @!p0 s5, $0x0  }
0x1f: {  	s9 =	smul.u32 $0xF7A, s1;
	s8 =	simm.s32 @!p0 $0x1BF5;
	p2 =	por !p2, p0  }
0x20: {  	[sflag:s8] =	ssyncset.s32 @!p0 $0xFFFFF086;
	s6 =	sadd.s32 @!p0 s3, s7;
	s7 =	simm.s32 @!p0 $0x108  }
0x21: {  	s3 =	sadd.s32 s3, s9;
	s6 =	sadd.s32 @!p0 $0x88, s6;
	s7 =	simm.s32 @p2 $0x1082  }
0x22: {  	[simem:s7], [sflag:s8] =	dma.local @!p0 [hbm:s6], $0xF7A  }
0x23: {  	s9 =	sor.u32 $0xD0000000, s2;
	s6 =	simm.s32 $0x108;
	_ =	swait.ge @!p0 [sflag:s8], $0x0  }
0x24: {  	s3 =	sadd.s32 $0x88, s3;
	s6 =	simm.s32 @!p1 $0x1082;
	[sflag:s4] =	ssyncset.s32 $0xFFFFF086  }
0x25: {  	[simem:s6], [sflag:s4] =	dma.local [hbm:s3], $0xF7A  }
0x26: {  	[smem:$0x3F90] =	sst s1;
	(tag) =	ssettag s2;
	_ =	strace s9  }
0x27: {  	s1 =	sld [smem:$0x3FA0]  }
0x28: {  	s2 =	sld [smem:$0x3FA1]  }
0x29: {  	s4 =	sld [smem:$0x3FA3]  }
0x2a: {  	p0 =	seq.s32 s5, $0x0;
	s5 =	sld [smem:$0x3FA4]  }
0x2b: {  	s6 =	sld [smem:$0x3FA5]  }
0x2c: {  	s7 =	sld [smem:$0x3FA6]  }
0x2d: {  	s3 =	simm.s32 $0x108;
	s8 =	sld [smem:$0x3FA7]  }
0x2e: {  	s3 =	simm.s32 @!p0 $0x1082;
	s9 =	sld [smem:$0x3FA8]  }
0x2f: {  	lr =	sadd.s32 s0, s3;
	s0 =	sld [smem:$0x3F9F]  }
0x30: {  	s3 =	sld [smem:$0x3FA2]  }
0x31: {  	[smem:$0x3FAB] =	sst s10  }
0x32: {  	s10 =	sld [smem:$0x3FA9];
	_ =	sdelay $0x3  }
0x33: {  	p0 =	seq.s32 s10, $0x1;
	s10 =	sld [smem:$0x3FAB];
	_ =	sdelay $0x3  }
0x34: {  	[smem:$0x3FAB] =	sst s10  }
0x35: {  	s10 =	sld [smem:$0x3FAA];
	_ =	sdelay $0x3  }
0x36: {  	p1 =	seq.s32 s10, $0x1;
	s10 =	sld [smem:$0x3FAB];
	_ =	sdelay $0x3  }
0x37: {  	[smem:$0x3FAB] =	sst s10  }
0x38: {  	s10 =	sld [smem:$0x3FAC]  }
0x39: {  	_ = 	snop;
	(pc) =	sbr.ind lr, $3  }
0x3a: {  	_ = 	snop  }
0x3b: {  	_ = 	snop  }
0x3c: {  	p2 =	seq.s32 s10, $0x1;
	s10 =	sld [smem:$0x3FAB]  }
0x3d: {  	_ =	shalt  }
0x3e: {  	_ =	shalt  }
0x3f: {  	_ =	shalt  }
0x40: {  	_ =	shalt  }
0x41: {  	_ =	shalt  }
0x42: {  	_ =	shalt  }
0x43: {  	_ =	shalt  }
0x44: {  	_ =	shalt  }
0x45: {  	_ =	shalt  }
0x46: {  	_ =	shalt  }
0x47: {  	_ =	shalt  }
0x48: {  	_ =	shalt  }
0x49: {  	_ =	shalt  }
0x4a: {  	_ =	shalt  }
0x4b: {  	_ =	shalt  }
0x4c: {  	_ =	shalt  }
0x4d: {  	_ =	shalt  }
0x4e: {  	_ =	shalt  }
0x4f: {  	_ =	shalt  }
0x50: {  	_ =	shalt  }
0x51: {  	_ =	shalt  }
0x52: {  	_ =	shalt  }
0x53: {  	_ =	shalt  }
0x54: {  	_ =	shalt  }
0x55: {  	_ =	shalt  }
0x56: {  	_ =	shalt  }
0x57: {  	_ =	shalt  }
0x58: {  	_ =	shalt  }
0x59: {  	_ =	shalt  }
0x5a: {  	_ =	shalt  }
0x5b: {  	_ =	shalt  }
0x5c: {  	_ =	shalt  }
0x5d: {  	_ =	shalt  }
0x5e: {  	_ =	shalt  }
0x5f: {  	_ =	shalt  }
0x60: {  	_ =	shalt  }
0x61: {  	_ =	shalt  }
0x62: {  	_ =	shalt  }
0x63: {  	_ =	shalt  }
0x64: {  	_ =	shalt  }
0x65: {  	_ =	shalt  }
0x66: {  	_ =	shalt  }
0x67: {  	_ =	shalt  }
0x68: {  	_ =	shalt  }
0x69: {  	_ =	shalt  }
0x6a: {  	_ =	shalt  }
0x6b: {  	_ =	shalt  }
0x6c: {  	_ =	shalt  }
0x6d: {  	_ =	shalt  }
0x6e: {  	_ =	shalt  }
0x6f: {  	_ =	shalt  }
0x70: {  	_ =	shalt  }
0x71: {  	_ =	shalt  }
0x72: {  	_ =	shalt  }
0x73: {  	_ =	shalt  }
0x74: {  	_ =	shalt  }
0x75: {  	_ =	shalt  }
0x76: {  	_ =	shalt  }
0x77: {  	_ =	shalt  }
0x78: {  	_ =	shalt  }
0x79: {  	_ =	shalt  }
0x7a: {  	_ =	shalt  }
0x7b: {  	_ =	shalt  }
0x7c: {  	_ =	shalt  }
0x7d: {  	_ =	shalt  }
0x7e: {  	_ =	shalt  }
0x7f: {  	_ =	shalt  }
0x80: {  	_ =	shalt  }
0x81: {  	_ =	shalt  }
0x82: {  	_ =	shalt  }
0x83: {  	_ =	shalt  }
0x84: {  	_ =	shalt  }
0x85: {  	_ =	shalt  }
0x86: {  	_ =	shalt  }
0x87: {  	_ =	shalt  }
.Lfunc_end0:
.L_simem_size_0:
called_computation.2_lowered:
.L_overlay_start_0:
0x88: {  	s2 =	sld [smem:$0x3FD9]  }
0x89: {  	s3 =	sld [smem:$0x3FFE];
	_ =	sdelay $0x1  }
0x8a: {  	s1 =	srdreg.scid  }
0x8b: {  	s0 =	sand.u32 $0x1, s1  }
0x8c: {  	s14 =	sshll.u32 s0, $0xA;
	s2 =	sadd.s32 s3, s2  }
0x8d: {  	s2 =	sadd.s32 s2, s14  }
0x8e: {  	[smem:$0x3FB7] =	sst s2  }
0x8f: {  	_ = 	snop  }
0x90: {  	s2 =	sld [smem:$0x3FD0];
	_ =	sdelay $0x2  }
0x91: {  	s15 =	simm.s32 $0xB;
	s4 =	simm.s32 $0x10  }
0x92: {  	[smem:s4], [sflag:s15] =	dma.local [hbm:s2], $0x1  }
0x93: {  	_ =	swait.eq [sflag:s15], $0x1  }
0x94: {  	[sflag:s15] =	ssyncset.done $0x0  }
0x95: {  	[sflag:s15] =	ssyncadd.s32 $0xFFFFFFFF  }
0x96: {  	s16 =	sld [smem:$0x10];
	(tm) =	ssettm $0x1  }
0x97: {  	s17 =	sld [smem:$0x3FFB];
	_ =	sdelay $0x3  }
0x98: {  	_ =	strace s17  }
0x99: {  	s3 =	sld [smem:$0x3FFC];
	_ =	sdelay $0x3  }
0x9a: {  	_ =	strace s3  }
0x9b: {  	s3 =	sld [smem:$0x3FFD];
	_ =	sdelay $0x3  }
0x9c: {  	_ =	strace s3  }
0x9d: {  	_ =	strace $0x8FFFFFFF  }
0x9e: {  	s18 =	sld [smem:$0x3FDB];
	_ =	sdelay $0x1  }
0x9f: {  	s19 =	simm.s32 $_scs_section_size  }
0xa0: {  	s5 =	simm.s32 $_size__tile_overlayer_lowered;
	s6 =	simm.s32 $_tile_overlayer_lowered  }
0xa1: {  	s22 =	simm.s32 $0x1BFF;
	s21 =	sshll.u32 s6, $0x1;
	s3 =	sadd.s32 s19, s18  }
0xa2: {  	s7 =	simm.s32 $0x0;
	s20 =	sshll.u32 s5, $0x1;
	s5 =	sadd.s32 s21, s3  }
0xa3: {  	[timem:s7], [sflag:s22] =	dma.local [hbm:s5], s20  }
0xa4: {  	_ =	swait.ge [sflag:s22], s20  }
0xa5: {  	s4 =	ssub.s32 $0x0, s20;
	[sflag:s22] =	ssyncset.done $0x0  }
0xa6: {  	[sflag:s22] =	ssyncadd.s32 s4;
	_ =	sdelay $0x1  }
0xa7: {  	s23 =	simm.s32 $0x1B8B  }
0xa8: {  	_ =	swait.ge [sflag:s23], $0x1  }
0xa9: {  	[sflag:s23] =	ssyncset.done $0x0  }
0xaa: {  	s25 =	simm.s32 $0x1B8E;
	s24 =	sld [smem:$0x3FFE];
	[sflag:s23] =	ssyncadd.s32 $0xFFFFFFFF  }
0xab: {  	s26 =	simm.s32 $execute0_lowered;
	[smem:$0x3FD2] =	sst s25  }
0xac: {  	s5 =	sshll.u32 s26, $0x1;
	_ =	strace $0x80000046;
	[dreg:$0x1] =	wrdreg $0xFFFFFFFF  }
0xad: {  	s28 =	simm.s32 $_size_execute0_lowered;
	s3 =	sadd.s32 s3, s5;
	[dreg:$0x0] =	wrdreg $0x0  }
0xae: {  	s5 =	sshll.u32 s28, $0x1;
	[dreg:$0x2] =	wrdreg s3  }
0xaf: {  	[dreg:$0x3] =	wrdreg s5  }
0xb0: {  	[dreg:$0x4] =	wrdreg $0xC0  }
0xb1: {  	_ =	task [dreg:s7], $0x5FFFF  }
0xb2: {  	[dreg:$0x1] =	wrdreg $0xFFFFFFFF  }
0xb3: {  	[dreg:$0x0] =	wrdreg $0x60  }
0xb4: {  	[dreg:$0x2] =	wrdreg s16  }
0xb5: {  	[dreg:$0x3] =	wrdreg s24  }
0xb6: {  	[dreg:$0x4] =	wrdreg $0x0  }
0xb7: {  	[dreg:$0x5] =	wrdreg $0xA  }
0xb8: {  	_ =	task.clear_ibuf [dreg:s7], $0x6FFFF;
	_ =	strace $0x90000046  }
0xb9: {  	s29 =	simm.s32 $0xA;
	_ =	strace $0x80000048  }
0xba: {  	_ =	swait.ge [sflag:s29], $0x1  }
0xbb: {  	[sflag:s29] =	ssyncadd.s32 $0xFFFFFFFF  }
0xbc: {  	_ =	strace $0x90000048  }
0xbd: {  	_ =	sfence  }
0xbe: {  	s30 =	sld [smem:$0x0];
	_ =	sdelay $0x2  }
0xbf: {  	s31 =	sshll.u32 s1, $0xD;
	s1 =	sshrl.u32 s1, $0x2  }
0xc0: {  	s3 =	sand.u32 $0x4000, s31;
	s1 =	sadd.s32 s1, s30  }
0xc1: {  	s0 =	sor.u32 s3, s0;
	s1 =	sshll.u32 s1, $0x11  }
0xc2: {  	s0 =	sor.u32 s1, s0  }
0xc3: {  	s0 =	sadd.s32 $0x8F2B, s0  }
0xc4: {  	[sflag:s0] =	ssyncadd.remote.s32 $0x1  }
0xc5: {  	_ =	sfence.sel $0xFFFF  }
0xc6: {  	[dreg:$0x0] =	wrdreg $0xFFFFFFFF;
	(pc) =	sbr.abs _section_cstart, $3  }
0xc7: {  	[dreg:$0x1] =	wrdreg $0xFFFFFFFF  }
0xc8: {  	_ =	task.clear_ibuf [dreg:s7], $0x2FFFF;
	_ =	strace $0x9FFFFFFF  }
0xc9: {  	(tm) =	ssettm $0x7FFFFFFF  }
tec
execute0_lowered:
.L_overlay_start_1:
0x0: {  	(tag) =	ssettag $0x1  }
0x1: {  	s7 =	rddreg [dreg:$0x0]  }
0x2: {  	s6 =	rddreg [dreg:$0x1]  }
0x3: {  	s1 =	rddreg [dreg:$0x2]  }
0x4: {  	s0 =	rddreg [dreg:$0x3]  }
0x5: {  	s2 =	simm.s32 $0x0;
	s5 =	srdreg.scid;
	s3 =	stileid.u32  }
0x6: {  	s15 =	simm.s32 $0x0;
	[smem:$0x7FF] =	sst s2;
	s8 =	sadd.s32 $0x18400, s6  }
0x7: {  	s4 =	sadd.s32 $0x28400, s6;
	s9 =	sand.u32 $0x1, s5;
	s10 =	smul.u32 $0x50000, s3  }
0x8: {  	s5 =	sadd.s32 $0x28A00, s6;
	s11 =	sadd.s32 $0x2B200, s6;
	s13 =	sadd.s32 $0x53200, s6  }
0x9: {  	s30 =	sshll.u32 s3, $0x6;
	s31 =	smul.u32 $0x2800, s3;
	s14 =	sshll.u32 s3, $0xC  }
0xa: {  	_ =	strace $0x80000047;
	s12 =	ssub.s32 $0x2, s9;
	s6 =	sor.u32 $0x1C01, s30  }
0xb: {  	p0 =	seq.s32 s9, $0x0;
	s29 =	sshrl.u32 s12, $0x1;
	s10 =	sshrl.u32 s10, $0x2  }
0xc: {  	s8 =	smov.u32 @p0 s7;
	s13 =	smov.u32 @p0 s11;
	s11 =	simm.s32 $0x1  }
0xd: {  	s12 =	ssub.s32 s12, s29;
	s10 =	sadd.s32 s10, s1;
	s8 =	sadd.s32 s8, s14  }
0xe: {  	s9 =	sadd.s32 s13, s31;
	s13 =	simm.s32 $0x5000;
	s14 =	simm.s32 $0x50  }
0xf: {  	s7 =	smax.u32 s12, $0x1;
	s10 =	sshrl.u32 s10, $0x3;
	s12 =	simm.s32 $0x2800  }
.LBB2_1:
0x10: {  	[spmem:s10], [sflag:s6] =	dma.local [hbm:s5], $0x2800  }
0x11: {  	_ =	swait.ge [sflag:s11], $0x2800  }
0x12: {  	[sflag:s11] =	ssyncset.done $0x0  }
0x13: {  	[sflag:s11] =	ssyncadd.s32 $0xFFFFD800  }
0x14: {  	[tilespmem:s12], [sflag:$0x1] =	stream.linear.gather [hbm4b:s4+s2], $0x2800, $0x38;
	[tilespmem:$0xD000] =	vst v63  }
0x15: {  	_ =	swait.ge [sflag:s11], $0x2800  }
0x16: {  	[sflag:s11] =	ssyncset.done $0x0  }
0x17: {  	[sflag:s11] =	ssyncadd.s32 $0xFFFFD800  }
0x18: {  	[tilespmem:s13], [sflag:$0x1] =	stream.linear.gather [hbm4b:s8+s2], $0x7D00, $0x38;
	[tilespmem:$0xD000] =	vst v63  }
0x19: {  	_ =	swait.ge [sflag:s11], $0x7D00  }
0x1a: {  	[sflag:s11] =	ssyncset.done $0x0  }
0x1b: {  	[sflag:s11] =	ssyncadd.s32 $0xFFFF8300  }
0x1c: {  	s16 =	simm.s32 $0x5000;
	[bflag:$0x0] =	sbarrier.arrive $0xFFFF  }
0x1d: {  	[spmem:s1] =	stream.indirect.scatter.add.f32 [tilespmem:s12], [sflag:$0x1], $0x10, s16, s14, $0xb8;
	[tilespmem:$0xD000] =	vst v63  }
0x1e: {  	s16 =	simm.s32 $0x200;
	_ =	swait.ge [sflag:s11], $0x500  }
.LBB2_2:
0x1f: {  	s17 =	sshra.s32 s16, $0x2;
	[sflag:s11] =	ssyncset.done $0x0;
	p0 =	sne.s32 s16, $0x1F200  }
.Ltmp0:
0x20: {  	s17 =	sadd.s32 $0x5000, s17;
	[sflag:s11] =	ssyncadd.s32 $0xFFFFFB00;
	(pc) =	sbr.rel @p0 .LBB2_2-.Ltmp0, $3  }
0x21: {  	[spmem:s1] =	stream.indirect.scatter.add.f32 [tilespmem:s12], [sflag:$0x1], $0x10, s17, s14, $0xb8;
	[tilespmem:$0xD000] =	vst v63  }
0x22: {  	s16 =	sadd.s32 $0x200, s16;
	_ =	sdelay $0x1  }
0x23: {  	_ =	swait.ge [sflag:s11], $0x500  }
0x24: {  	[sflag:s11] =	ssyncset.done $0x0;
	s15 =	sadd.s32 $0x1, s15  }
0x25: {  	[sflag:s11] =	ssyncadd.s32 $0xFFFFFB00;
	p0 =	sne.s32 s15, s7  }
.Ltmp1:
0x26: {  	[bflag:$0x0] =	sbarrier.arrive $0xFFFF;
	(pc) =	sbr.rel @p0 .LBB2_1-.Ltmp1, $4  }
0x27: {  	[hbm:s9], [sflag:s6] =	dma.local [spmem:s10], $0x2800  }
0x28: {  	_ =	swait.ge [sflag:s11], $0x2800  }
0x29: {  	[sflag:s11] =	ssyncset.done $0x0  }
0x2a: {  	[sflag:s11] =	ssyncadd.s32 $0xFFFFD800  }
0x2b: {  	_ =	sfence.sel $0x180000  }
0x2c: {  	[bflag:$0x0] =	sbarrier.arrive $0xFFFF  }
0x2d: {  	p0 =	sne.s32 s3, $0x0;
	_ =	strace $0x90000047  }
0x2e: {  	s0 =	sadd.s32 @!p0 $0x100000, s0;
	[bflag:$0x2] =	sbarrier.arrive $0xFFFF  }
0x2f: {  	[sflag:s0] =	ssyncadd.tile.s32 @!p0 $0x1;
	_ =	shalt  }
.Lfunc_end2:
_tile_overlayer_lowered:
.L_overlay_start_2:
0x30: {  	(tag) =	ssettag $0x2  }
0x31: {  	s0 =	rddreg [dreg:$0x0];
	s2 =	stileid.u32  }
0x32: {  	s1 =	rddreg [dreg:$0x1];
	p0 =	sne.s32 s2, $0x0  }
0x33: {  	s3 =	rddreg [dreg:$0x2];
	[bflag:$0x3] =	sbarrier.arrive $0xFFFF;
	s2 =	simm.s32 @!p0 $0x1C01  }
0x34: {  	[timem:s3], [sflag:s2] =	dma.local @!p0 [hbm:s0], s1  }
0x35: {  	s0 =	simm.s32 @!p0 $0x1  }
0x36: {  	_ =	swait.ge @!p0 [sflag:s0], s1  }
0x37: {  	s1 =	ssub.s32 @!p0 $0x0, s1;
	[sflag:s0] =	ssyncset.done @!p0 $0x0  }
0x38: {  	[sflag:s0] =	ssyncadd.s32 @!p0 s1  }
0x39: {  	[bflag:$0x3] =	sbarrier.arrive $0xFFFF  }
0x3a: {  	_ =	shalt  }

// kernel: kernel.17.cloned.1.call-start
scs
__scs_entry_jumppad:
0x0: {  	(pc) =	sbr.rel $0x88, $3  }
0x1: {  	(tag) =	ssettag $0x0;
	lr =	simm.s32 $0x1  }
0x2: {  	[smem:$0x3F90] =	sst lr;
	_ =	strace $0xD0000000  }
0x3: {  	_ = 	snop  }
0x4: {  	_ = 	snop  }
0x5: {  	_ = 	snop  }
0x6: {  	_ = 	snop  }
0x7: {  	_ = 	snop  }
__scs_overlays_trampoline_lowered:
0x8: {  	[smem:$0x3F9F] =	sst s0  }
0x9: {  	[smem:$0x3FA0] =	sst s1  }
0xa: {  	[smem:$0x3FA1] =	sst s2  }
0xb: {  	[smem:$0x3FA2] =	sst s3  }
0xc: {  	[smem:$0x3FA3] =	sst s4  }
0xd: {  	[smem:$0x3FA4] =	sst s5  }
0xe: {  	[smem:$0x3FA5] =	sst s6  }
0xf: {  	[smem:$0x3FA6] =	sst s7  }
0x10: {  	[smem:$0x3FA7] =	sst s8  }
0x11: {  	[smem:$0x3FA8] =	sst s9;
	s0 =	simm.s32 @!p0 $0x0  }
0x12: {  	s1 =	sld [smem:$0x3F8E];
	s0 =	simm.s32 @p0 $0x1  }
0x13: {  	[smem:$0x3FA9] =	sst s0;
	s0 =	simm.s32 @!p1 $0x0  }
0x14: {  	s2 =	sld [smem:$0x3F8D];
	s0 =	simm.s32 @p1 $0x1  }
0x15: {  	[smem:$0x3FAA] =	sst s0;
	s0 =	simm.s32 @!p2 $0x0  }
0x16: {  	s3 =	sld [smem:$0x3FDB];
	s0 =	simm.s32 @p2 $0x1  }
0x17: {  	s4 =	simm.s32 $0x1BF5;
	[smem:$0x3FAC] =	sst s0  }
0x18: {  	s0 =	sld [smem:$0x3F8F];
	_ =	swait.ge [sflag:s4], $0x0  }
0x19: {  	s7 =	sld [smem:$0x3F90]  }
0x1a: {  	s8 =	sadd.s32 $0xFFFFE003, lr  }
0x1b: {  	s9 =	sadd.s32 $0xFFFFFEF7, lr;
	s5 =	simm.s32 $0xFFFFFFFF;
	p2 =	slt.u32 s8, $0xFFFFF086  }
0x1c: {  	p1 =	slt.u32 s9, $0xF7A;
	s5 =	simm.s32 @!p2 $0x0  }
0x1d: {  	s5 =	simm.s32 @p1 $0x1;
	p0 =	seq.s32 s7, s2  }
0x1e: {  	s7 =	smul.u32 @!p0 $0xF7A, s2;
	p2 =	seq.s32 @!p0 s5, $0x0  }
0x1f: {  	s9 =	smul.u32 $0xF7A, s1;
	s8 =	simm.s32 @!p0 $0x1BF5;
	p2 =	por !p2, p0  }
0x20: {  	[sflag:s8] =	ssyncset.s32 @!p0 $0xFFFFF086;
	s6 =	sadd.s32 @!p0 s3, s7;
	s7 =	simm.s32 @!p0 $0x108  }
0x21: {  	s3 =	sadd.s32 s3, s9;
	s6 =	sadd.s32 @!p0 $0x88, s6;
	s7 =	simm.s32 @p2 $0x1082  }
0x22: {  	[simem:s7], [sflag:s8] =	dma.local @!p0 [hbm:s6], $0xF7A  }
0x23: {  	s9 =	sor.u32 $0xD0000000, s2;
	s6 =	simm.s32 $0x108;
	_ =	swait.ge @!p0 [sflag:s8], $0x0  }
0x24: {  	s3 =	sadd.s32 $0x88, s3;
	s6 =	simm.s32 @!p1 $0x1082;
	[sflag:s4] =	ssyncset.s32 $0xFFFFF086  }
0x25: {  	[simem:s6], [sflag:s4] =	dma.local [hbm:s3], $0xF7A  }
0x26: {  	[smem:$0x3F90] =	sst s1;
	(tag) =	ssettag s2;
	_ =	strace s9  }
0x27: {  	s1 =	sld [smem:$0x3FA0]  }
0x28: {  	s2 =	sld [smem:$0x3FA1]  }
0x29: {  	s4 =	sld [smem:$0x3FA3]  }
0x2a: {  	p0 =	seq.s32 s5, $0x0;
	s5 =	sld [smem:$0x3FA4]  }
0x2b: {  	s6 =	sld [smem:$0x3FA5]  }
0x2c: {  	s7 =	sld [smem:$0x3FA6]  }
0x2d: {  	s3 =	simm.s32 $0x108;
	s8 =	sld [smem:$0x3FA7]  }
0x2e: {  	s3 =	simm.s32 @!p0 $0x1082;
	s9 =	sld [smem:$0x3FA8]  }
0x2f: {  	lr =	sadd.s32 s0, s3;
	s0 =	sld [smem:$0x3F9F]  }
0x30: {  	s3 =	sld [smem:$0x3FA2]  }
0x31: {  	[smem:$0x3FAB] =	sst s10  }
0x32: {  	s10 =	sld [smem:$0x3FA9];
	_ =	sdelay $0x3  }
0x33: {  	p0 =	seq.s32 s10, $0x1;
	s10 =	sld [smem:$0x3FAB];
	_ =	sdelay $0x3  }
0x34: {  	[smem:$0x3FAB] =	sst s10  }
0x35: {  	s10 =	sld [smem:$0x3FAA];
	_ =	sdelay $0x3  }
0x36: {  	p1 =	seq.s32 s10, $0x1;
	s10 =	sld [smem:$0x3FAB];
	_ =	sdelay $0x3  }
0x37: {  	[smem:$0x3FAB] =	sst s10  }
0x38: {  	s10 =	sld [smem:$0x3FAC]  }
0x39: {  	_ = 	snop;
	(pc) =	sbr.ind lr, $3  }
0x3a: {  	_ = 	snop  }
0x3b: {  	_ = 	snop  }
0x3c: {  	p2 =	seq.s32 s10, $0x1;
	s10 =	sld [smem:$0x3FAB]  }
0x3d: {  	_ =	shalt  }
0x3e: {  	_ =	shalt  }
0x3f: {  	_ =	shalt  }
0x40: {  	_ =	shalt  }
0x41: {  	_ =	shalt  }
0x42: {  	_ =	shalt  }
0x43: {  	_ =	shalt  }
0x44: {  	_ =	shalt  }
0x45: {  	_ =	shalt  }
0x46: {  	_ =	shalt  }
0x47: {  	_ =	shalt  }
0x48: {  	_ =	shalt  }
0x49: {  	_ =	shalt  }
0x4a: {  	_ =	shalt  }
0x4b: {  	_ =	shalt  }
0x4c: {  	_ =	shalt  }
0x4d: {  	_ =	shalt  }
0x4e: {  	_ =	shalt  }
0x4f: {  	_ =	shalt  }
0x50: {  	_ =	shalt  }
0x51: {  	_ =	shalt  }
0x52: {  	_ =	shalt  }
0x53: {  	_ =	shalt  }
0x54: {  	_ =	shalt  }
0x55: {  	_ =	shalt  }
0x56: {  	_ =	shalt  }
0x57: {  	_ =	shalt  }
0x58: {  	_ =	shalt  }
0x59: {  	_ =	shalt  }
0x5a: {  	_ =	shalt  }
0x5b: {  	_ =	shalt  }
0x5c: {  	_ =	shalt  }
0x5d: {  	_ =	shalt  }
0x5e: {  	_ =	shalt  }
0x5f: {  	_ =	shalt  }
0x60: {  	_ =	shalt  }
0x61: {  	_ =	shalt  }
0x62: {  	_ =	shalt  }
0x63: {  	_ =	shalt  }
0x64: {  	_ =	shalt  }
0x65: {  	_ =	shalt  }
0x66: {  	_ =	shalt  }
0x67: {  	_ =	shalt  }
0x68: {  	_ =	shalt  }
0x69: {  	_ =	shalt  }
0x6a: {  	_ =	shalt  }
0x6b: {  	_ =	shalt  }
0x6c: {  	_ =	shalt  }
0x6d: {  	_ =	shalt  }
0x6e: {  	_ =	shalt  }
0x6f: {  	_ =	shalt  }
0x70: {  	_ =	shalt  }
0x71: {  	_ =	shalt  }
0x72: {  	_ =	shalt  }
0x73: {  	_ =	shalt  }
0x74: {  	_ =	shalt  }
0x75: {  	_ =	shalt  }
0x76: {  	_ =	shalt  }
0x77: {  	_ =	shalt  }
0x78: {  	_ =	shalt  }
0x79: {  	_ =	shalt  }
0x7a: {  	_ =	shalt  }
0x7b: {  	_ =	shalt  }
0x7c: {  	_ =	shalt  }
0x7d: {  	_ =	shalt  }
0x7e: {  	_ =	shalt  }
0x7f: {  	_ =	shalt  }
0x80: {  	_ =	shalt  }
0x81: {  	_ =	shalt  }
0x82: {  	_ =	shalt  }
0x83: {  	_ =	shalt  }
0x84: {  	_ =	shalt  }
0x85: {  	_ =	shalt  }
0x86: {  	_ =	shalt  }
0x87: {  	_ =	shalt  }
.Lfunc_end0:
.L_simem_size_0:
called_computation.3_lowered:
.L_overlay_start_0:
0x88: {  	s2 =	sld [smem:$0x3FD9]  }
0x89: {  	s3 =	sld [smem:$0x3FFE];
	_ =	sdelay $0x1  }
0x8a: {  	s1 =	srdreg.scid  }
0x8b: {  	s0 =	sand.u32 $0x1, s1  }
0x8c: {  	s14 =	sshll.u32 s0, $0xA;
	s2 =	sadd.s32 s3, s2  }
0x8d: {  	s2 =	sadd.s32 s2, s14  }
0x8e: {  	[smem:$0x3FB7] =	sst s2  }
0x8f: {  	_ = 	snop  }
0x90: {  	s2 =	sld [smem:$0x3FD0];
	_ =	sdelay $0x2  }
0x91: {  	s15 =	simm.s32 $0xB;
	s4 =	simm.s32 $0x10  }
0x92: {  	[smem:s4], [sflag:s15] =	dma.local [hbm:s2], $0x1  }
0x93: {  	_ =	swait.eq [sflag:s15], $0x1  }
0x94: {  	[sflag:s15] =	ssyncset.done $0x0  }
0x95: {  	s16 =	sld [smem:$0x10];
	[sflag:s15] =	ssyncadd.s32 $0xFFFFFFFF  }
0x96: {  	s17 =	sld [smem:$0x11];
	(tm) =	ssettm $0x1  }
0x97: {  	s18 =	sld [smem:$0x3FFB];
	_ =	sdelay $0x3  }
0x98: {  	_ =	strace s18  }
0x99: {  	s4 =	sld [smem:$0x3FFC];
	_ =	sdelay $0x3  }
0x9a: {  	_ =	strace s4  }
0x9b: {  	s4 =	sld [smem:$0x3FFD];
	_ =	sdelay $0x3  }
0x9c: {  	_ =	strace s4  }
0x9d: {  	_ =	strace $0x8FFFFFFF  }
0x9e: {  	s19 =	sld [smem:$0x3FDB];
	_ =	sdelay $0x1  }
0x9f: {  	s5 =	simm.s32 $_scs_section_size  }
0xa0: {  	s6 =	simm.s32 $_size__tile_overlayer_lowered;
	s7 =	simm.s32 $_tile_overlayer_lowered  }
0xa1: {  	s22 =	simm.s32 $0x1BFF;
	s21 =	sshll.u32 s7, $0x1;
	s4 =	sadd.s32 s5, s19  }
0xa2: {  	s8 =	simm.s32 $0x0;
	s20 =	sshll.u32 s6, $0x1;
	s6 =	sadd.s32 s21, s4  }
0xa3: {  	[timem:s8], [sflag:s22] =	dma.local [hbm:s6], s20  }
0xa4: {  	_ =	swait.ge [sflag:s22], s20  }
0xa5: {  	s5 =	ssub.s32 $0x0, s20;
	[sflag:s22] =	ssyncset.done $0x0  }
0xa6: {  	[sflag:s22] =	ssyncadd.s32 s5;
	_ =	sdelay $0x1  }
0xa7: {  	s23 =	simm.s32 $0x1B8B  }
0xa8: {  	_ =	swait.ge [sflag:s23], $0x1  }
0xa9: {  	[sflag:s23] =	ssyncset.done $0x0  }
0xaa: {  	s25 =	simm.s32 $0x1B8E;
	s24 =	sld [smem:$0x3FFE];
	[sflag:s23] =	ssyncadd.s32 $0xFFFFFFFF  }
0xab: {  	s26 =	simm.s32 $execute0_lowered;
	[smem:$0x3FD2] =	sst s25  }
0xac: {  	s6 =	sshll.u32 s26, $0x1;
	_ =	strace $0x80000052;
	[dreg:$0x1] =	wrdreg $0xFFFFFFFF  }
0xad: {  	s28 =	simm.s32 $_size_execute0_lowered;
	s4 =	sadd.s32 s4, s6;
	[dreg:$0x0] =	wrdreg $0x0  }
0xae: {  	s6 =	sshll.u32 s28, $0x1;
	[dreg:$0x2] =	wrdreg s4  }
0xaf: {  	[dreg:$0x3] =	wrdreg s6  }
0xb0: {  	[dreg:$0x4] =	wrdreg $0xC0  }
0xb1: {  	_ =	task [dreg:s8], $0x5FFFF  }
0xb2: {  	[dreg:$0x1] =	wrdreg $0xFFFFFFFF  }
0xb3: {  	[dreg:$0x0] =	wrdreg $0x60  }
0xb4: {  	[dreg:$0x2] =	wrdreg s16  }
0xb5: {  	[dreg:$0x3] =	wrdreg s24  }
0xb6: {  	[dreg:$0x4] =	wrdreg s17  }
0xb7: {  	[dreg:$0x5] =	wrdreg $0x0  }
0xb8: {  	[dreg:$0x6] =	wrdreg $0x9  }
0xb9: {  	_ =	task.clear_ibuf [dreg:s8], $0x7FFFF;
	_ =	strace $0x90000052  }
0xba: {  	s29 =	simm.s32 $0x9;
	_ =	strace $0x80000054  }
0xbb: {  	_ =	swait.ge [sflag:s29], $0x1  }
0xbc: {  	[sflag:s29] =	ssyncadd.s32 $0xFFFFFFFF  }
0xbd: {  	_ =	strace $0x90000054  }
0xbe: {  	_ =	sfence  }
0xbf: {  	s30 =	sld [smem:$0x0];
	_ =	sdelay $0x2  }
0xc0: {  	s31 =	sshll.u32 s1, $0xD;
	s1 =	sshrl.u32 s1, $0x2  }
0xc1: {  	s3 =	sand.u32 $0x4000, s31;
	s1 =	sadd.s32 s1, s30  }
0xc2: {  	s0 =	sor.u32 s3, s0;
	s1 =	sshll.u32 s1, $0x11  }
0xc3: {  	s0 =	sor.u32 s1, s0  }
0xc4: {  	s0 =	sadd.s32 $0x8F2B, s0  }
0xc5: {  	[sflag:s0] =	ssyncadd.remote.s32 $0x1  }
0xc6: {  	_ =	sfence.sel $0xFFFF  }
0xc7: {  	[dreg:$0x0] =	wrdreg $0xFFFFFFFF;
	(pc) =	sbr.abs _section_cstart, $3  }
0xc8: {  	[dreg:$0x1] =	wrdreg $0xFFFFFFFF  }
0xc9: {  	_ =	task.clear_ibuf [dreg:s8], $0x2FFFF;
	_ =	strace $0x9FFFFFFF  }
0xca: {  	(tm) =	ssettm $0x7FFFFFFF  }
0xcb: {  	_ =	shalt  }
tec
execute0_lowered:
.L_overlay_start_1:
0x0: {  	(tag) =	ssettag $0x1  }
0x1: {  	s1 =	rddreg [dreg:$0x0]  }
0x2: {  	s5 =	rddreg [dreg:$0x1]  }
0x3: {  	s8 =	rddreg [dreg:$0x2]  }
0x4: {  	s2 =	rddreg [dreg:$0x3]  }
0x5: {  	s0 =	rddreg [dreg:$0x4]  }
0x6: {  	s4 =	simm.s32 $0x0;
	s6 =	srdreg.scid;
	s3 =	stileid.u32  }
0x7: {  	s13 =	simm.s32 $0x13000;
	s16 =	simm.s32 $0xA000;
	s17 =	simm.s32 $0x50  }
0x8: {  	s18 =	simm.s32 $0xC800;
	s19 =	simm.s32 $0x0;
	[smem:$0x7FF] =	sst s4  }
0x9: {  	s6 =	sand.u32 $0x1, s6;
	s9 =	sshll.u32 s3, $0xB;
	s30 =	smul.u32 $0x14000, s3  }
0xa: {  	s12 =	smul.u32 $0x50000, s3;
	s14 =	sshll.u32 s3, $0x6;
	_ =	strace $0x80000053  }
0xb: {  	s7 =	sshll.u32 s6, $0xF;
	s10 =	smul.u32 $0x280000, s6;
	s6 =	ssub.s32 $0x2, s6  }
0xc: {  	s14 =	sor.u32 $0x1C01, s14;
	s7 =	sor.u32 s9, s7;
	s11 =	sshrl.u32 s6, $0x1  }
0xd: {  	s31 =	sshrl.u32 s12, $0x2;
	s12 =	simm.s32 $0x1;
	s7 =	sadd.s32 s7, s5  }
0xe: {  	s5 =	sadd.s32 $0x4800, s5;
	s11 =	ssub.s32 s6, s11;
	s9 =	sadd.s32 s30, s10  }
0xf: {  	s15 =	sadd.s32 s31, s2;
	s6 =	sadd.s32 $0x1E600, s7;
	s9 =	sshrl.u32 s9, $0x3  }
0x10: {  	s7 =	sadd.s32 $0xE600, s7;
	s10 =	smax.u32 s11, $0x1;
	s8 =	sadd.s32 s8, s9  }
0x11: {  	s11 =	simm.s32 $0xF000;
	s15 =	sshrl.u32 s15, $0x3;
	s9 =	sadd.s32 $0x28000, s8  }
.LBB2_1:
0x12: {  	[tilespmem:s11], [sflag:$0x1] =	stream.linear.gather [hbm4b:s6+s4], $0x3E80, $0x38;
	[tilespmem:$0x17000] =	vst v63  }
0x13: {  	_ =	swait.ge [sflag:s12], $0x3E80  }
0x14: {  	[sflag:s12] =	ssyncset.done $0x0  }
0x15: {  	[sflag:s12] =	ssyncadd.s32 $0xFFFFC180  }
0x16: {  	[tilespmem:s13], [sflag:$0x1] =	stream.linear.gather [hbm4b:s7+s4], $0x3E80, $0x38;
	[tilespmem:$0x17000] =	vst v63  }
0x17: {  	_ =	swait.ge [sflag:s12], $0x3E80  }
0x18: {  	[sflag:s12] =	ssyncset.done $0x0  }
0x19: {  	[sflag:s12] =	ssyncadd.s32 $0xFFFFC180  }
0x1a: {  	[spmem:s15], [sflag:s14] =	dma.local [hbm:s5], $0x2800  }
0x1b: {  	_ =	swait.ge [sflag:s12], $0x2800  }
0x1c: {  	[sflag:s12] =	ssyncset.done $0x0  }
0x1d: {  	[sflag:s12] =	ssyncadd.s32 $0xFFFFD800  }
0x1e: {  	s20 =	simm.s32 $0x0;
	[bflag:$0x0] =	sbarrier.arrive $0xFFFF  }
.LBB2_2:
0x1f: {  	s21 =	simm.s32 $0x0  }
0x20: {  	[tilespmem:s16], [sflag:$0x1] =	stream.linear.gather [hbm4b:s1+s21], $0x2800, $0x38;
	[tilespmem:$0x17000] =	vst v63  }
0x21: {  	_ =	swait.ge [sflag:s12], $0x2800  }
0x22: {  	[sflag:s12] =	ssyncset.done $0x0  }
0x23: {  	s21 =	simm.s32 $0x0;
	[sflag:s12] =	ssyncadd.s32 $0xFFFFD800  }
0x24: {  	v1 =	vld [tilespmem:s21+$0xA030]  }
0x25: {  	v2 =	vld [tilespmem:s21+$0xA000]  }
0x26: {  	v0 =	vld [tilespmem:s21+$0xA010]  }
0x27: {  	s22 =	simm.s32 $0x200;
	v3 =	vld [tilespmem:s21+$0xA020]  }
.LBB2_3:
0x28: {  	p0 =	sne.s32 s22, $0x9E00  }
.Ltmp0:
0x29: {  	s23 =	sshra.s32 s22, $0x2;
	s22 =	sadd.s32 $0x200, s22;
	[tilespmem:s21+$0xC830] =	vst v1;
	(pc) =	sbr.rel @p0 .LBB2_3-.Ltmp0, $4  }
0x2a: {  	v1 =	vld [tilespmem:s23+$0xA030];
	[tilespmem:s21+$0xC800] =	vst v2  }
0x2b: {  	v2 =	vld [tilespmem:s23+$0xA000];
	[tilespmem:s21+$0xC810] =	vst v0  }
0x2c: {  	v0 =	vld [tilespmem:s23+$0xA010];
	[tilespmem:s21+$0xC820] =	vst v3;
	s21 =	smov.u32 s23  }
0x2d: {  	v3 =	vld [tilespmem:s21+$0xA020]  }
0x2e: {  	_ = 	snop  }
0x2f: {  	[tilespmem:s21+$0xC830] =	vst v1  }
0x30: {  	s22 =	sshll.u32 s20, $0x7;
	s20 =	sadd.s32 $0x1, s20;
	[tilespmem:s21+$0xC800] =	vst v2  }
0x31: {  	s22 =	sand.u32 $0x3FFFFF80, s22;
	p0 =	sne.s32 s20, $0x7D;
	[tilespmem:s21+$0xC810] =	vst v0  }
.Ltmp1:
0x32: {  	s31 =	sadd.s32 $0x13000, s22;
	[tilespmem:s21+$0xC820] =	vst v3;
	(pc) =	sbr.rel @p0 .LBB2_2-.Ltmp1, $4  }
0x33: {  	[spmem:s2] =	stream.indirect.scatter.add.f32 [tilespmem:s18], [sflag:$0x1], $0x40, s31, s17, $0xb8;
	[tilespmem:$0x17000] =	vst v63  }
0x34: {  	_ =	swait.ge [sflag:s12], $0x1400  }
0x35: {  	[sflag:s12] =	ssyncset.done $0x0  }
0x36: {  	[sflag:s12] =	ssyncadd.s32 $0xFFFFEC00  }
0x37: {  	[bflag:$0x0] =	sbarrier.arrive $0xFFFF  }
0x38: {  	[hbm:s8], [sflag:s14] =	dma.local [spmem:s15], $0x2800  }
0x39: {  	_ =	swait.ge [sflag:s12], $0x2800  }
0x3a: {  	[sflag:s12] =	ssyncset.done $0x0  }
0x3b: {  	[sflag:s12] =	ssyncadd.s32 $0xFFFFD800  }
0x3c: {  	[bflag:$0x0] =	sbarrier.arrive $0xFFFF  }
0x3d: {  	[spmem:s15], [sflag:s14] =	dma.local [hbm:s5], $0x2800  }
0x3e: {  	_ =	swait.ge [sflag:s12], $0x2800  }
0x3f: {  	[sflag:s12] =	ssyncset.done $0x0  }
0x40: {  	[sflag:s12] =	ssyncadd.s32 $0xFFFFD800  }
0x41: {  	s20 =	simm.s32 $0x0;
	s21 =	simm.s32 $0x0;
	[bflag:$0x0] =	sbarrier.arrive $0xFFFF  }
.LBB2_6:
0x42: {  	[tilespmem:s16], [sflag:$0x1] =	stream.linear.gather [hbm4b:s1+s20], $0x2800, $0x38;
	[tilespmem:$0x17000] =	vst v63  }
0x43: {  	_ =	swait.ge [sflag:s12], $0x2800  }
0x44: {  	[sflag:s12] =	ssyncset.done $0x0  }
0x45: {  	s22 =	simm.s32 $0x0;
	[sflag:s12] =	ssyncadd.s32 $0xFFFFD800  }
0x46: {  	v1 =	vld [tilespmem:s22+$0xA070]  }
0x47: {  	v2 =	vld [tilespmem:s22+$0xA040]  }
0x48: {  	v0 =	vld [tilespmem:s22+$0xA050]  }
0x49: {  	s23 =	simm.s32 $0x200;
	v3 =	vld [tilespmem:s22+$0xA060]  }
.LBB2_7:
0x4a: {  	p0 =	sne.s32 s23, $0x9E00  }
.Ltmp2:
0x4b: {  	s24 =	sshra.s32 s23, $0x2;
	s23 =	sadd.s32 $0x200, s23;
	[tilespmem:s22+$0xC830] =	vst v1;
	(pc) =	sbr.rel @p0 .LBB2_7-.Ltmp2, $4  }
0x4c: {  	v1 =	vld [tilespmem:s24+$0xA070];
	[tilespmem:s22+$0xC800] =	vst v2  }
0x4d: {  	v2 =	vld [tilespmem:s24+$0xA040];
	[tilespmem:s22+$0xC810] =	vst v0  }
0x4e: {  	v0 =	vld [tilespmem:s24+$0xA050];
	[tilespmem:s22+$0xC820] =	vst v3;
	s22 =	smov.u32 s24  }
0x4f: {  	v3 =	vld [tilespmem:s22+$0xA060]  }
0x50: {  	_ = 	snop  }
0x51: {  	[tilespmem:s22+$0xC830] =	vst v1  }
0x52: {  	s23 =	sshll.u32 s21, $0x7;
	s21 =	sadd.s32 $0x1, s21;
	[tilespmem:s22+$0xC800] =	vst v2  }
0x53: {  	s23 =	sand.u32 $0x3FFFFF80, s23;
	p0 =	sne.s32 s21, $0x7D;
	[tilespmem:s22+$0xC810] =	vst v0  }
.Ltmp3:
0x54: {  	s31 =	sadd.s32 $0x13000, s23;
	[tilespmem:s22+$0xC820] =	vst v3;
	(pc) =	sbr.rel @p0 .LBB2_6-.Ltmp3, $4  }
0x55: {  	[spmem:s2] =	stream.indirect.scatter.add.f32 [tilespmem:s18], [sflag:$0x1], $0x40, s31, s17, $0xb8;
	[tilespmem:$0x17000] =	vst v63  }
0x56: {  	_ =	swait.ge [sflag:s12], $0x1400  }
0x57: {  	[sflag:s12] =	ssyncset.done $0x0  }
0x58: {  	[sflag:s12] =	ssyncadd.s32 $0xFFFFEC00  }
0x59: {  	[bflag:$0x0] =	sbarrier.arrive $0xFFFF;
	s19 =	sadd.s32 $0x1, s19  }
0x5a: {  	[hbm:s9], [sflag:s14] =	dma.local [spmem:s15], $0x2800  }
0x5b: {  	p0 =	sne.s32 s19, s10  }
.Ltmp4:
0x5c: {  	_ =	swait.ge [sflag:s12], $0x2800;
	(pc) =	sbr.rel @p0 .LBB2_1-.Ltmp4, $3  }
0x5d: {  	[sflag:s12] =	ssyncset.done $0x0  }
0x5e: {  	[sflag:s12] =	ssyncadd.s32 $0xFFFFD800  }
0x5f: {  	[bflag:$0x0] =	sbarrier.arrive $0xFFFF;
	_ =	sdelay $0x1  }
0x60: {  	_ =	sfence.sel $0x180000  }
0x61: {  	[bflag:$0x0] =	sbarrier.arrive $0xFFFF  }
0x62: {  	p0 =	sne.s32 s3, $0x0;
	_ =	strace $0x90000053  }
0x63: {  	s0 =	sadd.s32 @!p0 $0x100000, s0;
	[bflag:$0x2] =	sbarrier.arrive $0xFFFF  }
0x64: {  	[sflag:s0] =	ssyncadd.tile.s32 @!p0 $0x1;
	_ =	shalt  }
.Lfunc_end2:
_tile_overlayer_lowered:
.L_overlay_start_2:
0x65: {  	(tag) =	ssettag $0x2  }
0x66: {  	s0 =	rddreg [dreg:$0x0];
	s2 =	stileid.u32  }
0x67: {  	s1 =	rddreg [dreg:$0x1];
	p0 =	sne.s32 s2, $0x0  }
0x68: {  	s3 =	rddreg [dreg:$0x2];
	[bflag:$0x3] =	sbarrier.arrive $0xFFFF;
	s2 =	simm.s32 @!p0 $0x1C01  }
0x69: {  	[timem:s3], [sflag:s2] =	dma.local @!p0 [hbm:s0], s1  }
0x6a: {  	s0 =	simm.s32 @!p0 $0x1  }
0x6b: {  	_ =	swait.ge @!p0 [sflag:s0], s1  }
0x6c: {  	s1 =	ssub.s32 @!p0 $0x0, s1;
	[sflag:s0] =	ssyncset.done @!p0 $0x0  }
0x6d: {  	[sflag:s0] =	ssyncadd.s32 @!p0 s1  }
0x6e: {  	[bflag:$0x3] =	sbarrier.arrive $0xFFFF  }
0x6f: {  	_ =	shalt  }

// kernel: kernel.20.cloned.1.call-start
scs
__scs_entry_jumppad:
0x0: {  	(pc) =	sbr.rel $0x88, $3  }
0x1: {  	(tag) =	ssettag $0x0;
	lr =	simm.s32 $0x1  }
0x2: {  	[smem:$0x3F90] =	sst lr;
	_ =	strace $0xD0000000  }
0x3: {  	_ = 	snop  }
0x4: {  	_ = 	snop  }
0x5: {  	_ = 	snop  }
0x6: {  	_ = 	snop  }
0x7: {  	_ = 	snop  }
__scs_overlays_trampoline_lowered:
0x8: {  	[smem:$0x3F9F] =	sst s0  }
0x9: {  	[smem:$0x3FA0] =	sst s1  }
0xa: {  	[smem:$0x3FA1] =	sst s2  }
0xb: {  	[smem:$0x3FA2] =	sst s3  }
0xc: {  	[smem:$0x3FA3] =	sst s4  }
0xd: {  	[smem:$0x3FA4] =	sst s5  }
0xe: {  	[smem:$0x3FA5] =	sst s6  }
0xf: {  	[smem:$0x3FA6] =	sst s7  }
0x10: {  	[smem:$0x3FA7] =	sst s8  }
0x11: {  	[smem:$0x3FA8] =	sst s9;
	s0 =	simm.s32 @!p0 $0x0  }
0x12: {  	s1 =	sld [smem:$0x3F8E];
	s0 =	simm.s32 @p0 $0x1  }
0x13: {  	[smem:$0x3FA9] =	sst s0;
	s0 =	simm.s32 @!p1 $0x0  }
0x14: {  	s2 =	sld [smem:$0x3F8D];
	s0 =	simm.s32 @p1 $0x1  }
0x15: {  	[smem:$0x3FAA] =	sst s0;
	s0 =	simm.s32 @!p2 $0x0  }
0x16: {  	s3 =	sld [smem:$0x3FDB];
	s0 =	simm.s32 @p2 $0x1  }
0x17: {  	s4 =	simm.s32 $0x1BF5;
	[smem:$0x3FAC] =	sst s0  }
0x18: {  	s0 =	sld [smem:$0x3F8F];
	_ =	swait.ge [sflag:s4], $0x0  }
0x19: {  	s7 =	sld [smem:$0x3F90]  }
0x1a: {  	s8 =	sadd.s32 $0xFFFFE003, lr  }
0x1b: {  	s9 =	sadd.s32 $0xFFFFFEF7, lr;
	s5 =	simm.s32 $0xFFFFFFFF;
	p2 =	slt.u32 s8, $0xFFFFF086  }
0x1c: {  	p1 =	slt.u32 s9, $0xF7A;
	s5 =	simm.s32 @!p2 $0x0  }
0x1d: {  	s5 =	simm.s32 @p1 $0x1;
	p0 =	seq.s32 s7, s2  }
0x1e: {  	s7 =	smul.u32 @!p0 $0xF7A, s2;
	p2 =	seq.s32 @!p0 s5, $0x0  }
0x1f: {  	s9 =	smul.u32 $0xF7A, s1;
	s8 =	simm.s32 @!p0 $0x1BF5;
	p2 =	por !p2, p0  }
0x20: {  	[sflag:s8] =	ssyncset.s32 @!p0 $0xFFFFF086;
	s6 =	sadd.s32 @!p0 s3, s7;
	s7 =	simm.s32 @!p0 $0x108  }
0x21: {  	s3 =	sadd.s32 s3, s9;
	s6 =	sadd.s32 @!p0 $0x88, s6;
	s7 =	simm.s32 @p2 $0x1082  }
0x22: {  	[simem:s7], [sflag:s8] =	dma.local @!p0 [hbm:s6], $0xF7A  }
0x23: {  	s9 =	sor.u32 $0xD0000000, s2;
	s6 =	simm.s32 $0x108;
	_ =	swait.ge @!p0 [sflag:s8], $0x0  }
0x24: {  	s3 =	sadd.s32 $0x88, s3;
	s6 =	simm.s32 @!p1 $0x1082;
	[sflag:s4] =	ssyncset.s32 $0xFFFFF086  }
0x25: {  	[simem:s6], [sflag:s4] =	dma.local [hbm:s3], $0xF7A  }
0x26: {  	[smem:$0x3F90] =	sst s1;
	(tag) =	ssettag s2;
	_ =	strace s9  }
0x27: {  	s1 =	sld [smem:$0x3FA0]  }
0x28: {  	s2 =	sld [smem:$0x3FA1]  }
0x29: {  	s4 =	sld [smem:$0x3FA3]  }
0x2a: {  	p0 =	seq.s32 s5, $0x0;
	s5 =	sld [smem:$0x3FA4]  }
0x2b: {  	s6 =	sld [smem:$0x3FA5]  }
0x2c: {  	s7 =	sld [smem:$0x3FA6]  }
0x2d: {  	s3 =	simm.s32 $0x108;
	s8 =	sld [smem:$0x3FA7]  }
0x2e: {  	s3 =	simm.s32 @!p0 $0x1082;
	s9 =	sld [smem:$0x3FA8]  }
0x2f: {  	lr =	sadd.s32 s0, s3;
	s0 =	sld [smem:$0x3F9F]  }
0x30: {  	s3 =	sld [smem:$0x3FA2]  }
0x31: {  	[smem:$0x3FAB] =	sst s10  }
0x32: {  	s10 =	sld [smem:$0x3FA9];
	_ =	sdelay $0x3  }
0x33: {  	p0 =	seq.s32 s10, $0x1;
	s10 =	sld [smem:$0x3FAB];
	_ =	sdelay $0x3  }
0x34: {  	[smem:$0x3FAB] =	sst s10  }
0x35: {  	s10 =	sld [smem:$0x3FAA];
	_ =	sdelay $0x3  }
0x36: {  	p1 =	seq.s32 s10, $0x1;
	s10 =	sld [smem:$0x3FAB];
	_ =	sdelay $0x3  }
0x37: {  	[smem:$0x3FAB] =	sst s10  }
0x38: {  	s10 =	sld [smem:$0x3FAC]  }
0x39: {  	_ = 	snop;
	(pc) =	sbr.ind lr, $3  }
0x3a: {  	_ = 	snop  }
0x3b: {  	_ = 	snop  }
0x3c: {  	p2 =	seq.s32 s10, $0x1;
	s10 =	sld [smem:$0x3FAB]  }
0x3d: {  	_ =	shalt  }
0x3e: {  	_ =	shalt  }
0x3f: {  	_ =	shalt  }
0x40: {  	_ =	shalt  }
0x41: {  	_ =	shalt  }
0x42: {  	_ =	shalt  }
0x43: {  	_ =	shalt  }
0x44: {  	_ =	shalt  }
0x45: {  	_ =	shalt  }
0x46: {  	_ =	shalt  }
0x47: {  	_ =	shalt  }
0x48: {  	_ =	shalt  }
0x49: {  	_ =	shalt  }
0x4a: {  	_ =	shalt  }
0x4b: {  	_ =	shalt  }
0x4c: {  	_ =	shalt  }
0x4d: {  	_ =	shalt  }
0x4e: {  	_ =	shalt  }
0x4f: {  	_ =	shalt  }
0x50: {  	_ =	shalt  }
0x51: {  	_ =	shalt  }
0x52: {  	_ =	shalt  }
0x53: {  	_ =	shalt  }
0x54: {  	_ =	shalt  }
0x55: {  	_ =	shalt  }
0x56: {  	_ =	shalt  }
0x57: {  	_ =	shalt  }
0x58: {  	_ =	shalt  }
0x59: {  	_ =	shalt  }
0x5a: {  	_ =	shalt  }
0x5b: {  	_ =	shalt  }
0x5c: {  	_ =	shalt  }
0x5d: {  	_ =	shalt  }
0x5e: {  	_ =	shalt  }
0x5f: {  	_ =	shalt  }
0x60: {  	_ =	shalt  }
0x61: {  	_ =	shalt  }
0x62: {  	_ =	shalt  }
0x63: {  	_ =	shalt  }
0x64: {  	_ =	shalt  }
0x65: {  	_ =	shalt  }
0x66: {  	_ =	shalt  }
0x67: {  	_ =	shalt  }
0x68: {  	_ =	shalt  }
0x69: {  	_ =	shalt  }
0x6a: {  	_ =	shalt  }
0x6b: {  	_ =	shalt  }
0x6c: {  	_ =	shalt  }
0x6d: {  	_ =	shalt  }
0x6e: {  	_ =	shalt  }
0x6f: {  	_ =	shalt  }
0x70: {  	_ =	shalt  }
0x71: {  	_ =	shalt  }
0x72: {  	_ =	shalt  }
0x73: {  	_ =	shalt  }
0x74: {  	_ =	shalt  }
0x75: {  	_ =	shalt  }
0x76: {  	_ =	shalt  }
0x77: {  	_ =	shalt  }
0x78: {  	_ =	shalt  }
0x79: {  	_ =	shalt  }
0x7a: {  	_ =	shalt  }
0x7b: {  	_ =	shalt  }
0x7c: {  	_ =	shalt  }
0x7d: {  	_ =	shalt  }
0x7e: {  	_ =	shalt  }
0x7f: {  	_ =	shalt  }
0x80: {  	_ =	shalt  }
0x81: {  	_ =	shalt  }
0x82: {  	_ =	shalt  }
0x83: {  	_ =	shalt  }
0x84: {  	_ =	shalt  }
0x85: {  	_ =	shalt  }
0x86: {  	_ =	shalt  }
0x87: {  	_ =	shalt  }
.Lfunc_end0:
.L_simem_size_0:
called_computation.4_lowered:
.L_overlay_start_0:
0x88: {  	s2 =	sld [smem:$0x3FD9]  }
0x89: {  	s3 =	sld [smem:$0x3FFE];
	_ =	sdelay $0x1  }
0x8a: {  	s1 =	srdreg.scid  }
0x8b: {  	s0 =	sand.u32 $0x1, s1  }
0x8c: {  	s14 =	sshll.u32 s0, $0xA;
	s2 =	sadd.s32 s3, s2  }
0x8d: {  	s2 =	sadd.s32 s2, s14  }
0x8e: {  	[smem:$0x3FB7] =	sst s2  }
0x8f: {  	_ = 	snop  }
0x90: {  	s2 =	sld [smem:$0x3FD0];
	_ =	sdelay $0x2  }
0x91: {  	s15 =	simm.s32 $0xB;
	s4 =	simm.s32 $0x10  }
0x92: {  	[smem:s4], [sflag:s15] =	dma.local [hbm:s2], $0x1  }
0x93: {  	_ =	swait.eq [sflag:s15], $0x1  }
0x94: {  	[sflag:s15] =	ssyncset.done $0x0  }
0x95: {  	[sflag:s15] =	ssyncadd.s32 $0xFFFFFFFF  }
0x96: {  	s16 =	sld [smem:$0x11];
	(tm) =	ssettm $0x1  }
0x97: {  	s17 =	sld [smem:$0x3FFB];
	_ =	sdelay $0x3  }
0x98: {  	_ =	strace s17  }
0x99: {  	s3 =	sld [smem:$0x3FFC];
	_ =	sdelay $0x3  }
0x9a: {  	_ =	strace s3  }
0x9b: {  	s3 =	sld [smem:$0x3FFD];
	_ =	sdelay $0x3  }
0x9c: {  	_ =	strace s3  }
0x9d: {  	_ =	strace $0x8FFFFFFF  }
0x9e: {  	s18 =	sld [smem:$0x3FDB];
	_ =	sdelay $0x1  }
0x9f: {  	s19 =	simm.s32 $_scs_section_size  }
0xa0: {  	s5 =	simm.s32 $_size__tile_overlayer_lowered;
	s6 =	simm.s32 $_tile_overlayer_lowered  }
0xa1: {  	s22 =	simm.s32 $0x1BFF;
	s21 =	sshll.u32 s6, $0x1;
	s3 =	sadd.s32 s19, s18  }
0xa2: {  	s7 =	simm.s32 $0x0;
	s20 =	sshll.u32 s5, $0x1;
	s5 =	sadd.s32 s21, s3  }
0xa3: {  	[timem:s7], [sflag:s22] =	dma.local [hbm:s5], s20  }
0xa4: {  	_ =	swait.ge [sflag:s22], s20  }
0xa5: {  	s4 =	ssub.s32 $0x0, s20;
	[sflag:s22] =	ssyncset.done $0x0  }
0xa6: {  	[sflag:s22] =	ssyncadd.s32 s4;
	_ =	sdelay $0x1  }
0xa7: {  	s23 =	simm.s32 $0x1B8B  }
0xa8: {  	_ =	swait.ge [sflag:s23], $0x1  }
0xa9: {  	[sflag:s23] =	ssyncset.done $0x0  }
0xaa: {  	s25 =	simm.s32 $0x1B8E;
	s24 =	sld [smem:$0x3FFE];
	[sflag:s23] =	ssyncadd.s32 $0xFFFFFFFF  }
0xab: {  	s26 =	simm.s32 $execute0_lowered;
	[smem:$0x3FD2] =	sst s25  }
0xac: {  	s5 =	sshll.u32 s26, $0x1;
	_ =	strace $0x80000055;
	[dreg:$0x1] =	wrdreg $0xFFFFFFFF  }
0xad: {  	s28 =	simm.s32 $_size_execute0_lowered;
	s3 =	sadd.s32 s3, s5;
	[dreg:$0x0] =	wrdreg $0x0  }
0xae: {  	s5 =	sshll.u32 s28, $0x1;
	[dreg:$0x2] =	wrdreg s3  }
0xaf: {  	[dreg:$0x3] =	wrdreg s5  }
0xb0: {  	[dreg:$0x4] =	wrdreg $0xC0  }
0xb1: {  	_ =	task [dreg:s7], $0x5FFFF  }
0xb2: {  	[dreg:$0x1] =	wrdreg $0xFFFFFFFF  }
0xb3: {  	[dreg:$0x0] =	wrdreg $0x60  }
0xb4: {  	[dreg:$0x2] =	wrdreg s16  }
0xb5: {  	[dreg:$0x3] =	wrdreg s24  }
0xb6: {  	[dreg:$0x4] =	wrdreg $0x9  }
0xb7: {  	_ =	task.clear_ibuf [dreg:s7], $0x5FFFF;
	_ =	strace $0x90000055  }
0xb8: {  	s29 =	simm.s32 $0x9;
	_ =	strace $0x80000057  }
0xb9: {  	_ =	swait.ge [sflag:s29], $0x1  }
0xba: {  	[sflag:s29] =	ssyncadd.s32 $0xFFFFFFFF  }
0xbb: {  	_ =	strace $0x90000057  }
0xbc: {  	_ =	sfence  }
0xbd: {  	s30 =	sld [smem:$0x0];
	_ =	sdelay $0x2  }
0xbe: {  	s31 =	sshll.u32 s1, $0xD;
	s1 =	sshrl.u32 s1, $0x2  }
0xbf: {  	s3 =	sand.u32 $0x4000, s31;
	s1 =	sadd.s32 s1, s30  }
0xc0: {  	s0 =	sor.u32 s3, s0;
	s1 =	sshll.u32 s1, $0x11  }
0xc1: {  	s0 =	sor.u32 s1, s0  }
0xc2: {  	s0 =	sadd.s32 $0x8F2B, s0  }
0xc3: {  	[sflag:s0] =	ssyncadd.remote.s32 $0x1  }
0xc4: {  	_ =	sfence.sel $0xFFFF  }
0xc5: {  	[dreg:$0x0] =	wrdreg $0xFFFFFFFF;
	(pc) =	sbr.abs _section_cstart, $3  }
0xc6: {  	[dreg:$0x1] =	wrdreg $0xFFFFFFFF  }
0xc7: {  	_ =	task.clear_ibuf [dreg:s7], $0x2FFFF;
	_ =	strace $0x9FFFFFFF  }
0xc8: {  	(tm) =	ssettm $0x7FFFFFFF  }
0xc9: {  	_ =	shalt  }
tec
execute0_lowered:
.L_overlay_start_1:
0x0: {  	(tag) =	ssettag $0x1  }
0x1: {  	s1 =	rddreg [dreg:$0x0]  }
0x2: {  	s4 =	rddreg [dreg:$0x1]  }
0x3: {  	s2 =	srdreg.scid;
	s0 =	rddreg [dreg:$0x2];
	s3 =	simm.s32 $0x0  }
0x4: {  	s14 =	simm.s32 $0xA800;
	s15 =	simm.s32 $0xD000;
	s16 =	simm.s32 $0xF800  }
0x5: {  	s17 =	simm.s32 $0x3E00;
	s18 =	simm.s32 $0x7E00;
	s19 =	simm.s32 $0x0  }
0x6: {  	s5 =	sand.u32 $0x1, s2;
	[smem:$0x7FF] =	sst s3;
	s2 =	stileid.u32  }
0x7: {  	s9 =	sadd.s32 $0x2E600, s4;
	s11 =	sadd.s32 $0xA3F200, s4;
	s6 =	sshll.u32 s5, $0x4  }
0x8: {  	s8 =	ssub.s32 $0x2, s5;
	s12 =	smul.u32 $0x271000, s5;
	s6 =	sor.u32 s2, s6  }
0x9: {  	s10 =	sshrl.u32 s8, $0x1;
	s7 =	sshll.u32 s6, $0xB;
	s6 =	smul.u32 $0x138800, s6  }
0xa: {  	_ =	strace $0x80000056;
	s13 =	smul.u32 $0x27100, s2;
	s8 =	ssub.s32 s8, s10  }
0xb: {  	s31 =	sadd.s32 s12, s11;
	s7 =	sadd.s32 s7, s4;
	s6 =	sshrl.u32 s6, $0x3  }
0xc: {  	s8 =	smax.u32 s8, $0x1;
	s10 =	sadd.s32 s13, s31;
	s30 =	sadd.s32 $0x26C00, s6  }
0xd: {  	s4 =	sadd.s32 $0x1E600, s7;
	s5 =	sadd.s32 $0xE600, s7;
	s6 =	sadd.s32 s9, s30  }
0xe: {  	s7 =	sadd.s32 s11, s30;
	s9 =	sadd.s32 s12, s9;
	s11 =	simm.s32 $0x1  }
0xf: {  	s12 =	simm.s32 $0x50;
	s9 =	sadd.s32 s13, s9;
	s13 =	simm.s32 $0x8000  }
.LBB2_1:
0x10: {  	[tilespmem:s3], [sflag:$0x1] =	stream.linear.gather [hbm4b:s4+s3], $0x3E80, $0x38;
	[tilespmem:$0x12000] =	vst v63  }
0x11: {  	_ =	swait.ge [sflag:s11], $0x3E80  }
0x12: {  	[sflag:s11] =	ssyncset.done $0x0  }
0x13: {  	s20 =	simm.s32 $0x4000;
	[sflag:s11] =	ssyncadd.s32 $0xFFFFC180  }
0x14: {  	[tilespmem:s20], [sflag:$0x1] =	stream.linear.gather [hbm4b:s5+s3], $0x3E80, $0x38;
	[tilespmem:$0x12000] =	vst v63  }
0x15: {  	_ =	swait.ge [sflag:s11], $0x3E80  }
0x16: {  	[sflag:s11] =	ssyncset.done $0x0  }
0x17: {  	[sflag:s11] =	ssyncadd.s32 $0xFFFFC180  }
0x18: {  	[tilespmem:s13], [sflag:$0x1] =	stream.indirect.gather [hbm4b:s1+s12], $0x80, s3, s12, $0xb8;
	[tilespmem:$0x12000] =	vst v63  }
0x19: {  	_ =	swait.ge [sflag:s11], $0x2800  }
0x1a: {  	[sflag:s11] =	ssyncset.done $0x0  }
0x1b: {  	s21 =	sadd.s32 $0x0, s9;
	[sflag:s11] =	ssyncadd.s32 $0xFFFFD800  }
0x1c: {  	[hbm4b:s21+s3] =	stream.linear.scatter [tilespmem:s13], [sflag:$0x1], $0x2800, $0x38;
	[tilespmem:$0x12000] =	vst v63  }
0x1d: {  	_ =	swait.ge [sflag:s11], $0x2800  }
0x1e: {  	[sflag:s11] =	ssyncset.done $0x0  }
0x1f: {  	[sflag:s11] =	ssyncadd.s32 $0xFFFFD800  }
0x20: {  	[tilespmem:s14], [sflag:$0x1] =	stream.indirect.gather [hbm4b:s1+s12], $0x80, s20, s12, $0xb8;
	[tilespmem:$0x12000] =	vst v63  }
0x21: {  	_ =	swait.ge [sflag:s11], $0x2800  }
0x22: {  	[sflag:s11] =	ssyncset.done $0x0  }
0x23: {  	s22 =	sadd.s32 $0x0, s10;
	[sflag:s11] =	ssyncadd.s32 $0xFFFFD800  }
0x24: {  	[hbm4b:s22+s3] =	stream.linear.scatter [tilespmem:s14], [sflag:$0x1], $0x2800, $0x38;
	[tilespmem:$0x12000] =	vst v63  }
0x25: {  	_ =	swait.ge [sflag:s11], $0x2800  }
0x26: {  	[sflag:s11] =	ssyncset.done $0x0  }
0x27: {  	s23 =	simm.s32 $0x80;
	[sflag:s11] =	ssyncadd.s32 $0xFFFFD800  }
0x28: {  	[tilespmem:s15], [sflag:$0x1] =	stream.indirect.gather [hbm4b:s1+s12], $0x80, s23, s12, $0xb8;
	[tilespmem:$0x12000] =	vst v63  }
0x29: {  	_ =	swait.ge [sflag:s11], $0x2800  }
0x2a: {  	[sflag:s11] =	ssyncset.done $0x0  }
0x2b: {  	s21 =	sadd.s32 $0x500, s21;
	[sflag:s11] =	ssyncadd.s32 $0xFFFFD800  }
0x2c: {  	[hbm4b:s21+s3] =	stream.linear.scatter [tilespmem:s15], [sflag:$0x1], $0x2800, $0x38;
	[tilespmem:$0x12000] =	vst v63  }
0x2d: {  	_ =	swait.ge [sflag:s11], $0x2800  }
0x2e: {  	[sflag:s11] =	ssyncset.done $0x0  }
0x2f: {  	s30 =	simm.s32 $0x4080;
	[sflag:s11] =	ssyncadd.s32 $0xFFFFD800  }
0x30: {  	[tilespmem:s16], [sflag:$0x1] =	stream.indirect.gather [hbm4b:s1+s12], $0x80, s30, s12, $0xb8;
	[tilespmem:$0x12000] =	vst v63  }
0x31: {  	_ =	swait.ge [sflag:s11], $0x2800  }
0x32: {  	[sflag:s11] =	ssyncset.done $0x0  }
0x33: {  	s31 =	sadd.s32 $0x500, s22;
	[sflag:s11] =	ssyncadd.s32 $0xFFFFD800  }
0x34: {  	[hbm4b:s31+s3] =	stream.linear.scatter [tilespmem:s16], [sflag:$0x1], $0x2800, $0x38;
	[tilespmem:$0x12000] =	vst v63  }
0x35: {  	_ =	swait.ge [sflag:s11], $0x2800  }
0x36: {  	s22 =	simm.s32 $0x0;
	s21 =	simm.s32 $0xA00;
	[sflag:s11] =	ssyncset.done $0x0  }
.LBB2_2:
0x37: {  	[sflag:s11] =	ssyncadd.s32 $0xFFFFD800  }
0x38: {  	s20 =	sadd.s32 $0x100, s20;
	s22 =	sadd.s32 $0x100, s22;
	s23 =	smov.u32 s21  }
0x39: {  	[tilespmem:s13], [sflag:$0x1] =	stream.indirect.gather [hbm4b:s1+s12], $0x80, s22, s12, $0xb8;
	[tilespmem:$0x12000] =	vst v63  }
0x3a: {  	p0 =	sne.s32 s21, $0x26200;
	s21 =	sadd.s32 $0xA00, s21;
	_ =	swait.ge [sflag:s11], $0x2800  }
0x3b: {  	[sflag:s11] =	ssyncset.done $0x0  }
0x3c: {  	s24 =	sadd.s32 s23, s9;
	[sflag:s11] =	ssyncadd.s32 $0xFFFFD800  }
0x3d: {  	[hbm4b:s24+s3] =	stream.linear.scatter [tilespmem:s13], [sflag:$0x1], $0x2800, $0x38;
	[tilespmem:$0x12000] =	vst v63  }
0x3e: {  	_ =	swait.ge [sflag:s11], $0x2800  }
0x3f: {  	[sflag:s11] =	ssyncset.done $0x0  }
0x40: {  	[sflag:s11] =	ssyncadd.s32 $0xFFFFD800  }
0x41: {  	[tilespmem:s14], [sflag:$0x1] =	stream.indirect.gather [hbm4b:s1+s12], $0x80, s20, s12, $0xb8;
	[tilespmem:$0x12000] =	vst v63  }
0x42: {  	_ =	swait.ge [sflag:s11], $0x2800  }
0x43: {  	[sflag:s11] =	ssyncset.done $0x0  }
0x44: {  	s23 =	sadd.s32 s23, s10;
	[sflag:s11] =	ssyncadd.s32 $0xFFFFD800  }
0x45: {  	[hbm4b:s23+s3] =	stream.linear.scatter [tilespmem:s14], [sflag:$0x1], $0x2800, $0x38;
	[tilespmem:$0x12000] =	vst v63  }
0x46: {  	_ =	swait.ge [sflag:s11], $0x2800  }
0x47: {  	[sflag:s11] =	ssyncset.done $0x0  }
0x48: {  	s25 =	sadd.s32 $0x80, s22;
	[sflag:s11] =	ssyncadd.s32 $0xFFFFD800  }
0x49: {  	[tilespmem:s15], [sflag:$0x1] =	stream.indirect.gather [hbm4b:s1+s12], $0x80, s25, s12, $0xb8;
	[tilespmem:$0x12000] =	vst v63  }
0x4a: {  	_ =	swait.ge [sflag:s11], $0x2800  }
0x4b: {  	[sflag:s11] =	ssyncset.done $0x0  }
0x4c: {  	s24 =	sadd.s32 $0x500, s24;
	[sflag:s11] =	ssyncadd.s32 $0xFFFFD800  }
0x4d: {  	[hbm4b:s24+s3] =	stream.linear.scatter [tilespmem:s15], [sflag:$0x1], $0x2800, $0x38;
	[tilespmem:$0x12000] =	vst v63  }
0x4e: {  	_ =	swait.ge [sflag:s11], $0x2800  }
0x4f: {  	[sflag:s11] =	ssyncset.done $0x0  }
0x50: {  	s24 =	sadd.s32 $0x80, s20;
	[sflag:s11] =	ssyncadd.s32 $0xFFFFD800  }
0x51: {  	[tilespmem:s16], [sflag:$0x1] =	stream.indirect.gather [hbm4b:s1+s12], $0x80, s24, s12, $0xb8;
	[tilespmem:$0x12000] =	vst v63  }
0x52: {  	_ =	swait.ge [sflag:s11], $0x2800  }
.Ltmp0:
0x53: {  	[sflag:s11] =	ssyncset.done $0x0;
	(pc) =	sbr.rel @p0 .LBB2_2-.Ltmp0, $4  }
0x54: {  	s23 =	sadd.s32 $0x500, s23;
	[sflag:s11] =	ssyncadd.s32 $0xFFFFD800  }
0x55: {  	[hbm4b:s23+s3] =	stream.linear.scatter [tilespmem:s16], [sflag:$0x1], $0x2800, $0x38;
	[tilespmem:$0x12000] =	vst v63  }
0x56: {  	_ =	swait.ge [sflag:s11], $0x2800  }
0x57: {  	[sflag:s11] =	ssyncset.done $0x0  }
0x58: {  	[sflag:s11] =	ssyncadd.s32 $0xFFFFD800  }
0x59: {  	[tilespmem:s13], [sflag:$0x1] =	stream.indirect.gather [hbm4b:s1+s12], $0x80, s17, s12, $0xb8;
	[tilespmem:$0x12000] =	vst v63  }
0x5a: {  	_ =	swait.ge [sflag:s11], $0x2800  }
0x5b: {  	[sflag:s11] =	ssyncset.done $0x0  }
0x5c: {  	[sflag:s11] =	ssyncadd.s32 $0xFFFFD800  }
0x5d: {  	[hbm4b:s6+s3] =	stream.linear.scatter [tilespmem:s13], [sflag:$0x1], $0x2800, $0x38;
	[tilespmem:$0x12000] =	vst v63  }
0x5e: {  	_ =	swait.ge [sflag:s11], $0x2800  }
0x5f: {  	[sflag:s11] =	ssyncset.done $0x0  }
0x60: {  	[sflag:s11] =	ssyncadd.s32 $0xFFFFD800  }
0x61: {  	[tilespmem:s14], [sflag:$0x1] =	stream.indirect.gather [hbm4b:s1+s12], $0x80, s18, s12, $0xb8;
	[tilespmem:$0x12000] =	vst v63  }
0x62: {  	s19 =	sadd.s32 $0x1, s19;
	_ =	swait.ge [sflag:s11], $0x2800  }
0x63: {  	p0 =	sne.s32 s19, s8;
	[sflag:s11] =	ssyncset.done $0x0  }
.Ltmp1:
0x64: {  	[sflag:s11] =	ssyncadd.s32 $0xFFFFD800;
	(pc) =	sbr.rel @p0 .LBB2_1-.Ltmp1, $4  }
0x65: {  	[hbm4b:s7+s3] =	stream.linear.scatter [tilespmem:s14], [sflag:$0x1], $0x2800, $0x38;
	[tilespmem:$0x12000] =	vst v63  }
0x66: {  	_ =	swait.ge [sflag:s11], $0x2800  }
0x67: {  	[sflag:s11] =	ssyncset.done $0x0  }
0x68: {  	[sflag:s11] =	ssyncadd.s32 $0xFFFFD800  }
0x69: {  	_ =	sfence.sel $0x180000  }
0x6a: {  	[bflag:$0x0] =	sbarrier.arrive $0xFFFF  }
0x6b: {  	p0 =	sne.s32 s2, $0x0;
	_ =	strace $0x90000056  }
0x6c: {  	s0 =	sadd.s32 @!p0 $0x100000, s0;
	[bflag:$0x2] =	sbarrier.arrive $0xFFFF  }
0x6d: {  	[sflag:s0] =	ssyncadd.tile.s32 @!p0 $0x1;
	_ =	shalt  }
.Lfunc_end2:
_tile_overlayer_lowered:
.L_overlay_start_2:
0x6e: {  	(tag) =	ssettag $0x2  }
0x6f: {  	s0 =	rddreg [dreg:$0x0];
	s2 =	stileid.u32  }
0x70: {  	s1 =	rddreg [dreg:$0x1];
	p0 =	sne.s32 s2, $0x0  }
0x71: {  	s3 =	rddreg [dreg:$0x2];
	[bflag:$0x3] =	sbarrier.arrive $0xFFFF;
	s2 =	simm.s32 @!p0 $0x1C01  }
0x72: {  	[timem:s3], [sflag:s2] =	dma.local @!p0 [hbm:s0], s1  }
0x73: {  	s0 =	simm.s32 @!p0 $0x1  }
0x74: {  	_ =	swait.ge @!p0 [sflag:s0], s1  }
0x75: {  	s1 =	ssub.s32 @!p0 $0x0, s1;
	[sflag:s0] =	ssyncset.done @!p0 $0x0  }
0x76: {  	[sflag:s0] =	ssyncadd.s32 @!p0 s1  }
0x77: {  	[bflag:$0x3] =	sbarrier.arrive $0xFFFF  }
0x78: {  	_ =	shalt  }

// kernel: scatter_offload_async_start
scs
__scs_entry_jumppad:
0x0: {  	(pc) =	sbr.rel $0x88, $3  }
0x1: {  	(tag) =	ssettag $0x0;
	lr =	simm.s32 $0x1  }
0x2: {  	[smem:$0x3F90] =	sst lr;
	_ =	strace $0xD0000000  }
0x3: {  	_ = 	snop  }
0x4: {  	_ = 	snop  }
0x5: {  	_ = 	snop  }
0x6: {  	_ = 	snop  }
0x7: {  	_ = 	snop  }
__scs_overlays_trampoline_lowered:
0x8: {  	[smem:$0x3F9F] =	sst s0  }
0x9: {  	[smem:$0x3FA0] =	sst s1  }
0xa: {  	[smem:$0x3FA1] =	sst s2  }
0xb: {  	[smem:$0x3FA2] =	sst s3  }
0xc: {  	[smem:$0x3FA3] =	sst s4  }
0xd: {  	[smem:$0x3FA4] =	sst s5  }
0xe: {  	[smem:$0x3FA5] =	sst s6  }
0xf: {  	[smem:$0x3FA6] =	sst s7  }
0x10: {  	[smem:$0x3FA7] =	sst s8  }
0x11: {  	[smem:$0x3FA8] =	sst s9;
	s0 =	simm.s32 @!p0 $0x0  }
0x12: {  	s1 =	sld [smem:$0x3F8E];
	s0 =	simm.s32 @p0 $0x1  }
0x13: {  	[smem:$0x3FA9] =	sst s0;
	s0 =	simm.s32 @!p1 $0x0  }
0x14: {  	s2 =	sld [smem:$0x3F8D];
	s0 =	simm.s32 @p1 $0x1  }
0x15: {  	[smem:$0x3FAA] =	sst s0;
	s0 =	simm.s32 @!p2 $0x0  }
0x16: {  	s3 =	sld [smem:$0x3FDB];
	s0 =	simm.s32 @p2 $0x1  }
0x17: {  	s4 =	simm.s32 $0x1BF5;
	[smem:$0x3FAC] =	sst s0  }
0x18: {  	s0 =	sld [smem:$0x3F8F];
	_ =	swait.ge [sflag:s4], $0x0  }
0x19: {  	s7 =	sld [smem:$0x3F90]  }
0x1a: {  	s8 =	sadd.s32 $0xFFFFE003, lr  }
0x1b: {  	s9 =	sadd.s32 $0xFFFFFEF7, lr;
	s5 =	simm.s32 $0xFFFFFFFF;
	p2 =	slt.u32 s8, $0xFFFFF086  }
0x1c: {  	p1 =	slt.u32 s9, $0xF7A;
	s5 =	simm.s32 @!p2 $0x0  }
0x1d: {  	s5 =	simm.s32 @p1 $0x1;
	p0 =	seq.s32 s7, s2  }
0x1e: {  	s7 =	smul.u32 @!p0 $0xF7A, s2;
	p2 =	seq.s32 @!p0 s5, $0x0  }
0x1f: {  	s9 =	smul.u32 $0xF7A, s1;
	s8 =	simm.s32 @!p0 $0x1BF5;
	p2 =	por !p2, p0  }
0x20: {  	[sflag:s8] =	ssyncset.s32 @!p0 $0xFFFFF086;
	s6 =	sadd.s32 @!p0 s3, s7;
	s7 =	simm.s32 @!p0 $0x108  }
0x21: {  	s3 =	sadd.s32 s3, s9;
	s6 =	sadd.s32 @!p0 $0x88, s6;
	s7 =	simm.s32 @p2 $0x1082  }
0x22: {  	[simem:s7], [sflag:s8] =	dma.local @!p0 [hbm:s6], $0xF7A  }
0x23: {  	s9 =	sor.u32 $0xD0000000, s2;
	s6 =	simm.s32 $0x108;
	_ =	swait.ge @!p0 [sflag:s8], $0x0  }
0x24: {  	s3 =	sadd.s32 $0x88, s3;
	s6 =	simm.s32 @!p1 $0x1082;
	[sflag:s4] =	ssyncset.s32 $0xFFFFF086  }
0x25: {  	[simem:s6], [sflag:s4] =	dma.local [hbm:s3], $0xF7A  }
0x26: {  	[smem:$0x3F90] =	sst s1;
	(tag) =	ssettag s2;
	_ =	strace s9  }
0x27: {  	s1 =	sld [smem:$0x3FA0]  }
0x28: {  	s2 =	sld [smem:$0x3FA1]  }
0x29: {  	s4 =	sld [smem:$0x3FA3]  }
0x2a: {  	p0 =	seq.s32 s5, $0x0;
	s5 =	sld [smem:$0x3FA4]  }
0x2b: {  	s6 =	sld [smem:$0x3FA5]  }
0x2c: {  	s7 =	sld [smem:$0x3FA6]  }
0x2d: {  	s3 =	simm.s32 $0x108;
	s8 =	sld [smem:$0x3FA7]  }
0x2e: {  	s3 =	simm.s32 @!p0 $0x1082;
	s9 =	sld [smem:$0x3FA8]  }
0x2f: {  	lr =	sadd.s32 s0, s3;
	s0 =	sld [smem:$0x3F9F]  }
0x30: {  	s3 =	sld [smem:$0x3FA2]  }
0x31: {  	[smem:$0x3FAB] =	sst s10  }
0x32: {  	s10 =	sld [smem:$0x3FA9];
	_ =	sdelay $0x3  }
0x33: {  	p0 =	seq.s32 s10, $0x1;
	s10 =	sld [smem:$0x3FAB];
	_ =	sdelay $0x3  }
0x34: {  	[smem:$0x3FAB] =	sst s10  }
0x35: {  	s10 =	sld [smem:$0x3FAA];
	_ =	sdelay $0x3  }
0x36: {  	p1 =	seq.s32 s10, $0x1;
	s10 =	sld [smem:$0x3FAB];
	_ =	sdelay $0x3  }
0x37: {  	[smem:$0x3FAB] =	sst s10  }
0x38: {  	s10 =	sld [smem:$0x3FAC]  }
0x39: {  	_ = 	snop;
	(pc) =	sbr.ind lr, $3  }
0x3a: {  	_ = 	snop  }
0x3b: {  	_ = 	snop  }
0x3c: {  	p2 =	seq.s32 s10, $0x1;
	s10 =	sld [smem:$0x3FAB]  }
0x3d: {  	_ =	shalt  }
0x3e: {  	_ =	shalt  }
0x3f: {  	_ =	shalt  }
0x40: {  	_ =	shalt  }
0x41: {  	_ =	shalt  }
0x42: {  	_ =	shalt  }
0x43: {  	_ =	shalt  }
0x44: {  	_ =	shalt  }
0x45: {  	_ =	shalt  }
0x46: {  	_ =	shalt  }
0x47: {  	_ =	shalt  }
0x48: {  	_ =	shalt  }
0x49: {  	_ =	shalt  }
0x4a: {  	_ =	shalt  }
0x4b: {  	_ =	shalt  }
0x4c: {  	_ =	shalt  }
0x4d: {  	_ =	shalt  }
0x4e: {  	_ =	shalt  }
0x4f: {  	_ =	shalt  }
0x50: {  	_ =	shalt  }
0x51: {  	_ =	shalt  }
0x52: {  	_ =	shalt  }
0x53: {  	_ =	shalt  }
0x54: {  	_ =	shalt  }
0x55: {  	_ =	shalt  }
0x56: {  	_ =	shalt  }
0x57: {  	_ =	shalt  }
0x58: {  	_ =	shalt  }
0x59: {  	_ =	shalt  }
0x5a: {  	_ =	shalt  }
0x5b: {  	_ =	shalt  }
0x5c: {  	_ =	shalt  }
0x5d: {  	_ =	shalt  }
0x5e: {  	_ =	shalt  }
0x5f: {  	_ =	shalt  }
0x60: {  	_ =	shalt  }
0x61: {  	_ =	shalt  }
0x62: {  	_ =	shalt  }
0x63: {  	_ =	shalt  }
0x64: {  	_ =	shalt  }
0x65: {  	_ =	shalt  }
0x66: {  	_ =	shalt  }
0x67: {  	_ =	shalt  }
0x68: {  	_ =	shalt  }
0x69: {  	_ =	shalt  }
0x6a: {  	_ =	shalt  }
0x6b: {  	_ =	shalt  }
0x6c: {  	_ =	shalt  }
0x6d: {  	_ =	shalt  }
0x6e: {  	_ =	shalt  }
0x6f: {  	_ =	shalt  }
0x70: {  	_ =	shalt  }
0x71: {  	_ =	shalt  }
0x72: {  	_ =	shalt  }
0x73: {  	_ =	shalt  }
0x74: {  	_ =	shalt  }
0x75: {  	_ =	shalt  }
0x76: {  	_ =	shalt  }
0x77: {  	_ =	shalt  }
0x78: {  	_ =	shalt  }
0x79: {  	_ =	shalt  }
0x7a: {  	_ =	shalt  }
0x7b: {  	_ =	shalt  }
0x7c: {  	_ =	shalt  }
0x7d: {  	_ =	shalt  }
0x7e: {  	_ =	shalt  }
0x7f: {  	_ =	shalt  }
0x80: {  	_ =	shalt  }
0x81: {  	_ =	shalt  }
0x82: {  	_ =	shalt  }
0x83: {  	_ =	shalt  }
0x84: {  	_ =	shalt  }
0x85: {  	_ =	shalt  }
0x86: {  	_ =	shalt  }
0x87: {  	_ =	shalt  }
.Lfunc_end0:
.L_simem_size_0:
called_computation_lowered:
.L_overlay_start_0:
0x88: {  	s2 =	sld [smem:$0x3FD9]  }
0x89: {  	s3 =	sld [smem:$0x3FFE];
	_ =	sdelay $0x1  }
0x8a: {  	s1 =	srdreg.scid  }
0x8b: {  	s0 =	sand.u32 $0x1, s1  }
0x8c: {  	s13 =	sshll.u32 s0, $0xA;
	s2 =	sadd.s32 s3, s2  }
0x8d: {  	s2 =	sadd.s32 s2, s13  }
0x8e: {  	[smem:$0x3FB7] =	sst s2  }
0x8f: {  	_ = 	snop  }
0x90: {  	s2 =	sld [smem:$0x3FD0];
	_ =	sdelay $0x2  }
0x91: {  	s14 =	simm.s32 $0xB;
	s4 =	simm.s32 $0x10  }
0x92: {  	[smem:s4], [sflag:s14] =	dma.local [hbm:s2], $0x1  }
0x93: {  	_ =	swait.eq [sflag:s14], $0x1  }
0x94: {  	[sflag:s14] =	ssyncset.done $0x0  }
0x95: {  	s15 =	sld [smem:$0x10];
	[sflag:s14] =	ssyncadd.s32 $0xFFFFFFFF  }
0x96: {  	s16 =	sld [smem:$0x11];
	(tm) =	ssettm $0x1  }
0x97: {  	s17 =	sld [smem:$0x3FFB];
	_ =	sdelay $0x3  }
0x98: {  	_ =	strace s17  }
0x99: {  	s2 =	sld [smem:$0x3FFC];
	_ =	sdelay $0x3  }
0x9a: {  	_ =	strace s2  }
0x9b: {  	s2 =	sld [smem:$0x3FFD];
	_ =	sdelay $0x3  }
0x9c: {  	_ =	strace s2  }
0x9d: {  	_ =	strace $0x8FFFFFFF  }
0x9e: {  	s18 =	sld [smem:$0x3FDB];
	_ =	sdelay $0x1  }
0x9f: {  	s5 =	simm.s32 $_scs_section_size  }
0xa0: {  	s6 =	simm.s32 $_size__tile_overlayer_lowered;
	s7 =	simm.s32 $_tile_overlayer_lowered  }
0xa1: {  	s8 =	simm.s32 $0x1BFF;
	s19 =	sshll.u32 s7, $0x1;
	s5 =	sadd.s32 s5, s18  }
0xa2: {  	s20 =	simm.s32 $0x0;
	s6 =	sshll.u32 s6, $0x1;
	s7 =	sadd.s32 s19, s5  }
0xa3: {  	[timem:s20], [sflag:s8] =	dma.local [hbm:s7], s6  }
0xa4: {  	_ =	swait.ge [sflag:s8], s6  }
0xa5: {  	s6 =	ssub.s32 $0x0, s6;
	[sflag:s8] =	ssyncset.done $0x0  }
0xa6: {  	[sflag:s8] =	ssyncadd.s32 s6;
	_ =	sdelay $0x1  }
0xa7: {  	s21 =	simm.s32 $0x1B8B  }
0xa8: {  	_ =	swait.ge [sflag:s21], $0x1  }
0xa9: {  	[sflag:s21] =	ssyncset.done $0x0  }
0xaa: {  	s22 =	sld [smem:$0x3FFE];
	[sflag:s21] =	ssyncadd.s32 $0xFFFFFFFF  }
0xab: {  	s24 =	simm.s32 $0x1B8E;
	s23 =	sld [smem:$0x0]  }
0xac: {  	s25 =	simm.s32 $execute0_lowered;
	[smem:$0x3FD2] =	sst s24  }
0xad: {  	s8 =	sshll.u32 s25, $0x1;
	_ =	strace $0x8000004C;
	[dreg:$0x1] =	wrdreg $0xFFFFFFFF  }
0xae: {  	s9 =	simm.s32 $_size_execute0_lowered;
	s8 =	sadd.s32 s5, s8;
	[dreg:$0x0] =	wrdreg $0x0  }
0xaf: {  	s9 =	sshll.u32 s9, $0x1;
	[dreg:$0x2] =	wrdreg s8  }
0xb0: {  	[dreg:$0x3] =	wrdreg s9  }
0xb1: {  	[dreg:$0x4] =	wrdreg $0xC0  }
0xb2: {  	s26 =	simm.s32 $execute1_lowered;
	_ =	task [dreg:s20], $0x5FFFF  }
0xb3: {  	s8 =	sshll.u32 s26, $0x1;
	[dreg:$0x1] =	wrdreg $0xFFFFFFFF  }
0xb4: {  	s5 =	sadd.s32 s5, s8;
	[dreg:$0x0] =	wrdreg $0x60  }
0xb5: {  	[dreg:$0x2] =	wrdreg s5  }
0xb6: {  	[dreg:$0x3] =	wrdreg s15  }
0xb7: {  	[dreg:$0x4] =	wrdreg s22  }
0xb8: {  	[dreg:$0x5] =	wrdreg $0x9  }
0xb9: {  	_ =	task.clear_ibuf [dreg:s20], $0x6FFFF;
	_ =	strace $0x9000004C  }
0xba: {  	s28 =	simm.s32 $0x9;
	_ =	strace $0x8000004E  }
0xbb: {  	_ =	swait.ge [sflag:s28], $0x1  }
0xbc: {  	[sflag:s28] =	ssyncadd.s32 $0xFFFFFFFF  }
0xbd: {  	_ =	strace $0x9000004E  }
0xbe: {  	s4 =	sld [smem:$0x0]  }
0xbf: {  	s5 =	sand.u32 $0xFFFFFFFE, s1  }
0xc0: {  	p0 =	sne.s32 s1, s5  }
0xc1: {  	s5 =	sshll.u32 @p0 s5, $0xE  }
0xc2: {  	s5 =	sadd.s32 @p0 $0x11BF3, s5;
	s8 =	sshll.u32 @p0 s4, $0x11  }
0xc3: {  	s5 =	sor.u32 @p0 s8, s5  }
0xc4: {  	[sflag:s5] =	ssyncadd.remote.s32 @p0 $0x1;
	_ =	sdelay $0x1  }
0xc5: {  	s5 =	simm.s32 @p0 $0x1BF3  }
0xc6: {  	_ =	swait.eq @p0 [sflag:s5], $0x1  }
0xc7: {  	[sflag:s5] =	ssyncadd.s32 @p0 $0xFFFFFFFF  }
0xc8: {  	s8 =	sshll.u32 @!p0 s1, $0xE  }
0xc9: {  	s8 =	sor.u32 @!p0 $0x4000, s8;
	s5 =	simm.s32 @!p0 $0x1BF3  }
0xca: {  	s4 =	sshll.u32 @!p0 s4, $0x11;
	s8 =	sadd.s32 @!p0 $0x11BF3, s8;
	_ =	swait.eq @!p0 [sflag:s5], $0x1  }
0xcb: {  	s4 =	sor.u32 @!p0 s4, s8;
	[sflag:s5] =	ssyncadd.s32 @!p0 $0xFFFFFFFF  }
0xcc: {  	[sflag:s4] =	ssyncadd.remote.s32 @!p0 $0x1  }
0xcd: {  	_ =	strace $0x8000004F;
	[dreg:$0x1] =	wrdreg $0xFFFFFFFF  }
0xce: {  	[dreg:$0x0] =	wrdreg $0x2030  }
0xcf: {  	[dreg:$0x2] =	wrdreg s22  }
0xd0: {  	[dreg:$0x3] =	wrdreg s16  }
0xd1: {  	[dreg:$0x4] =	wrdreg s1  }
0xd2: {  	[dreg:$0x5] =	wrdreg s23  }
0xd3: {  	[dreg:$0x6] =	wrdreg $0xA  }
0xd4: {  	_ =	task.clear_ibuf [dreg:s20], $0x7FFFF;
	_ =	strace $0x9000004F  }
0xd5: {  	s29 =	simm.s32 $0xA;
	_ =	strace $0x80000051  }
0xd6: {  	_ =	swait.ge [sflag:s29], $0x1  }
0xd7: {  	[sflag:s29] =	ssyncadd.s32 $0xFFFFFFFF  }
0xd8: {  	_ =	strace $0x90000051  }
0xd9: {  	_ =	sfence  }
0xda: {  	s30 =	sld [smem:$0x0];
	_ =	sdelay $0x2  }
0xdb: {  	s31 =	sshll.u32 s1, $0xD;
	s1 =	sshrl.u32 s1, $0x2  }
0xdc: {  	s4 =	sand.u32 $0x4000, s31;
	s1 =	sadd.s32 s1, s30  }
0xdd: {  	s0 =	sor.u32 s4, s0;
	s1 =	sshll.u32 s1, $0x11  }
0xde: {  	s0 =	sor.u32 s1, s0  }
0xdf: {  	s0 =	sadd.s32 $0x8F2B, s0  }
0xe0: {  	[sflag:s0] =	ssyncadd.remote.s32 $0x1  }
0xe1: {  	_ =	sfence.sel $0xFFFF  }
0xe2: {  	[dreg:$0x0] =	wrdreg $0xFFFFFFFF;
	(pc) =	sbr.abs _section_cstart, $3  }
0xe3: {  	[dreg:$0x1] =	wrdreg $0xFFFFFFFF  }
0xe4: {  	_ =	task.clear_ibuf [dreg:s20], $0x2FFFF;
	_ =	strace $0x9FFFFFFF  }
0xe5: {  	(tm) =	ssettm $0x7FFFFFFF  }
tec
execute0_lowered:
.L_overlay_start_1:
0x0: {  	(tag) =	ssettag $0x1  }
0x1: {  	s3 =	rddreg [dreg:$0x0]  }
0x2: {  	s2 =	rddreg [dreg:$0x1]  }
0x3: {  	s4 =	rddreg [dreg:$0x2]  }
0x4: {  	s0 =	rddreg [dreg:$0x3]  }
0x5: {  	s5 =	stileid.u32;
	[bflag:$0x3] =	sbarrier.arrive $0xFFFF;
	s1 =	simm.s32 $_size_execute1_lowered  }
0x6: {  	s29 =	srdreg.scid;
	s31 =	simm.s32 $0x2;
	p0 =	sne.s32 s5, $0x0  }
0x7: {  	s1 =	sshll.u32 s1, $0x1;
	s6 =	simm.s32 @!p0 $0x1C3F;
	s7 =	simm.s32 @!p0 $0x4060  }
0x8: {  	[timem:s7], [sflag:s6] =	dma.local @!p0 [hbm:s3], s1  }
0x9: {  	s8 =	simm.s32 $0x0;
	s12 =	simm.s32 $0x0;
	s3 =	sshll.u32 s29, $0x7  }
.Ltmp0:
0xa: {  	s5 =	sshll.u32 s5, $0x8;
	s3 =	sand.u32 $0x80, s3;
	(pc) =	sbr.rel .LBB2_1-.Ltmp0, $4  }
0xb: {  	s10 =	simm.s32 $0x0;
	s11 =	simm.s32 $0x0;
	s3 =	sor.u32 s5, s3  }
0xc: {  	_ =	strace $0x8000004D;
	s5 =	simm.s32 $0x1;
	s30 =	ssub.s32 $0x2700, s3  }
0xd: {  	s4 =	sadd.s32 $0xAB4800, s4;
	[sflag:s5] =	ssyncpa.u1 $0x0;
	s6 =	sshrl.u32 s30, $0xC  }
0xe: {  	s9 =	smov.u32 s3;
	[sflag:s31] =	ssyncpa.u1 $0x0;
	s7 =	sadd.s32 $0x2, s6  }
.LBB2_4:
0xf: {  	_ = 	snop  }
.LBB2_7:
0x10: {  	_ =	sdelay $0x3  }
0x11: {  	[tilespmem:v0+s16+$0x0 ss:$0x1] =	vst.idx.msk @p1 $0xffff, v2  }
0x12: {  	v56 =	vld.idx.msk [tilespmem:v1+s15+$0x0 ss:$0x1], $0xffff;
	s24 =	sor.u32 $0x70, s15;
	[tilespmem:v0+s17+$0x0 ss:$0x1] =	vst.idx.msk @p1 $0xffff, v4  }
0x13: {  	s25 =	sor.u32 $0x10, s15;
	[tilespmem:v0+s18+$0x0 ss:$0x1] =	vst.idx.msk @p1 $0xffff, v3;
	v57 =	vld.idx.msk [tilespmem:v1+s24+$0x0 ss:$0x1], $0xffff  }
0x14: {  	s26 =	sor.u32 $0x20, s15;
	[tilespmem:v0+s19+$0x0 ss:$0x1] =	vst.idx.msk @p1 $0xffff, v5;
	v58 =	vld.idx.msk [tilespmem:v1+s25+$0x0 ss:$0x1], $0xffff  }
0x15: {  	s28 =	sor.u32 $0x30, s15;
	[tilespmem:v0+s20+$0x0 ss:$0x1] =	vst.idx.msk @p1 $0xffff, v6;
	v59 =	vld.idx.msk [tilespmem:v1+s26+$0x0 ss:$0x1], $0xffff  }
0x16: {  	s29 =	sor.u32 $0x40, s15;
	[tilespmem:v0+s21+$0x0 ss:$0x1] =	vst.idx.msk @p1 $0xffff, v7;
	v60 =	vld.idx.msk [tilespmem:v1+s28+$0x0 ss:$0x1], $0xffff  }
0x17: {  	s30 =	sor.u32 $0x50, s15;
	v61 =	vld.idx.msk [tilespmem:v1+s29+$0x0 ss:$0x1], $0xffff;
	[tilespmem:v0+s15+$0x0 ss:$0x1] =	vst.idx.msk $0xffff, v56  }
0x18: {  	s31 =	sor.u32 $0x60, s15;
	v62 =	vld.idx.msk [tilespmem:v1+s30+$0x0 ss:$0x1], $0xffff;
	[tilespmem:v0+s24+$0x0 ss:$0x1] =	vst.idx.msk $0xffff, v57  }
0x19: {  	v63 =	vld.idx.msk [tilespmem:v1+s31+$0x0 ss:$0x1], $0xffff;
	[tilespmem:v0+s25+$0x0 ss:$0x1] =	vst.idx.msk $0xffff, v58  }
0x1a: {  	[tilespmem:v0+s26+$0x0 ss:$0x1] =	vst.idx.msk $0xffff, v59  }
0x1b: {  	[tilespmem:v0+s28+$0x0 ss:$0x1] =	vst.idx.msk $0xffff, v60  }
0x1c: {  	[tilespmem:v0+s29+$0x0 ss:$0x1] =	vst.idx.msk $0xffff, v61  }
0x1d: {  	[tilespmem:v0+s30+$0x0 ss:$0x1] =	vst.idx.msk $0xffff, v62  }
0x1e: {  	[tilespmem:v0+s31+$0x0 ss:$0x1] =	vst.idx.msk $0xffff, v63  }
.LBB2_8:
0x1f: {  	s15 =	sand.u32 $0x1FFFFFF, s10  }
0x20: {  	s16 =	smulhi.u32 $0x1A36E2F, s15;
	_ =	sdelay $0x1  }
0x21: {  	s16 =	sshrl.u32 s16, $0x6  }
0x22: {  	s16 =	smul.u32 $0x2710, s16;
	_ =	sdelay $0x1  }
0x23: {  	s15 =	ssub.s32 s15, s16  }
0x24: {  	s15 =	sshll.u32 s15, $0x4  }
0x25: {  	s15 =	sadd.s32 s4, s15  }
0x26: {  	[hbm4b:s15+s8] =	stream.linear.scatter [tilespmem:s14], [sflag:$0x2], s13, $0x38;
	[tilespmem:$0x10000] =	vst v63  }
.LBB2_9:
0x27: {  	p1 =	slt.u32 s11, $0x2  }
0x28: {  	p2 =	sgt.s32 @!p1 s12, $0x2690  }
0x29: {  	s13 =	smov.u32 s12;
	s14 =	sshra.s32 @!p1 s12, $0x1F;
	p2 =	por !p2, p1  }
0x2a: {  	s12 =	sand.u32 @!p1 s14, s12;
	s13 =	simm.s32 @p2 $0x2690  }
0x2b: {  	s12 =	ssub.s32 @!p1 s13, s12  }
0x2c: {  	s12 =	sadd.s32 @!p1 $0xFFFFD970, s12  }
0x2d: {  	s13 =	sshll.u32 @!p1 s12, $0x9  }
0x2e: {  	p2 =	sgt.s32 @!p1 s12, $0x7F;
	s12 =	ssub.s32 @!p1 $0x10000, s13  }
0x2f: {  	s14 =	sadd.s32 $0x1000, s9;
	p2 =	por !p2, p1;
	s12 =	sshrl.u32 @!p1 s12, $0x2  }
0x30: {  	s12 =	simm.s32 @!p2 $0x0;
	p2 =	sgt.s32 s14, $0x270F  }
0x31: {  	s14 =	smov.u32 @p2 s3;
	p2 =	sne.s32 s11, s7  }
.Ltmp1:
0x32: {  	_ = 	snop;
	(pc) =	sbr.rel @!p2 .LBB2_10-.Ltmp1, $4  }
0x33: {  	s13 =	simm.s32 @!p1 $0x2  }
0x34: {  	_ =	swait.ge @!p1 [sflag:s13], s12;
	s15 =	ssub.s32 @!p1 $0x0, s12  }
0x35: {  	s12 =	smov.u32 s10;
	s11 =	sadd.s32 $0x1, s11;
	[sflag:s13] =	ssyncset.done @!p1 $0x0  }
0x36: {  	s10 =	smov.u32 s9;
	s9 =	smov.u32 s14;
	[sflag:s13] =	ssyncadd.s32 @!p1 s15  }
.LBB2_1:
0x37: {  	p1 =	sgt.u32 s11, s6  }
0x38: {  	s13 =	sand.u32 @!p1 $0x1FFFFFF, s9  }
0x39: {  	p2 =	sgt.s32 @!p1 s9, $0x2690;
	s14 =	smulhi.u32 @!p1 $0x1A36E2F, s13  }
0x3a: {  	s15 =	smov.u32 s9;
	s16 =	sshra.s32 @!p1 s9, $0x1F;
	p2 =	por !p2, p1  }
0x3b: {  	s16 =	sand.u32 @!p1 s16, s9;
	s15 =	simm.s32 @p2 $0x2690;
	s14 =	sshrl.u32 @!p1 s14, $0x6  }
0x3c: {  	s15 =	ssub.s32 @!p1 s15, s16;
	s14 =	smul.u32 @!p1 $0x2710, s14  }
0x3d: {  	s16 =	sxor.u32 @!p1 $0xFFFFFFFF, s11;
	s15 =	sadd.s32 @!p1 $0xFFFFD970, s15  }
0x3e: {  	s16 =	sshll.u32 @!p1 s16, $0xE;
	s13 =	ssub.s32 @!p1 s13, s14;
	s14 =	sshll.u32 @!p1 s15, $0x9  }
0x3f: {  	s16 =	sand.u32 @!p1 $0x4000, s16;
	p2 =	sgt.s32 @!p1 s15, $0x7F;
	s14 =	ssub.s32 @!p1 $0x10000, s14  }
0x40: {  	p2 =	por !p2, p1;
	s13 =	sshll.u32 @!p1 s13, $0x4;
	s14 =	sshrl.u32 @!p1 s14, $0x2  }
0x41: {  	s15 =	simm.s32 @!p1 $0x0;
	s13 =	sadd.s32 @!p1 s2, s13;
	s14 =	simm.s32 @!p2 $0x0  }
0x42: {  	[tilespmem:s16], [sflag:$0x1] =	stream.linear.gather @!p1 [hbm4b:s13+s15], s14, $0x38;
	[tilespmem:$0x10000] =	vst v63  }
0x43: {  	p1 =	seq.s32 s11, $0x0  }
0x44: {  	p2 =	sge.u32 @!p1 s11, s7  }
0x45: {  	p1 =	por p1, p2  }
.Ltmp2:
0x46: {  	_ = 	snop;
	(pc) =	sbr.rel @p1 .LBB2_9-.Ltmp2, $1  }
0x47: {  	_ =	sdelay $0x3  }
0x48: {  	p1 =	sgt.s32 s10, $0x2690;
	s13 =	smov.u32 s10;
	s14 =	sshra.s32 s10, $0x1F  }
0x49: {  	s13 =	simm.s32 @!p1 $0x2690;
	s14 =	sand.u32 s14, s10  }
0x4a: {  	s13 =	ssub.s32 s13, s14  }
0x4b: {  	s13 =	sadd.s32 $0xFFFFD970, s13  }
0x4c: {  	s31 =	sshll.u32 s13, $0x9  }
0x4d: {  	s14 =	ssub.s32 $0x10000, s31  }
0x4e: {  	p1 =	sgt.s32 s13, $0x7F;
	s13 =	sshrl.u32 s14, $0x2;
	s14 =	sadd.s32 $0x80, s10  }
0x4f: {  	s13 =	simm.s32 @p1 $0x0;
	p1 =	slt.s32 s14, $0x2710  }
0x50: {  	s14 =	simm.s32 @!p1 $0x2710  }
0x51: {  	s16 =	ssub.s32 s14, s10  }
0x52: {  	p1 =	slt.s32 s16, $0x1  }
.Ltmp3:
0x53: {  	_ = 	snop;
	(pc) =	sbr.rel @p1 .LBB2_8-.Ltmp3, $4  }
0x54: {  	_ = 	snop  }
0x55: {  	s15 =	sshll.u32 s11, $0xE;
	_ =	swait.ge [sflag:s5], s13  }
0x56: {  	s15 =	sand.u32 $0x4000, s15;
	s17 =	ssub.s32 $0x0, s13;
	[sflag:s5] =	ssyncset.done $0x0  }
0x57: {  	s14 =	sor.u32 $0x8000, s15;
	[sflag:s5] =	ssyncadd.s32 s17  }
0x58: {  	p2 =	sne.s32 s16, $0x1  }
.Ltmp4:
0x59: {  	v1 =	vmov s15;
	v0 =	vmov s14;
	(pc) =	sbr.rel @!p2 .LBB2_4-.Ltmp4, $3  }
0x5a: {  	_ =	sdelay $0x1  }
0x5b: {  	s17 =	simm.s32 $0x0  }
0x5c: {  	s23 =	sadd.s32 $0xFFFFFFFF, s16;
	p1 =	por $0x0, $0x0;
	s15 =	sand.u32 $0x3F80, s17  }
0x5d: {  	_ =	sdelay $0x3  }
0x5e: {  	v6 =	vld.idx.msk [tilespmem:v1+s15+$0x0 ss:$0x1], $0xffff;
	s24 =	sor.u32 $0x70, s15  }
0x5f: {  	s16 =	sor.u32 $0x10, s15;
	v8 =	vld.idx.msk [tilespmem:v1+s24+$0x0 ss:$0x1], $0xffff  }
0x60: {  	s17 =	sor.u32 $0x20, s15;
	p2 =	sne.s32 s23, $0x1;
	v2 =	vld.idx.msk [tilespmem:v1+s16+$0x0 ss:$0x1], $0xffff  }
.Ltmp5:
0x61: {  	s18 =	sor.u32 $0x30, s15;
	v4 =	vld.idx.msk [tilespmem:v1+s17+$0x0 ss:$0x1], $0xffff;
	(pc) =	sbr.rel @!p2 .LBB2_7-.Ltmp5, $4  }
0x62: {  	s19 =	sor.u32 $0x40, s15;
	v3 =	vld.idx.msk [tilespmem:v1+s18+$0x0 ss:$0x1], $0xffff  }
0x63: {  	s21 =	sor.u32 $0x60, s15;
	v5 =	vld.idx.msk [tilespmem:v1+s19+$0x0 ss:$0x1], $0xffff  }
0x64: {  	s20 =	sor.u32 $0x50, s15;
	s22 =	simm.s32 $0x80;
	v7 =	vld.idx.msk [tilespmem:v1+s21+$0x0 ss:$0x1], $0xffff;
	[tilespmem:v0+s15+$0x0 ss:$0x1] =	vst.idx.msk $0xffff, v6  }
0x65: {  	s23 =	sadd.s32 $0xFFFFFFFF, s23;
	p1 =	por $0x1, $0x1;
	v6 =	vld.idx.msk [tilespmem:v1+s20+$0x0 ss:$0x1], $0xffff;
	s15 =	sand.u32 $0x3F80, s22;
	[tilespmem:v0+s24+$0x0 ss:$0x1] =	vst.idx.msk $0xffff, v8  }
.LBB2_6:
0x66: {  	p2 =	sne.s32 s23, $0x1;
	v8 =	vld.idx.msk [tilespmem:v1+s15+$0x0 ss:$0x1], $0xffff;
	s24 =	sor.u32 $0x70, s15;
	[tilespmem:v0+s16+$0x0 ss:$0x1] =	vst.idx.msk $0xffff, v2;
	s16 =	sor.u32 $0x10, s15  }
0x67: {  	s25 =	sor.u32 $0x30, s15;
	s26 =	sor.u32 $0x40, s15;
	v9 =	vld.idx.msk [tilespmem:v1+s24+$0x0 ss:$0x1], $0xffff;
	[tilespmem:v0+s17+$0x0 ss:$0x1] =	vst.idx.msk $0xffff, v4;
	s17 =	sor.u32 $0x20, s15  }
0x68: {  	s28 =	sor.u32 $0x50, s15;
	s29 =	sor.u32 $0x60, s15;
	v2 =	vld.idx.msk [tilespmem:v1+s16+$0x0 ss:$0x1], $0xffff;
	[tilespmem:v0+s18+$0x0 ss:$0x1] =	vst.idx.msk $0xffff, v3;
	s18 =	smov.u32 s25  }
.Ltmp6:
0x69: {  	v4 =	vld.idx.msk [tilespmem:v1+s17+$0x0 ss:$0x1], $0xffff;
	[tilespmem:v0+s19+$0x0 ss:$0x1] =	vst.idx.msk $0xffff, v5;
	s19 =	smov.u32 s26;
	(pc) =	sbr.rel @p2 .LBB2_6-.Ltmp6, $4  }
0x6a: {  	v3 =	vld.idx.msk [tilespmem:v1+s18+$0x0 ss:$0x1], $0xffff;
	[tilespmem:v0+s20+$0x0 ss:$0x1] =	vst.idx.msk $0xffff, v6;
	s20 =	smov.u32 s28  }
0x6b: {  	v5 =	vld.idx.msk [tilespmem:v1+s19+$0x0 ss:$0x1], $0xffff;
	[tilespmem:v0+s21+$0x0 ss:$0x1] =	vst.idx.msk $0xffff, v7;
	s21 =	smov.u32 s29  }
0x6c: {  	s22 =	sadd.s32 $0x80, s22;
	[tilespmem:v0+s15+$0x0 ss:$0x1] =	vst.idx.msk $0xffff, v8;
	v6 =	vld.idx.msk [tilespmem:v1+s20+$0x0 ss:$0x1], $0xffff  }
0x6d: {  	s23 =	sadd.s32 $0xFFFFFFFF, s23;
	s15 =	sand.u32 $0x3F80, s22;
	v7 =	vld.idx.msk [tilespmem:v1+s21+$0x0 ss:$0x1], $0xffff;
	[tilespmem:v0+s24+$0x0 ss:$0x1] =	vst.idx.msk $0xffff, v9  }
.Ltmp7:
0x6e: {  	_ = 	snop;
	(pc) =	sbr.rel .LBB2_7-.Ltmp7, $1  }
0x6f: {  	_ =	sdelay $0x3  }
.LBB2_10:
0x70: {  	_ =	sfence.sel $0x180000  }
0x71: {  	s2 =	simm.s32 $0x1;
	[bflag:$0x0] =	sbarrier.arrive $0xFFFF  }
0x72: {  	s31 =	simm.s32 $0x2;
	[sflag:s2] =	ssyncpa.u1 $0x1  }
0x73: {  	[sflag:s31] =	ssyncpa.u1 $0x1  }
0x74: {  	_ =	strace $0x9000004D  }
0x75: {  	s0 =	sadd.s32 @!p0 $0x100000, s0;
	[bflag:$0x2] =	sbarrier.arrive $0xFFFF  }
0x76: {  	[sflag:s0] =	ssyncadd.tile.s32 @!p0 $0x1;
	s0 =	simm.s32 @!p0 $0x3F  }
0x77: {  	_ =	swait.ge @!p0 [sflag:s0], s1  }
0x78: {  	s1 =	ssub.s32 @!p0 $0x0, s1;
	[sflag:s0] =	ssyncset.done @!p0 $0x0  }
0x79: {  	[sflag:s0] =	ssyncadd.s32 @!p0 s1  }
0x7a: {  	[bflag:$0x3] =	sbarrier.arrive $0xFFFF  }
0x7b: {  	_ =	shalt  }
.Lfunc_end2:
execute1_lowered:
.L_overlay_start_2:
0x7c: {  	(tag) =	ssettag $0x2  }
0x7d: {  	s2 =	rddreg [dreg:$0x0]  }
0x7e: {  	s9 =	rddreg [dreg:$0x1]  }
0x7f: {  	s3 =	rddreg [dreg:$0x2];
	_ =	strace $0x80000050;
	s0 =	simm.s32 $0x1  }
0x80: {  	v0 =	vimm.s32 $0x0;
	[sflag:s0] =	ssyncpa.u1 $0x0;
	s0 =	simm.s32 $0x108  }
0x81: {  	[tilespmem:s0+$0x70] =	vst v0  }
0x82: {  	[tilespmem:s0+$0x60] =	vst v0  }
0x83: {  	[tilespmem:s0+$0x50] =	vst v0  }
0x84: {  	[tilespmem:s0+$0x40] =	vst v0  }
0x85: {  	[tilespmem:s0+$0x30] =	vst v0  }
0x86: {  	s1 =	sadd.s32 $0xAB4800, s2;
	s15 =	sadd.s32 $0xAE1A00, s2;
	[tilespmem:s0+$0x20] =	vst v0  }
0x87: {  	s14 =	sadd.s32 $0xAEB800, s2;
	s5 =	sand.u32 $0x1, s3;
	s3 =	simm.s32 $0x40;
	[tilespmem:s0+$0x10] =	vst v0  }
.LBB3_1:
0x88: {  	s3 =	sadd.s32 $0x40, s3;
	[tilespmem:s0+$0x0] =	vst v0;
	s0 =	sadd.s32 $0x80, s0  }
0x89: {  	p0 =	slt.u32 s3, $0x3C40;
	[tilespmem:s0+$0x70] =	vst v0  }
0x8a: {  	[tilespmem:s0+$0x60] =	vst v0  }
.Ltmp8:
0x8b: {  	[tilespmem:s0+$0x50] =	vst v0;
	(pc) =	sbr.rel @p0 .LBB3_1-.Ltmp8, $4  }
0x8c: {  	[tilespmem:s0+$0x40] =	vst v0  }
0x8d: {  	[tilespmem:s0+$0x30] =	vst v0  }
0x8e: {  	[tilespmem:s0+$0x20] =	vst v0  }
0x8f: {  	[tilespmem:s0+$0x10] =	vst v0  }
0x90: {  	s6 =	stileid.u32  }
0x91: {  	s2 =	smul.u32 $0x29, s6  }
0x92: {  	s3 =	smin.u32 s6, $0xB  }
0x93: {  	s2 =	sadd.s32 s3, s2  }
0x94: {  	p0 =	slt.u32 s6, $0xB;
	s7 =	smul.u32 $0xF0, s2;
	s2 =	simm.s32 $0x2760  }
0x95: {  	s2 =	simm.s32 @!p0 $0x2670  }
0x96: {  	s2 =	sadd.s32 s2, s7  }
0x97: {  	s8 =	smin.u32 s2, $0x27100  }
0x98: {  	s2 =	ssub.s32 s8, s7  }
0x99: {  	p0 =	sgt.s32 s2, $0x0  }
0x9a: {  	s29 =	simm.s32 $0x2;
	s10 =	simm.s32 $0x9;
	s2 =	simm.s32 @!p0 $0x0  }
0x9b: {  	s4 =	simm.s32 $0xA;
	s11 =	simm.s32 $0xB;
	s28 =	smulhi.u32 $0x88888889, s2  }
0x9c: {  	[dreg:$0x5] =	wrdreg s5;
	s31 =	smul.u32 $0x4E20, s5;
	s12 =	simm.s32 $0x1  }
0x9d: {  	s22 =	simm.s32 $0x0;
	s18 =	simm.s32 $0xC;
	s30 =	sshrl.u32 s28, $0x7  }
0x9e: {  	s20 =	simm.s32 $0x0;
	s21 =	simm.s32 $0x0;
	s3 =	smul.u32 $0xF0, s30  }
.Ltmp9:
0x9f: {  	[tilespmem:s0+$0x0] =	vst v0;
	v0 =	vimm.s32 $0xFFFFFFFF;
	[sflag:s29] =	ssyncpa.u1 $0x0;
	s16 =	sshll.u32 s6, $0x8;
	(pc) =	sbr.rel .LBB3_3-.Ltmp9, $4  }
0xa0: {  	[tilespmem:$0xF208] =	vst v0;
	[sflag:s10] =	ssyncpa.u1 $0x0;
	p0 =	sne.s32 s2, s3;
	s2 =	simm.s32 $0x1  }
0xa1: {  	s14 =	sadd.s32 s31, s14;
	[sflag:s4] =	ssyncpa.u1 $0x0;
	s2 =	simm.s32 @!p0 $0x0  }
0xa2: {  	s15 =	sadd.s32 s31, s15;
	[sflag:s11] =	ssyncpa.u1 $0x0;
	s13 =	sadd.s32 s2, s30  }
0xa3: {  	v0 =	vlaneseq.u32;
	s19 =	smov.u32 s7;
	p0 =	por $0x0, $0x0;
	s17 =	sadd.s32 $0x1, s13  }
.LBB3_18:
0xa4: {  	s0 =	sshrl.u32 s31, $0x2  }
.LBB3_20:
0xa5: {  	_ =	swait.ge [sflag:s18], s0  }
0xa6: {  	s31 =	ssub.s32 $0x0, s0;
	v1 =	vmov s24;
	vm0 =	veq.s32 v0, $0x0;
	[sflag:s18] =	ssyncset.done $0x0  }
0xa7: {  	vm15 =	veq.s32 v0, $0x2;
	v1 =	vsel vm0, s30, v1;
	[sflag:s18] =	ssyncadd.s32 s31  }
0xa8: {  	v1 =	vsel vm15, s22, v1;
	[sflag:s18] =	ssyncpa.u1 $0x1  }
0xa9: {  	[tilespmem:$0xF208] =	vst v1  }
.LBB3_21:
0xaa: {  	s0 =	sadd.s32 $0xF0, s19  }
0xab: {  	s2 =	smov.u32 s7;
	p1 =	slt.s32 s0, s8  }
0xac: {  	s2 =	smov.u32 @p1 s0;
	p1 =	sne.s32 s21, s17  }
.Ltmp10:
0xad: {  	_ = 	snop;
	(pc) =	sbr.rel @!p1 .LBB3_22-.Ltmp10, $3  }
0xae: {  	_ =	sdelay $0x1  }
0xaf: {  	s22 =	smov.u32 s20;
	s31 =	sadd.s32 $0x1, s21;
	s20 =	smov.u32 s19  }
0xb0: {  	p0 =	por !p0, !p0;
	s21 =	smov.u32 s31;
	s19 =	smov.u32 s2  }
.LBB3_3:
0xb1: {  	p1 =	sge.u32 s21, s13  }
0xb2: {  	s0 =	smulhi.u32 @!p1 $0xAAAAAAAB, s21  }
0xb3: {  	s2 =	smov.u32 s19;
	p2 =	sgt.s32 @!p1 s19, $0x27010  }
0xb4: {  	s3 =	sshra.s32 @!p1 s19, $0x1F;
	p2 =	por !p2, p1;
	s0 =	sshrl.u32 @!p1 s0, $0x1  }
0xb5: {  	s3 =	sand.u32 @!p1 s3, s19;
	s2 =	simm.s32 @p2 $0x27010;
	s0 =	smul.u32 @!p1 $0x3, s0  }
0xb6: {  	s2 =	ssub.s32 @!p1 s2, s3  }
0xb7: {  	s2 =	sadd.s32 @!p1 $0xFFFD8FF0, s2;
	s0 =	ssub.s32 @!p1 s21, s0  }
0xb8: {  	s3 =	sshll.u32 @!p1 s2, $0x2;
	p2 =	sgt.s32 @!p1 s2, $0xEF;
	s0 =	smul.u32 @!p1 $0x3C0, s0  }
0xb9: {  	s4 =	sand.u32 @!p1 $0x7, s19;
	s2 =	ssub.s32 @!p1 $0x3C0, s3;
	p2 =	por !p2, p1  }
0xba: {  	s3 =	sshrl.u32 @!p1 s19, $0x3;
	s2 =	sshrl.u32 @!p1 s2, $0x2;
	s0 =	sshrl.u32 @!p1 s0, $0x2  }
0xbb: {  	s3 =	sadd.s32 @!p1 s3, s14;
	s2 =	simm.s32 @!p2 $0x0;
	s0 =	sadd.s32 @!p1 $0x10248, s0  }
0xbc: {  	[tilespmem:s0], [sflag:$0xA] =	stream.linear.gather @!p1 [hbm4b:s3+s4], s2, $0x38;
	[tilespmem:$0x1F6F8] =	vst v63  }
0xbd: {  	s0 =	sadd.s32 $0xFFFFFFFF, s21  }
0xbe: {  	p1 =	sge.u32 s0, s13  }
0xbf: {  	p2 =	sgt.s32 @!p1 s20, $0x27010  }
0xc0: {  	s2 =	smov.u32 s20;
	s3 =	sshra.s32 @!p1 s20, $0x1F;
	p2 =	por !p2, p1  }
0xc1: {  	s3 =	sand.u32 @!p1 s3, s20;
	s2 =	simm.s32 @p2 $0x27010  }
0xc2: {  	s2 =	ssub.s32 @!p1 s2, s3  }
0xc3: {  	s2 =	sadd.s32 @!p1 $0xFFFD8FF0, s2  }
0xc4: {  	s4 =	sand.u32 @!p1 $0x1, s0;
	s3 =	sshll.u32 @!p1 s2, $0x2  }
0xc5: {  	p2 =	sgt.s32 @!p1 s2, $0xEF;
	s2 =	ssub.s32 @!p1 $0x3C0, s3;
	s3 =	smulhi.u32 @!p1 $0xAAAAAAAB, s0  }
0xc6: {  	s23 =	smul.u32 @!p1 $0x3C0, s4;
	p2 =	por !p2, p1;
	s2 =	sshrl.u32 @!p1 s2, $0x2  }
0xc7: {  	s5 =	simm.s32 @!p1 $0xA;
	s2 =	simm.s32 @!p2 $0x0;
	s3 =	sshrl.u32 @!p1 s3, $0x1  }
0xc8: {  	s23 =	sshrl.u32 @!p1 s23, $0x2;
	_ =	swait.ge @!p1 [sflag:s5], s2;
	s3 =	smul.u32 @!p1 $0x3, s3  }
0xc9: {  	s23 =	sadd.s32 @!p1 $0x10518, s23;
	s24 =	ssub.s32 @!p1 $0x0, s2;
	[sflag:s5] =	ssyncset.done @!p1 $0x0  }
0xca: {  	[sflag:s5] =	ssyncadd.s32 @!p1 s24;
	s5 =	sshrl.u32 @!p1 s20, $0x3;
	s0 =	ssub.s32 @!p1 s0, s3  }
0xcb: {  	s24 =	sand.u32 @!p1 $0x7, s20;
	s5 =	sadd.s32 @!p1 s5, s15;
	s0 =	smul.u32 @!p1 $0x3C0, s0  }
0xcc: {  	[tilespmem:s23], [sflag:$0xB] =	stream.linear.gather @!p1 [hbm4b:s5+s24], s2, $0x38;
	[tilespmem:$0x1F6F8] =	vst v63  }
0xcd: {  	s3 =	ssub.s32 @!p1 $0x27100, s20;
	s2 =	smul.u32 @!p1 $0x1E000, s4  }
0xce: {  	p2 =	slt.s32 @!p1 s3, $0xF0  }
0xcf: {  	p2 =	por !p2, p1;
	s0 =	sshrl.u32 @!p1 s0, $0x2;
	s2 =	sshrl.u32 @!p1 s2, $0x2  }
0xd0: {  	s3 =	simm.s32 @p2 $0xF0;
	s0 =	sadd.s32 @!p1 $0x10248, s0;
	s2 =	sor.u32 @!p1 $0x106F8, s2  }
0xd1: {  	[tilespmem:s2], [sflag:$0x9] =	stream.indirect.gather @!p1 [hbm4b:s9+s3], $0x80, s0, s3, $0xb8;
	[tilespmem:$0x1F6F8] =	vst v63  }
0xd2: {  	p1 =	slt.u32 s21, $0x2  }
.Ltmp11:
0xd3: {  	_ = 	snop;
	(pc) =	sbr.rel @p1 .LBB3_21-.Ltmp11, $1  }
0xd4: {  	_ =	sdelay $0x3  }
0xd5: {  	p1 =	sgt.s32 s22, $0x27010  }
0xd6: {  	s0 =	smov.u32 s22;
	s2 =	sshra.s32 s22, $0x1F;
	s3 =	ssub.s32 $0x27100, s22  }
0xd7: {  	s0 =	simm.s32 @!p1 $0x27010;
	s2 =	sand.u32 s2, s22;
	p1 =	slt.s32 s3, $0xF0  }
0xd8: {  	s0 =	ssub.s32 s0, s2;
	s3 =	simm.s32 @!p1 $0xF0  }
0xd9: {  	s0 =	sadd.s32 $0xFFFD8FF0, s0;
	s25 =	sshll.u32 s3, $0x7  }
0xda: {  	s26 =	sshll.u32 s0, $0x2;
	s2 =	sand.u32 $0x3FFFFF80, s25  }
0xdb: {  	p1 =	sgt.s32 s0, $0xEF;
	s29 =	ssub.s32 $0x3C0, s26;
	_ =	swait.ge [sflag:s10], s2  }
0xdc: {  	s2 =	ssub.s32 $0x0, s2;
	[sflag:s10] =	ssyncset.done $0x0;
	s0 =	sshrl.u32 s29, $0x2  }
0xdd: {  	[sflag:s10] =	ssyncadd.s32 s2;
	s0 =	simm.s32 @p1 $0x0  }
0xde: {  	_ =	swait.ge [sflag:s11], s0  }
0xdf: {  	s0 =	ssub.s32 $0x0, s0;
	[sflag:s11] =	ssyncset.done $0x0  }
0xe0: {  	[sflag:s11] =	ssyncadd.s32 s0  }
0xe1: {  	v1 =	vld [tilespmem:$0xF208];
	_ =	sdelay $0x4  }
0xe2: {  	(v2sf) =	vpush v1, $0x0  }
0xe3: {  	(v2sf) =	vpush v1, $0x1  }
0xe4: {  	(v2sf) =	vpush v1, $0x2;
	_ =	sdelay $0x3  }
0xe5: {  	s0 =	sadd.s32 $0xF0, s22  }
0xe6: {  	s2 =	ssub.s32 $0x4E200, s22;
	p1 =	slt.s32 s8, s0  }
0xe7: {  	s0 =	smov.u32 @p1 s8;
	p1 =	sgt.s32 s2, $0x0  }
0xe8: {  	s26 =	ssub.s32 s0, s22;
	s2 =	simm.s32 @!p1 $0x0  }
0xe9: {  	p1 =	slt.s32 s2, s26  }
0xea: {  	s26 =	smov.u32 @p1 s2  }
0xeb: {  	s25 =	simm.s32 $0x1;
	p1 =	slt.s32 s26, $0x1  }
.Ltmp12:
0xec: {  	s25 =	simm.s32 @!p0 $0x0;
	(pc) =	sbr.rel @p1 .LBB3_8-.Ltmp12, $4  }
0xed: {  	s31 =	smul.u32 $0x3C0, s25  }
0xee: {  	s28 =	spop (v2sf)  }
0xef: {  	s0 =	sshrl.u32 s31, $0x2;
	s30 =	spop (v2sf)  }
0xf0: {  	s23 =	sadd.s32 $0x10518, s0;
	s22 =	spop (v2sf)  }
0xf1: {  	s0 =	smin.u32 s26, $0x10  }
0xf2: {  	v1 =	vmov s0  }
0xf3: {  	p2 =	sgt.s32 s26, $0x10;
	vm1 =	vgt.u32 v1, v0  }
.Ltmp13:
0xf4: {  	_ = 	snop;
	(pc) =	sbr.rel @!p2 .LBB3_7-.Ltmp13, $2  }
0xf5: {  	_ =	sdelay $0x2  }
0xf6: {  	s4 =	simm.s32 $0x10;
	s24 =	sadd.s32 $0xFFFFFFF0, s26;
	s0 =	smov.u32 s23;
	vm0 =	vmmov vm1  }
.LBB3_6:
0xf7: {  	s2 =	smin.u32 s24, $0x10;
	s4 =	sadd.s32 $0x10, s4;
	v1 =	vld.msk [tilespmem:s0+$0x0 ss:$0x1], vm1  }
0xf8: {  	v2 =	vmov s2;
	p2 =	slt.s32 s4, s26  }
0xf9: {  	vm1 =	vgt.u32 v2, v0  }
.Ltmp14:
0xfa: {  	(pc) =	sbr.rel @p2 .LBB3_6-.Ltmp14, $3  }
0xfb: {  	_ =	sdelay $0x1  }
0xfc: {  	v1 =	vshll.u32 v1, $0x4  }
0xfd: {  	s24 =	sadd.s32 $0xFFFFFFF0, s24;
	[tilespmem:s0+$0x0] =	vst.msk vm0, v1;
	s0 =	sadd.s32 $0x10, s0;
	vm0 =	vmmov vm1  }
.LBB3_7:
0xfe: {  	_ =	sdelay $0x4  }
0xff: {  	v1 =	vld.msk [tilespmem:s0+$0x0 ss:$0x1], vm1;
	_ =	sdelay $0x4  }
0x100: {  	v1 =	vshll.u32 v1, $0x4  }
0x101: {  	[tilespmem:s0+$0x0] =	vst.msk vm0, v1  }
.LBB3_8:
0x102: {  	s0 =	sand.u32 $0x1, s21  }
0x103: {  	s0 =	smul.u32 $0xF0, s0  }
0x104: {  	p2 =	sne.s32 s30, $0xFFFFFFFF  }
0x105: {  	v1 =	vld.msk @!p2 [tilespmem:s0+$0x10518], $0x1;
	_ =	sdelay $0x4  }
0x106: {  	(v2sf) =	vpush @!p2 v1, $0x0;
	_ =	sdelay $0xc  }
.Ltmp15:
0x107: {  	_ = 	snop;
	(pc) =	sbr.rel @p1 .LBB3_19-.Ltmp15, $4  }
0x108: {  	_ = 	snop  }
0x109: {  	s29 =	spop @!p2 (v2sf)  }
0x10a: {  	s22 =	simm.s32 @!p2 $0x0;
	s24 =	smov.u32 s29  }
0x10b: {  	[sflag:s18] =	ssyncpa.u1 $0x0;
	s29 =	smov.u32 @p2 s28;
	s24 =	smov.u32 @p2 s30  }
0x10c: {  	v1 =	vld.msk [tilespmem:s23+$0x0], $0x1;
	_ =	sdelay $0x4  }
0x10d: {  	(v2sf) =	vpush v1, $0x0;
	_ =	sdelay $0xe  }
0x10e: {  	s2 =	smul.u32 $0x1E000, s25;
	s0 =	spop (v2sf)  }
0x10f: {  	s26 =	ssub.s32 $0x0, s26;
	p1 =	seq.s32 s29, s0  }
0x110: {  	s30 =	sadd.s32 $0x1, s26;
	s2 =	sshrl.u32 s2, $0x2;
	p2 =	sgt.s32 @!p1 s29, $0x0  }
0x111: {  	s25 =	sor.u32 $0x10738, s2;
	s2 =	smov.u32 s29;
	p2 =	por !p2, p1  }
0x112: {  	s2 =	simm.s32 @p2 $0x0;
	p2 =	seq.s32 s30, $0x0  }
.Ltmp16:
0x113: {  	_ = 	snop;
	(pc) =	sbr.rel @p2 .LBB3_11-.Ltmp16, $4  }
0x114: {  	_ = 	snop  }
0x115: {  	s28 =	simm.s32 $0x0;
	s31 =	sadd.s32 $0x1, s23;
	s2 =	smin.u32 @!p1 s2, $0x270F0  }
0x116: {  	s4 =	simm.s32 @!p1 $0x1;
	s5 =	simm.s32 @!p1 $0x7988;
	s3 =	sand.u32 @!p1 $0x3FFF8, s2  }
0x117: {  	s4 =	smov.u32 @p1 s28;
	s2 =	sand.u32 @!p1 $0x7, s2;
	s3 =	sadd.s32 @!p1 s1, s3  }
.LBB3_10:
0x118: {  	s6 =	smov.u32 s4  }
0x119: {  	[tilespmem:s5], [sflag:$0x2] =	stream.linear.gather @!p1 [hbm4b:s3+s2], $0x80, $0x38;
	[tilespmem:$0x1F6F8] =	vst v63  }
0x11a: {  	s30 =	sadd.s32 $0x1, s30;
	s2 =	smov.u32 s0;
	v1 =	vld.msk [tilespmem:s31+$0x0], $0x1  }
0x11b: {  	p2 =	seq.s32 s30, $0x0;
	_ =	sdelay $0x3  }
0x11c: {  	(v2sf) =	vpush v1, $0x0;
	_ =	sdelay $0xe  }
0x11d: {  	s0 =	spop (v2sf)  }
0x11e: {  	p1 =	seq.s32 s2, s0  }
0x11f: {  	p3 =	sgt.s32 @!p1 s2, $0x0;
	s3 =	sshll.u32 @!p1 s4, $0x9;
	s4 =	sadd.s32 @!p1 $0x1, s4  }
.Ltmp17:
0x120: {  	p3 =	por !p3, p1;
	s3 =	sshra.s32 @!p1 s3, $0x2;
	(pc) =	sbr.rel @!p2 .LBB3_10-.Ltmp17, $4  }
0x121: {  	s4 =	smov.u32 @p1 s6;
	s2 =	simm.s32 @p3 $0x0;
	s5 =	sadd.s32 @!p1 $0x7988, s3  }
0x122: {  	s2 =	smin.u32 @!p1 s2, $0x270F0  }
0x123: {  	s3 =	sand.u32 @!p1 $0x3FFF8, s2;
	s2 =	sand.u32 @!p1 $0x7, s2  }
0x124: {  	s31 =	sadd.s32 $0x1, s31;
	s3 =	sadd.s32 @!p1 s1, s3  }
.LBB3_11:
0x125: {  	[tilespmem:s5], [sflag:$0x2] =	stream.linear.gather @!p1 [hbm4b:s3+s2], $0x80, $0x38;
	[tilespmem:$0x1F6F8] =	vst v63  }
.Ltmp18:
0x126: {  	s0 =	sshll.u32 s4, $0x7;
	(pc) =	sbr.rel .LBB3_12-.Ltmp18, $4  }
0x127: {  	s30 =	simm.s32 $0x2;
	s0 =	sand.u32 $0x3FFFFF80, s0  }
0x128: {  	_ =	swait.ge [sflag:s30], s0  }
0x129: {  	s0 =	ssub.s32 $0x0, s0;
	[sflag:s30] =	ssyncset.done $0x0  }
0x12a: {  	s31 =	simm.s32 $0x0;
	[sflag:s30] =	ssyncadd.s32 s0  }
.LBB3_13:
0x12b: {  	v1 =	vld [tilespmem:s25+$0xFFFFFFC0];
	_ =	sdelay $0x3  }
0x12c: {  	s0 =	sshra.s32 s0, $0x2  }
0x12d: {  	[tilespmem:s0+$0x108] =	vst.add.f32.msk $0xffff, v1  }
0x12e: {  	v1 =	vld [tilespmem:s25+$0xFFFFFFD0];
	_ =	sdelay $0x4  }
0x12f: {  	[tilespmem:s0+$0x118] =	vst.add.f32.msk $0xffff, v1  }
0x130: {  	v1 =	vld [tilespmem:s25+$0xFFFFFFE0];
	_ =	sdelay $0x4  }
0x131: {  	[tilespmem:s0+$0x128] =	vst.add.f32.msk $0xffff, v1  }
0x132: {  	v1 =	vld [tilespmem:s25+$0xFFFFFFF0];
	_ =	sdelay $0x4  }
0x133: {  	[tilespmem:s0+$0x138] =	vst.add.f32.msk $0xffff, v1  }
0x134: {  	v1 =	vld [tilespmem:s25+$0x0];
	_ =	sdelay $0x4  }
0x135: {  	[tilespmem:s0+$0x148] =	vst.add.f32.msk $0xffff, v1  }
0x136: {  	v1 =	vld [tilespmem:s25+$0x10];
	_ =	sdelay $0x4  }
0x137: {  	[tilespmem:s0+$0x158] =	vst.add.f32.msk $0xffff, v1  }
0x138: {  	v1 =	vld [tilespmem:s25+$0x20];
	_ =	sdelay $0x4  }
0x139: {  	[tilespmem:s0+$0x168] =	vst.add.f32.msk $0xffff, v1  }
0x13a: {  	v1 =	vld [tilespmem:s25+$0x30];
	_ =	sdelay $0x4  }
0x13b: {  	[tilespmem:s0+$0x178] =	vst.add.f32.msk $0xffff, v1  }
.LBB3_17:
0x13c: {  	s26 =	sadd.s32 $0x1, s26  }
0x13d: {  	p1 =	seq.s32 s26, $0x0  }
.Ltmp19:
0x13e: {  	_ = 	snop;
	(pc) =	sbr.rel @p1 .LBB3_18-.Ltmp19, $2  }
0x13f: {  	_ =	sdelay $0x2  }
0x140: {  	s23 =	sadd.s32 $0x1, s23;
	s25 =	sadd.s32 $0x80, s25;
	s29 =	smov.u32 s30  }
.LBB3_12:
0x141: {  	v1 =	vld.msk [tilespmem:s23+$0x0], $0x1;
	_ =	sdelay $0x4  }
0x142: {  	(v2sf) =	vpush v1, $0x0;
	_ =	sdelay $0xe  }
0x143: {  	s30 =	spop (v2sf)  }
0x144: {  	p1 =	sne.s32 s29, s30  }
.Ltmp20:
0x145: {  	_ = 	snop;
	(pc) =	sbr.rel @!p1 .LBB3_13-.Ltmp20, $2  }
0x146: {  	_ =	sdelay $0x2  }
0x147: {  	s0 =	sshll.u32 s22, $0x9  }
0x148: {  	p1 =	seq.s32 s29, s24  }
.Ltmp21:
0x149: {  	_ = 	snop;
	(pc) =	sbr.rel @!p1 .LBB3_15-.Ltmp21, $1  }
0x14a: {  	_ =	sdelay $0x3  }
0x14b: {  	s0 =	sshra.s32 s0, $0x2  }
.Ltmp22:
0x14c: {  	s0 =	sadd.s32 $0x108, s0;
	(pc) =	sbr.rel .LBB3_16-.Ltmp22, $4  }
0x14d: {  	[spmem:s16] =	stream.linear.scatter [tilespmem:s0], [sflag:$0x1], $0x80, $0x38;
	[tilespmem:$0x1F6F8] =	vst v63  }
0x14e: {  	_ =	swait.ge [sflag:s12], $0x80  }
0x14f: {  	[sflag:s12] =	ssyncset.done $0x0  }
0x150: {  	[sflag:s12] =	ssyncadd.s32 $0xFFFFFF80  }
.LBB3_15:
0x151: {  	s2 =	sshll.u32 s28, $0x9  }
0x152: {  	s2 =	sshra.s32 s2, $0x2  }
0x153: {  	v1 =	vld [tilespmem:s2+$0x7988];
	_ =	sdelay $0x3  }
0x154: {  	s0 =	sshra.s32 s0, $0x2  }
0x155: {  	[tilespmem:s0+$0x108] =	vst.add.f32.msk $0xffff, v1  }
0x156: {  	v1 =	vld [tilespmem:s2+$0x7998];
	_ =	sdelay $0x4  }
0x157: {  	[tilespmem:s0+$0x118] =	vst.add.f32.msk $0xffff, v1  }
0x158: {  	v1 =	vld [tilespmem:s2+$0x79A8];
	_ =	sdelay $0x4  }
0x159: {  	[tilespmem:s0+$0x128] =	vst.add.f32.msk $0xffff, v1  }
0x15a: {  	v1 =	vld [tilespmem:s2+$0x79B8];
	_ =	sdelay $0x4  }
0x15b: {  	[tilespmem:s0+$0x138] =	vst.add.f32.msk $0xffff, v1  }
0x15c: {  	v1 =	vld [tilespmem:s2+$0x79C8];
	_ =	sdelay $0x4  }
0x15d: {  	[tilespmem:s0+$0x148] =	vst.add.f32.msk $0xffff, v1  }
0x15e: {  	v1 =	vld [tilespmem:s2+$0x79D8];
	_ =	sdelay $0x4  }
0x15f: {  	[tilespmem:s0+$0x158] =	vst.add.f32.msk $0xffff, v1  }
0x160: {  	v1 =	vld [tilespmem:s2+$0x79E8];
	_ =	sdelay $0x4  }
0x161: {  	[tilespmem:s0+$0x168] =	vst.add.f32.msk $0xffff, v1  }
0x162: {  	v1 =	vld [tilespmem:s2+$0x79F8];
	_ =	sdelay $0x2  }
0x163: {  	p1 =	sgt.u32 s29, $0x270F0  }
0x164: {  	s2 =	sand.u32 @!p1 $0x3FFF8, s29  }
0x165: {  	s3 =	sadd.s32 $0x108, s0;
	[tilespmem:s0+$0x178] =	vst.add.f32.msk $0xffff, v1;
	s0 =	sadd.s32 @!p1 s1, s2;
	s2 =	sand.u32 @!p1 $0x7, s29  }
0x166: {  	[hbm4b:s0+s2] =	stream.linear.scatter @!p1 [tilespmem:s3], [sflag:$0xC], $0x80, $0x38;
	[tilespmem:$0x1F6F8] =	vst v63  }
0x167: {  	s0 =	simm.s32 $0x0  }
0x168: {  	s0 =	simm.s32 @!p1 $0x200  }
0x169: {  	s31 =	sadd.s32 s0, s31  }
.LBB3_16:
0x16a: {  	s0 =	sadd.s32 $0x1, s22  }
0x16b: {  	s2 =	smulhi.u32 $0x88888889, s0;
	_ =	sdelay $0x1  }
0x16c: {  	v1 =	vld [tilespmem:s25+$0xFFFFFFC0];
	s2 =	sshrl.u32 s2, $0x7  }
0x16d: {  	s2 =	smul.u32 $0xF0, s2;
	_ =	sdelay $0x1  }
0x16e: {  	s22 =	ssub.s32 s0, s2  }
0x16f: {  	s0 =	sshll.u32 s22, $0x7  }
0x170: {  	[tilespmem:s0+$0x108] =	vst v1  }
0x171: {  	v1 =	vld [tilespmem:s25+$0xFFFFFFD0];
	_ =	sdelay $0x4  }
0x172: {  	[tilespmem:s0+$0x118] =	vst v1  }
0x173: {  	v1 =	vld [tilespmem:s25+$0xFFFFFFE0];
	_ =	sdelay $0x4  }
0x174: {  	[tilespmem:s0+$0x128] =	vst v1  }
0x175: {  	v1 =	vld [tilespmem:s25+$0xFFFFFFF0];
	_ =	sdelay $0x4  }
0x176: {  	[tilespmem:s0+$0x138] =	vst v1  }
0x177: {  	v1 =	vld [tilespmem:s25+$0x0];
	_ =	sdelay $0x4  }
0x178: {  	[tilespmem:s0+$0x148] =	vst v1  }
0x179: {  	v1 =	vld [tilespmem:s25+$0x10];
	_ =	sdelay $0x4  }
0x17a: {  	[tilespmem:s0+$0x158] =	vst v1  }
0x17b: {  	v1 =	vld [tilespmem:s25+$0x20];
	_ =	sdelay $0x4  }
0x17c: {  	[tilespmem:s0+$0x168] =	vst v1  }
0x17d: {  	v1 =	vld [tilespmem:s25+$0x30]  }
.Ltmp23:
0x17e: {  	_ = 	snop;
	(pc) =	sbr.rel .LBB3_17-.Ltmp23, $2  }
0x17f: {  	_ =	sdelay $0x2  }
0x180: {  	s28 =	sadd.s32 $0x1, s28;
	[tilespmem:s0+$0x178] =	vst v1  }
.LBB3_19:
.Ltmp24:
0x181: {  	(pc) =	sbr.rel .LBB3_20-.Ltmp24, $4  }
0x182: {  	_ = 	snop  }
0x183: {  	s0 =	simm.s32 $0x2  }
0x184: {  	_ =	swait.ge [sflag:s0], $0x0  }
0x185: {  	s30 =	smov.u32 s29;
	[sflag:s0] =	ssyncset.done $0x0;
	s0 =	simm.s32 $0x0  }
.LBB3_22:
0x186: {  	_ =	sfence.sel $0x180000  }
0x187: {  	s0 =	simm.s32 $0x9;
	[bflag:$0x0] =	sbarrier.arrive $0xFFFF  }
0x188: {  	s24 =	simm.s32 $0xA;
	[sflag:s0] =	ssyncpa.u1 $0x1  }
0x189: {  	s25 =	simm.s32 $0xB;
	[sflag:s24] =	ssyncpa.u1 $0x1  }
0x18a: {  	s26 =	simm.s32 $0x2;
	[sflag:s25] =	ssyncpa.u1 $0x1  }
0x18b: {  	[sflag:s26] =	ssyncpa.u1 $0x1  }
0x18c: {  	v0 =	vld [tilespmem:$0xF208];
	_ =	sdelay $0x4  }
0x18d: {  	(v2sf) =	vpush v0, $0x0  }
0x18e: {  	(v2sf) =	vpush v0, $0x1;
	_ =	sdelay $0x1  }
0x18f: {  	(v2sf) =	vpush v0, $0x2;
	_ =	sdelay $0xb  }
0x190: {  	s0 =	spop (v2sf)  }
0x191: {  	s2 =	spop (v2sf)  }
0x192: {  	s3 =	smov.u32 s0;
	p0 =	sne.s32 s0, s2  }
0x193: {  	s4 =	spop (v2sf);
	s3 =	simm.s32 @!p0 $0xFFFFFFFF  }
0x194: {  	v2 =	vimm.s32 $0x1;
	v3 =	vlaneseq.u32;
	p0 =	seq.s32 s4, $0xFFFFFFFF;
	v1 =	vmov s3  }
0x195: {  	s16 =	stileid.u32;
	v0 =	vperm.xlane v0, v2;
	p1 =	sne.s32 @!p0 s0, s2;
	v1 =	vperm.xlane v1, v3  }
0x196: {  	vm0 =	vcmask $0x3F04;
	s6 =	simm.s32 $0xF208;
	s0 =	simm.s32 @!p0 $0x1;
	p1 =	por !p1, p0  }
0x197: {  	s3 =	sshll.u32 s16, $0x1;
	s2 =	sshll.u32 @!p0 s4, $0x9;
	s0 =	simm.s32 @p1 $0x0;
	v0 =	vsel vm0, v1, v0  }
0x198: {  	s5 =	sor.u32 $0x1000, s3;
	s2 =	sshra.s32 @!p0 s2, $0x2;
	s0 =	sor.u32 @!p0 s0, s3;
	[tilespmem:$0xF208] =	vst v0  }
0x199: {  	[spmem:s5] =	stream.linear.scatter [tilespmem:s6], [sflag:$0x1], $0x2, $0x38;
	[tilespmem:$0x1F6F8] =	vst v63  }
0x19a: {  	s2 =	sadd.s32 @!p0 $0x108, s2;
	s0 =	sshll.u32 @!p0 s0, $0x7  }
0x19b: {  	[spmem:s0] =	stream.linear.scatter @!p0 [tilespmem:s2], [sflag:$0x1], $0x80, $0x38;
	[tilespmem:$0x1F6F8] =	vst v63  }
0x19c: {  	s0 =	simm.s32 @!p0 $0x82  }
0x19d: {  	s28 =	simm.s32 $0x1;
	s0 =	simm.s32 @p0 $0x2  }
0x19e: {  	_ =	swait.ge [sflag:s28], s0  }
0x19f: {  	s0 =	ssub.s32 $0x0, s0;
	[sflag:s28] =	ssyncset.done $0x0  }
0x1a0: {  	p0 =	sne.s32 s16, $0x0;
	[sflag:s28] =	ssyncadd.s32 s0  }
.Ltmp25:
0x1a1: {  	_ =	sfence.stream.spmem;
	(pc) =	sbr.rel @p0 .LBB3_39-.Ltmp25, $4  }
0x1a2: {  	s29 =	simm.s32 $0x3;
	[bflag:$0x0] =	sbarrier.arrive $0xFFFF  }
0x1a3: {  	s30 =	simm.s32 $0x4;
	[sflag:s29] =	ssyncpa.u1 $0x1  }
0x1a4: {  	s31 =	simm.s32 $0x3C;
	[sflag:s30] =	ssyncpa.u1 $0x1  }
0x1a5: {  	s15 =	rddreg [dreg:$0x5];
	[sflag:s31] =	ssyncpa.u1 $0x1  }
0x1a6: {  	_ =	sfence.stream.spmem;
	s0 =	simm.s32 $0x5  }
0x1a7: {  	s2 =	simm.s32 $0x1000;
	s3 =	simm.s32 $0xF218;
	[sflag:s0] =	ssyncpa.u1 $0x0  }
0x1a8: {  	[tilespmem:s3], [sflag:$0x5] =	stream.linear.gather [spmem:s2], $0x20, $0x38;
	[tilespmem:$0x1F6F8] =	vst v63  }
0x1a9: {  	s26 =	simm.s32 $0x0;
	s28 =	simm.s32 $0xF238  }
0x1aa: {  	[tilespmem:s28], [sflag:$0x5] =	stream.linear.gather [spmem:s26], $0x1000, $0x38;
	[tilespmem:$0x1F6F8] =	vst v63  }
0x1ab: {  	_ =	swait.ge [sflag:s0], $0x1020  }
0x1ac: {  	[sflag:s0] =	ssyncset.done $0x0  }
0x1ad: {  	s29 =	simm.s32 $0x0;
	[sflag:s0] =	ssyncadd.s32 $0xFFFFEFE0  }
0x1ae: {  	v0 =	vld.msk [tilespmem:s29+$0xF218], $0x1;
	_ =	sdelay $0x1  }
0x1af: {  	s30 =	simm.s32 $0x1  }
0x1b0: {  	v1 =	vld.msk [tilespmem:s30+$0xF218], $0x1;
	_ =	sdelay $0x1  }
0x1b1: {  	(v2sf) =	vpush v0, $0x0;
	_ =	sdelay $0x2  }
0x1b2: {  	(v2sf) =	vpush v1, $0x0;
	_ =	sdelay $0x2  }
0x1b3: {  	s31 =	simm.s32 $0x2  }
0x1b4: {  	v0 =	vld.msk [tilespmem:s31+$0xF218], $0x1;
	_ =	sdelay $0x2  }
0x1b5: {  	s4 =	simm.s32 $0xFFFFFFFF;
	s5 =	simm.s32 $0xFFFFFFFF;
	s0 =	simm.s32 $0xC  }
.LBB3_24:
0x1b6: {  	s2 =	smov.u32 s5;
	s3 =	smov.u32 s4  }
0x1b7: {  	s4 =	sshra.s32 s0, $0x2;
	p1 =	sne.s32 s0, $0x7C;
	s0 =	sadd.s32 $0x4, s0;
	(v2sf) =	vpush v0, $0x0  }
0x1b8: {  	v0 =	vld.msk [tilespmem:s4+$0xF218], $0x1  }
.Ltmp26:
0x1b9: {  	(pc) =	sbr.rel @p1 .LBB3_24-.Ltmp26, $4  }
0x1ba: {  	s5 =	spop (v2sf)  }
0x1bb: {  	p2 =	sne.s32 s3, $0xFFFFFFFF;
	s4 =	smov.u32 s5  }
0x1bc: {  	p3 =	seq.s32 s5, $0xFFFFFFFF;
	s4 =	smov.u32 @p2 s3  }
0x1bd: {  	s5 =	smov.u32 @p3 s2;
	s4 =	smov.u32 @p3 s3  }
0x1be: {  	(v2sf) =	vpush v0, $0x0;
	_ =	sdelay $0x8  }
0x1bf: {  	s0 =	spop (v2sf)  }
0x1c0: {  	p1 =	sne.s32 s4, $0xFFFFFFFF;
	s2 =	smov.u32 s0  }
0x1c1: {  	s9 =	simm.s32 $0x6;
	p2 =	seq.s32 s0, $0xFFFFFFFF;
	s2 =	smov.u32 @p1 s4  }
0x1c2: {  	s6 =	simm.s32 $0x0;
	s2 =	smov.u32 @p2 s4;
	s3 =	spop (v2sf)  }
0x1c3: {  	s0 =	smov.u32 @p2 s5;
	p1 =	sne.s32 s2, $0xFFFFFFFF;
	s4 =	smov.u32 s3  }
.Ltmp27:
0x1c4: {  	p2 =	seq.s32 s3, $0xFFFFFFFF;
	s4 =	smov.u32 @p1 s2;
	(pc) =	sbr.rel .LBB3_26-.Ltmp27, $4  }
0x1c5: {  	s10 =	simm.s32 $0xF188;
	s4 =	smov.u32 @p2 s2;
	s7 =	spop (v2sf)  }
0x1c6: {  	s11 =	simm.s32 $0x0;
	p1 =	sne.s32 s4, $0xFFFFFFFF;
	s8 =	smov.u32 s7  }
0x1c7: {  	s3 =	smov.u32 @p2 s0;
	p2 =	seq.s32 s7, $0xFFFFFFFF;
	s8 =	smov.u32 @p1 s4  }
0x1c8: {  	[sflag:s9] =	ssyncpa.u1 $0x0;
	s7 =	smov.u32 @p2 s3;
	s8 =	smov.u32 @p2 s4  }
.LBB3_32:
0x1c9: {  	p1 =	sgt.u32 s12, $0x270F0  }
0x1ca: {  	p2 =	seq.s32 @!p1 s12, s8  }
0x1cb: {  	p1 =	por p1, p2  }
0x1cc: {  	p2 =	sne.s32 @!p1 s12, s7  }
0x1cd: {  	p1 =	por p1, !p2  }
0x1ce: {  	s0 =	sshll.u32 @p1 s11, $0x9  }
0x1cf: {  	s0 =	sand.u32 @!p1 $0x3FFF8, s12  }
0x1d0: {  	s2 =	sand.u32 @!p1 $0x7, s12;
	s0 =	sadd.s32 @!p1 s1, s0  }
0x1d1: {  	[tilespmem:s10], [sflag:$0x6] =	stream.linear.gather @!p1 [hbm4b:s0+s2], $0x80, $0x38;
	[tilespmem:$0x1F6F8] =	vst v63  }
0x1d2: {  	_ =	swait.ge @!p1 [sflag:s9], $0x80  }
0x1d3: {  	[sflag:s9] =	ssyncset.done @!p1 $0x0  }
0x1d4: {  	[sflag:s9] =	ssyncadd.s32 @!p1 $0xFFFFFF80  }
0x1d5: {  	v1 =	vld @!p1 [tilespmem:$0xF188];
	_ =	sdelay $0x2  }
0x1d6: {  	s0 =	sshll.u32 @!p1 s11, $0x9  }
0x1d7: {  	s2 =	sshrl.u32 @!p1 s0, $0x2  }
0x1d8: {  	[tilespmem:s2+$0xF238] =	vst.add.f32.msk @!p1 $0xffff, v1  }
0x1d9: {  	v1 =	vld @!p1 [tilespmem:$0xF198];
	_ =	sdelay $0x4  }
0x1da: {  	[tilespmem:s2+$0xF248] =	vst.add.f32.msk @!p1 $0xffff, v1  }
0x1db: {  	v1 =	vld @!p1 [tilespmem:$0xF1A8];
	_ =	sdelay $0x4  }
0x1dc: {  	[tilespmem:s2+$0xF258] =	vst.add.f32.msk @!p1 $0xffff, v1  }
0x1dd: {  	v1 =	vld @!p1 [tilespmem:$0xF1B8];
	_ =	sdelay $0x4  }
0x1de: {  	[tilespmem:s2+$0xF268] =	vst.add.f32.msk @!p1 $0xffff, v1  }
0x1df: {  	v1 =	vld @!p1 [tilespmem:$0xF1C8];
	_ =	sdelay $0x4  }
0x1e0: {  	[tilespmem:s2+$0xF278] =	vst.add.f32.msk @!p1 $0xffff, v1  }
0x1e1: {  	v1 =	vld @!p1 [tilespmem:$0xF1D8];
	_ =	sdelay $0x4  }
0x1e2: {  	[tilespmem:s2+$0xF288] =	vst.add.f32.msk @!p1 $0xffff, v1  }
0x1e3: {  	v1 =	vld @!p1 [tilespmem:$0xF1E8];
	_ =	sdelay $0x4  }
0x1e4: {  	[tilespmem:s2+$0xF298] =	vst.add.f32.msk @!p1 $0xffff, v1  }
0x1e5: {  	v1 =	vld @!p1 [tilespmem:$0xF1F8];
	_ =	sdelay $0x4  }
0x1e6: {  	[tilespmem:s2+$0xF2A8] =	vst.add.f32.msk @!p1 $0xffff, v1  }
0x1e7: {  	s0 =	sshrl.u32 s0, $0x2;
	[tilespmem:s6+$0xF218] =	vst.msk $0x1, v0  }
0x1e8: {  	v0 =	vld [tilespmem:s0+$0xF238];
	_ =	sdelay $0x2  }
0x1e9: {  	s31 =	sshll.u32 s6, $0x9  }
0x1ea: {  	s2 =	sshra.s32 s31, $0x2  }
0x1eb: {  	[tilespmem:s2+$0xF238] =	vst v0  }
0x1ec: {  	v0 =	vld [tilespmem:s0+$0xF248];
	_ =	sdelay $0x4  }
0x1ed: {  	[tilespmem:s2+$0xF248] =	vst v0  }
0x1ee: {  	v0 =	vld [tilespmem:s0+$0xF258];
	_ =	sdelay $0x4  }
0x1ef: {  	[tilespmem:s2+$0xF258] =	vst v0  }
0x1f0: {  	v0 =	vld [tilespmem:s0+$0xF268];
	_ =	sdelay $0x4  }
0x1f1: {  	[tilespmem:s2+$0xF268] =	vst v0  }
0x1f2: {  	v0 =	vld [tilespmem:s0+$0xF278];
	_ =	sdelay $0x4  }
0x1f3: {  	[tilespmem:s2+$0xF278] =	vst v0  }
0x1f4: {  	v0 =	vld [tilespmem:s0+$0xF288];
	_ =	sdelay $0x4  }
0x1f5: {  	[tilespmem:s2+$0xF288] =	vst v0  }
0x1f6: {  	v0 =	vld [tilespmem:s0+$0xF298];
	_ =	sdelay $0x4  }
0x1f7: {  	[tilespmem:s2+$0xF298] =	vst v0  }
0x1f8: {  	v0 =	vld [tilespmem:s0+$0xF2A8];
	_ =	sdelay $0x4  }
0x1f9: {  	s6 =	sadd.s32 $0x1, s6;
	[tilespmem:s2+$0xF2A8] =	vst v0  }
.LBB3_33:
0x1fa: {  	s11 =	sadd.s32 $0x1, s11  }
0x1fb: {  	p1 =	sne.s32 s11, $0x20  }
.Ltmp28:
0x1fc: {  	_ = 	snop;
	(pc) =	sbr.rel @!p1 .LBB3_34-.Ltmp28, $1  }
0x1fd: {  	_ =	sdelay $0x3  }
.LBB3_26:
0x1fe: {  	v0 =	vld.msk [tilespmem:s11+$0xF218], $0x1;
	_ =	sdelay $0x4  }
0x1ff: {  	(v2sf) =	vpush v0, $0x0;
	_ =	sdelay $0xe  }
0x200: {  	s12 =	spop (v2sf)  }
0x201: {  	p1 =	seq.s32 s12, $0xFFFFFFFF  }
.Ltmp29:
0x202: {  	_ = 	snop;
	(pc) =	sbr.rel @p1 .LBB3_33-.Ltmp29, $1  }
0x203: {  	_ =	sdelay $0x3  }
0x204: {  	p1 =	slt.s32 s6, $0x1  }
.Ltmp30:
0x205: {  	_ = 	snop;
	(pc) =	sbr.rel @p1 .LBB3_32-.Ltmp30, $1  }
0x206: {  	_ =	sdelay $0x3  }
0x207: {  	s13 =	simm.s32 $0xF218;
	p1 =	por $0x0, $0x0  }
0x208: {  	v1 =	vld.msk @!p1 [tilespmem:s13+$0x0], $0x1;
	_ =	sdelay $0x4  }
0x209: {  	(v2sf) =	vpush @!p1 v1, $0x0;
	_ =	sdelay $0xd  }
0x20a: {  	p3 =	sne.s32 s6, $0x1  }
.Ltmp31:
0x20b: {  	s0 =	spop @!p1 (v2sf);
	(pc) =	sbr.rel @!p3 .LBB3_30-.Ltmp31, $4  }
0x20c: {  	p2 =	seq.s32 @!p1 s12, s0  }
0x20d: {  	s14 =	simm.s32 $0x0;
	p2 =	por !p2, p1  }
0x20e: {  	s2 =	simm.s32 $0xFFFFFFFF;
	s14 =	simm.s32 @p2 $0xFFFFFFFF  }
0x20f: {  	s0 =	simm.s32 $0x1;
	s14 =	smov.u32 @p1 s2  }
.LBB3_29:
0x210: {  	s2 =	smov.u32 s14;
	p1 =	sne.s32 s14, $0xFFFFFFFF  }
0x211: {  	s13 =	sadd.s32 $0x1, s13;
	s14 =	smov.u32 s0;
	s0 =	sadd.s32 $0x1, s0  }
0x212: {  	p2 =	sne.s32 s6, s0;
	v1 =	vld.msk @!p1 [tilespmem:s13+$0x0], $0x1;
	_ =	sdelay $0x4  }
0x213: {  	(v2sf) =	vpush @!p1 v1, $0x0;
	_ =	sdelay $0xe  }
.Ltmp32:
0x214: {  	s3 =	spop @!p1 (v2sf);
	(pc) =	sbr.rel @p2 .LBB3_29-.Ltmp32, $4  }
0x215: {  	p3 =	seq.s32 @!p1 s12, s3  }
0x216: {  	p3 =	por !p3, p1  }
0x217: {  	s14 =	simm.s32 @p3 $0xFFFFFFFF  }
0x218: {  	s14 =	smov.u32 @p1 s2  }
.LBB3_30:
0x219: {  	p1 =	seq.s32 s14, $0xFFFFFFFF  }
.Ltmp33:
0x21a: {  	_ = 	snop;
	(pc) =	sbr.rel @p1 .LBB3_32-.Ltmp33, $1  }
0x21b: {  	_ =	sdelay $0x3  }
0x21c: {  	s0 =	sshll.u32 s11, $0x7  }
0x21d: {  	s0 =	sand.u32 $0x3FFFFF80, s0  }
0x21e: {  	v0 =	vld [tilespmem:s0+$0xF238];
	_ =	sdelay $0x2  }
0x21f: {  	s2 =	sshll.u32 s14, $0x9  }
0x220: {  	s2 =	sshra.s32 s2, $0x2  }
0x221: {  	[tilespmem:s2+$0xF238] =	vst.add.f32.msk $0xffff, v0  }
0x222: {  	v0 =	vld [tilespmem:s0+$0xF248];
	_ =	sdelay $0x4  }
0x223: {  	[tilespmem:s2+$0xF248] =	vst.add.f32.msk $0xffff, v0  }
0x224: {  	v0 =	vld [tilespmem:s0+$0xF258];
	_ =	sdelay $0x4  }
0x225: {  	[tilespmem:s2+$0xF258] =	vst.add.f32.msk $0xffff, v0  }
0x226: {  	v0 =	vld [tilespmem:s0+$0xF268];
	_ =	sdelay $0x4  }
0x227: {  	[tilespmem:s2+$0xF268] =	vst.add.f32.msk $0xffff, v0  }
0x228: {  	v0 =	vld [tilespmem:s0+$0xF278];
	_ =	sdelay $0x4  }
0x229: {  	[tilespmem:s2+$0xF278] =	vst.add.f32.msk $0xffff, v0  }
0x22a: {  	v0 =	vld [tilespmem:s0+$0xF288];
	_ =	sdelay $0x4  }
0x22b: {  	[tilespmem:s2+$0xF288] =	vst.add.f32.msk $0xffff, v0  }
0x22c: {  	v0 =	vld [tilespmem:s0+$0xF298];
	_ =	sdelay $0x4  }
0x22d: {  	[tilespmem:s2+$0xF298] =	vst.add.f32.msk $0xffff, v0  }
0x22e: {  	v0 =	vld [tilespmem:s0+$0xF2A8]  }
.Ltmp34:
0x22f: {  	_ = 	snop;
	(pc) =	sbr.rel .LBB3_33-.Ltmp34, $2  }
0x230: {  	_ =	sdelay $0x2  }
0x231: {  	[tilespmem:s2+$0xF2A8] =	vst.add.f32.msk $0xffff, v0  }
.LBB3_34:
0x232: {  	s0 =	simm.s32 $0x6;
	p1 =	seq.s32 s6, $0x0  }
0x233: {  	[sflag:s0] =	ssyncpa.u1 $0x1;
	v0 =	vimm.s32 @p1 $0xFFFFFFFF  }
0x234: {  	s9 =	sadd.s32 $0xFFFFFFFF, s6;
	[tilespmem:$0x10238] =	vst @p1 v0  }
0x235: {  	v0 =	vld.msk @!p1 [tilespmem:s9+$0xF218], $0x1;
	_ =	sdelay $0x1  }
0x236: {  	v1 =	vld.msk @!p1 [tilespmem:$0xF218], $0x1;
	_ =	sdelay $0x2  }
0x237: {  	p2 =	seq.s32 @!p1 s9, $0x0;
	v0 =	vbroadcast @!p1 v0, $0x0  }
0x238: {  	vm0 =	vmmov @!p1 $0x1;
	p2 =	por !p2, p1  }
0x239: {  	v1 =	vnsel @!p1 vm0, $0xFFFFFFFF, v1;
	vm0 =	vcmask @!p1 $0x308;
	v0 =	vpsel !p2, $0xFFFFFFFF, v0  }
0x23a: {  	p2 =	sne.s32 @!p1 s8, s7;
	v0 =	vsel @!p1 vm0, v1, v0  }
0x23b: {  	s0 =	simm.s32 @!p1 $0xF238;
	s2 =	simm.s32 @!p1 $0x0;
	p3 =	por !p2, p1;
	[tilespmem:$0x10238] =	vst @!p1 v0  }
0x23c: {  	[spmem:s2] =	stream.linear.scatter @!p1 [tilespmem:s0], [sflag:$0x1], $0x80, $0x38;
	[tilespmem:$0x1F6F8] =	vst v63  }
0x23d: {  	s0 =	sshll.u32 @!p3 s9, $0x9  }
0x23e: {  	s0 =	sshra.s32 @!p3 s0, $0x2  }
0x23f: {  	s2 =	simm.s32 @!p3 $0x80;
	s0 =	sadd.s32 @!p3 $0xF238, s0  }
0x240: {  	[spmem:s2] =	stream.linear.scatter @!p3 [tilespmem:s0], [sflag:$0x1], $0x80, $0x38;
	[tilespmem:$0x1F6F8] =	vst v63  }
0x241: {  	s0 =	simm.s32 @!p3 $0x1  }
0x242: {  	_ =	swait.ge @!p3 [sflag:s0], $0x100  }
0x243: {  	p1 =	por p2, p1;
	[sflag:s0] =	ssyncset.done @!p3 $0x0  }
0x244: {  	[sflag:s0] =	ssyncadd.s32 @!p3 $0xFFFFFF00;
	s0 =	simm.s32 @!p1 $0x1  }
0x245: {  	_ =	swait.ge @!p1 [sflag:s0], $0x80  }
0x246: {  	s29 =	simm.s32 $0x10238;
	[sflag:s0] =	ssyncset.done @!p1 $0x0  }
0x247: {  	s30 =	simm.s32 $0x1000;
	s31 =	simm.s32 $0x1;
	[sflag:s0] =	ssyncadd.s32 @!p1 $0xFFFFFF80  }
0x248: {  	[spmem:s30] =	stream.linear.scatter [tilespmem:s29], [sflag:$0x1], $0x10, $0x38;
	[tilespmem:$0x1F6F8] =	vst v63  }
0x249: {  	_ =	swait.ge [sflag:s31], $0x10  }
0x24a: {  	[sflag:s31] =	ssyncset.done $0x0  }
0x24b: {  	p1 =	seq.s32 s15, $0x0;
	s8 =	rddreg [dreg:$0x2];
	[sflag:s31] =	ssyncadd.s32 $0xFFFFFFF0  }
0x24c: {  	s2 =	sshll.u32 @p1 s8, $0xE;
	s7 =	rddreg [dreg:$0x3]  }
0x24d: {  	s0 =	sadd.s32 @p1 $0x15C3C, s2;
	s2 =	sshll.u32 @p1 s7, $0x11  }
0x24e: {  	_ =	sfence.stream.spmem;
	s0 =	sor.u32 @p1 s2, s0  }
0x24f: {  	[sflag:s0] =	ssyncadd.remote.s32 @p1 $0x1;
	s0 =	simm.s32 @p1 $0x4  }
0x250: {  	s3 =	simm.s32 @!p1 $0x3C;
	s2 =	sand.u32 $0xFFFFFFFE, s8;
	_ =	swait.ge @p1 [sflag:s0], $0x22  }
0x251: {  	s4 =	simm.s32 @!p1 $0x0;
	s2 =	sadd.s32 @!p1 $0x4, s2;
	[sflag:s0] =	ssyncset.done @p1 $0x0  }
0x252: {  	s5 =	simm.s32 @!p1 $0x100;
	[sflag:s0] =	ssyncadd.s32 @p1 $0xFFFFFFDE;
	s0 =	sshll.u32 @!p1 s2, $0x1A  }
0x253: {  	s2 =	sshll.u32 @!p1 s2, $0xD;
	s0 =	sor.u32 @!p1 s0, s7;
	_ =	swait.eq @!p1 [sflag:s3], $0x1  }
0x254: {  	s2 =	sor.u32 @!p1 $0x1C04, s2;
	s3 =	simm.s32 @!p1 $0x1C03;
	s0 =	sor.u32 @!p1 $0x80004000, s0  }
0x255: {  	[spmem:s5], [sflag:s2] =	dma.general @!p1 [spmem:s4], [sflag:s3], length:$0x20, [dreg:$0x0], stride_count:$0x0, ici_dest:s0, dma_misc:DstOpCode:WRITE  }
0x256: {  	p2 =	slt.s32 s9, $0x2;
	s4 =	simm.s32 @!p1 $0x200;
	s5 =	simm.s32 @!p1 $0x202  }
0x257: {  	[spmem:s5], [sflag:s2] =	dma.general @!p1 [spmem:s4], [sflag:s3], length:$0x2, [dreg:$0x0], stride_count:$0x0, ici_dest:s0, dma_misc:DstOpCode:WRITE  }
.Ltmp35:
0x258: {  	s0 =	simm.s32 @!p1 $0x3;
	(pc) =	sbr.rel @p2 .LBB3_38-.Ltmp35, $4  }
0x259: {  	s2 =	sshll.u32 @!p1 s8, $0xE;
	_ =	swait.ge @!p1 [sflag:s0], $0x22  }
0x25a: {  	s3 =	sshll.u32 @!p1 s7, $0x11;
	s2 =	sadd.s32 @!p1 $0x11C3C, s2;
	[sflag:s0] =	ssyncset.done @!p1 $0x0  }
0x25b: {  	[sflag:s0] =	ssyncadd.s32 @!p1 $0xFFFFFFDE;
	s0 =	sor.u32 @!p1 s3, s2  }
0x25c: {  	[sflag:s0] =	ssyncadd.remote.s32 @!p1 $0xFFFFFFFF;
	s0 =	simm.s32 $0x0  }
0x25d: {  	s0 =	simm.s32 $0xF219  }
0x25e: {  	v0 =	vld.msk [tilespmem:s0+$0x0], $0x1;
	_ =	sdelay $0x4  }
0x25f: {  	(v2sf) =	vpush v0, $0x0;
	_ =	sdelay $0xb  }
0x260: {  	s31 =	sadd.s32 $0xFFFFFFFE, s6  }
0x261: {  	s0 =	sadd.s32 $0xFFFFFFFF, s31  }
0x262: {  	p2 =	sne.s32 s0, $0x0  }
.Ltmp36:
0x263: {  	s2 =	spop (v2sf);
	(pc) =	sbr.rel @!p2 .LBB3_37-.Ltmp36, $4  }
0x264: {  	s4 =	simm.s32 $0xF2B8;
	s7 =	simm.s32 $0x0;
	p1 =	sgt.u32 s2, $0x270F0  }
0x265: {  	s5 =	simm.s32 $0x0;
	s6 =	simm.s32 $0xF21A;
	s3 =	sand.u32 @!p1 $0x3FFF8, s2  }
0x266: {  	s2 =	sand.u32 @!p1 $0x7, s2;
	s7 =	simm.s32 @!p1 $0x200;
	s3 =	sadd.s32 @!p1 s1, s3  }
0x267: {  	[hbm4b:s3+s2] =	stream.linear.scatter @!p1 [tilespmem:s4], [sflag:$0x5], $0x80, $0x38;
	[tilespmem:$0x1F6F8] =	vst v63  }
.LBB3_36:
0x268: {  	v0 =	vld.msk [tilespmem:s6+$0x0], $0x1;
	s0 =	sadd.s32 $0xFFFFFFFF, s0;
	s5 =	sadd.s32 s5, s7  }
0x269: {  	p1 =	sne.s32 s0, $0x0;
	_ =	sdelay $0x3  }
0x26a: {  	(v2sf) =	vpush v0, $0x0;
	_ =	sdelay $0xe  }
.Ltmp37:
0x26b: {  	s2 =	spop (v2sf);
	(pc) =	sbr.rel @p1 .LBB3_36-.Ltmp37, $4  }
0x26c: {  	s7 =	simm.s32 $0x0;
	p2 =	sgt.u32 s2, $0x270F0  }
0x26d: {  	s4 =	sadd.s32 $0x80, s4;
	s7 =	simm.s32 @!p2 $0x200;
	s3 =	sand.u32 @!p2 $0x3FFF8, s2  }
0x26e: {  	s6 =	sadd.s32 $0x1, s6;
	s2 =	sand.u32 @!p2 $0x7, s2;
	s3 =	sadd.s32 @!p2 s1, s3  }
0x26f: {  	[hbm4b:s3+s2] =	stream.linear.scatter @!p2 [tilespmem:s4], [sflag:$0x5], $0x80, $0x38;
	[tilespmem:$0x1F6F8] =	vst v63  }
.LBB3_37:
0x270: {  	s0 =	sadd.s32 s5, s7  }
0x271: {  	s0 =	sshrl.u32 s0, $0x2  }
.LBB3_38:
0x272: {  	s2 =	simm.s32 $0x5  }
0x273: {  	_ =	swait.ge [sflag:s2], s0  }
0x274: {  	s31 =	ssub.s32 $0x0, s0;
	[sflag:s2] =	ssyncset.done $0x0  }
0x275: {  	[sflag:s2] =	ssyncadd.s32 s31  }
0x276: {  	[sflag:s2] =	ssyncpa.u1 $0x1  }
.LBB3_39:
0x277: {  	s0 =	sor.u32 s15, s16  }
0x278: {  	p1 =	sne.s32 s0, $0x0  }
.Ltmp38:
0x279: {  	_ = 	snop;
	(pc) =	sbr.rel @p1 .LBB3_54-.Ltmp38, $3  }
0x27a: {  	_ =	sdelay $0x1  }
0x27b: {  	[bflag:$0x0] =	sbarrier.arrive $0xFFFF  }
0x27c: {  	_ =	sfence  }
0x27d: {  	s0 =	simm.s32 $0x7  }
0x27e: {  	s2 =	simm.s32 $0x1000;
	s3 =	simm.s32 $0xF218;
	[sflag:s0] =	ssyncpa.u1 $0x0  }
0x27f: {  	[tilespmem:s3], [sflag:$0x7] =	stream.linear.gather [spmem:s2], $0x20, $0x38;
	[tilespmem:$0x1F6F8] =	vst v63  }
0x280: {  	s30 =	simm.s32 $0xF238;
	s2 =	simm.s32 $0x0  }
0x281: {  	[tilespmem:s30], [sflag:$0x7] =	stream.linear.gather [spmem:s2], $0x1000, $0x38;
	[tilespmem:$0x1F6F8] =	vst v63  }
.Ltmp39:
0x282: {  	_ = 	snop;
	(pc) =	sbr.rel .LBB3_41-.Ltmp39, $4  }
0x283: {  	_ =	swait.ge [sflag:s0], $0x1020  }
0x284: {  	[sflag:s0] =	ssyncset.done $0x0  }
0x285: {  	s31 =	simm.s32 $0x8;
	[sflag:s0] =	ssyncadd.s32 $0xFFFFEFE0  }
0x286: {  	s3 =	simm.s32 $0x0;
	[sflag:s31] =	ssyncpa.u1 $0x0  }
.LBB3_47:
0x287: {  	p1 =	slt.u32 s4, $0x270F1  }
0x288: {  	s0 =	sand.u32 @p1 $0x3FFF8, s4  }
0x289: {  	s4 =	sand.u32 @p1 $0x7, s4;
	s5 =	simm.s32 @p1 $0xF188;
	s0 =	sadd.s32 @p1 s1, s0  }
0x28a: {  	[tilespmem:s5], [sflag:$0x8] =	stream.linear.gather @p1 [hbm4b:s0+s4], $0x80, $0x38;
	[tilespmem:$0x1F6F8] =	vst v63  }
0x28b: {  	s0 =	simm.s32 @p1 $0x8  }
0x28c: {  	_ =	swait.ge @p1 [sflag:s0], $0x80  }
0x28d: {  	[sflag:s0] =	ssyncset.done @p1 $0x0  }
0x28e: {  	[sflag:s0] =	ssyncadd.s32 @p1 $0xFFFFFF80  }
0x28f: {  	v1 =	vld @p1 [tilespmem:$0xF188];
	_ =	sdelay $0x2  }
0x290: {  	s0 =	sshll.u32 @p1 s3, $0x9  }
0x291: {  	s4 =	sshrl.u32 @p1 s0, $0x2  }
0x292: {  	[tilespmem:s4+$0xF238] =	vst.add.f32.msk @p1 $0xffff, v1  }
0x293: {  	v1 =	vld @p1 [tilespmem:$0xF198];
	_ =	sdelay $0x4  }
0x294: {  	[tilespmem:s4+$0xF248] =	vst.add.f32.msk @p1 $0xffff, v1  }
0x295: {  	v1 =	vld @p1 [tilespmem:$0xF1A8];
	_ =	sdelay $0x4  }
0x296: {  	[tilespmem:s4+$0xF258] =	vst.add.f32.msk @p1 $0xffff, v1  }
0x297: {  	v1 =	vld @p1 [tilespmem:$0xF1B8];
	_ =	sdelay $0x4  }
0x298: {  	[tilespmem:s4+$0xF268] =	vst.add.f32.msk @p1 $0xffff, v1  }
0x299: {  	v1 =	vld @p1 [tilespmem:$0xF1C8];
	_ =	sdelay $0x4  }
0x29a: {  	[tilespmem:s4+$0xF278] =	vst.add.f32.msk @p1 $0xffff, v1  }
0x29b: {  	v1 =	vld @p1 [tilespmem:$0xF1D8];
	_ =	sdelay $0x4  }
0x29c: {  	[tilespmem:s4+$0xF288] =	vst.add.f32.msk @p1 $0xffff, v1  }
0x29d: {  	v1 =	vld @p1 [tilespmem:$0xF1E8];
	_ =	sdelay $0x4  }
0x29e: {  	[tilespmem:s4+$0xF298] =	vst.add.f32.msk @p1 $0xffff, v1  }
0x29f: {  	v1 =	vld @p1 [tilespmem:$0xF1F8];
	_ =	sdelay $0x3  }
0x2a0: {  	s5 =	sshll.u32 @!p1 s3, $0x9  }
0x2a1: {  	s5 =	smov.u32 @p1 s0;
	[tilespmem:s4+$0xF2A8] =	vst.add.f32.msk @p1 $0xffff, v1  }
0x2a2: {  	s0 =	sshrl.u32 s5, $0x2;
	[tilespmem:s2+$0xF218] =	vst.msk $0x1, v0  }
0x2a3: {  	v0 =	vld [tilespmem:s0+$0xF238];
	_ =	sdelay $0x2  }
0x2a4: {  	s31 =	sshll.u32 s2, $0x9  }
0x2a5: {  	s4 =	sshra.s32 s31, $0x2  }
0x2a6: {  	[tilespmem:s4+$0xF238] =	vst v0  }
0x2a7: {  	v0 =	vld [tilespmem:s0+$0xF248];
	_ =	sdelay $0x4  }
0x2a8: {  	[tilespmem:s4+$0xF248] =	vst v0  }
0x2a9: {  	v0 =	vld [tilespmem:s0+$0xF258];
	_ =	sdelay $0x4  }
0x2aa: {  	[tilespmem:s4+$0xF258] =	vst v0  }
0x2ab: {  	v0 =	vld [tilespmem:s0+$0xF268];
	_ =	sdelay $0x4  }
0x2ac: {  	[tilespmem:s4+$0xF268] =	vst v0  }
0x2ad: {  	v0 =	vld [tilespmem:s0+$0xF278];
	_ =	sdelay $0x4  }
0x2ae: {  	[tilespmem:s4+$0xF278] =	vst v0  }
0x2af: {  	v0 =	vld [tilespmem:s0+$0xF288];
	_ =	sdelay $0x4  }
0x2b0: {  	[tilespmem:s4+$0xF288] =	vst v0  }
0x2b1: {  	v0 =	vld [tilespmem:s0+$0xF298];
	_ =	sdelay $0x4  }
0x2b2: {  	[tilespmem:s4+$0xF298] =	vst v0  }
0x2b3: {  	v0 =	vld [tilespmem:s0+$0xF2A8];
	_ =	sdelay $0x4  }
0x2b4: {  	s2 =	sadd.s32 $0x1, s2;
	[tilespmem:s4+$0xF2A8] =	vst v0  }
.LBB3_48:
0x2b5: {  	s3 =	sadd.s32 $0x1, s3  }
0x2b6: {  	p1 =	sne.s32 s3, $0x20  }
.Ltmp40:
0x2b7: {  	_ = 	snop;
	(pc) =	sbr.rel @!p1 .LBB3_49-.Ltmp40, $1  }
0x2b8: {  	_ =	sdelay $0x3  }
.LBB3_41:
0x2b9: {  	v0 =	vld.msk [tilespmem:s3+$0xF218], $0x1;
	_ =	sdelay $0x4  }
0x2ba: {  	(v2sf) =	vpush v0, $0x0;
	_ =	sdelay $0xe  }
0x2bb: {  	s4 =	spop (v2sf)  }
0x2bc: {  	p1 =	seq.s32 s4, $0xFFFFFFFF  }
.Ltmp41:
0x2bd: {  	_ = 	snop;
	(pc) =	sbr.rel @p1 .LBB3_48-.Ltmp41, $1  }
0x2be: {  	_ =	sdelay $0x3  }
0x2bf: {  	p1 =	slt.s32 s2, $0x1  }
.Ltmp42:
0x2c0: {  	_ = 	snop;
	(pc) =	sbr.rel @p1 .LBB3_47-.Ltmp42, $1  }
0x2c1: {  	_ =	sdelay $0x3  }
0x2c2: {  	s5 =	simm.s32 $0xF218;
	p1 =	por $0x0, $0x0  }
0x2c3: {  	v1 =	vld.msk @!p1 [tilespmem:s5+$0x0], $0x1;
	_ =	sdelay $0x4  }
0x2c4: {  	(v2sf) =	vpush @!p1 v1, $0x0;
	_ =	sdelay $0xd  }
0x2c5: {  	p3 =	sne.s32 s2, $0x1  }
.Ltmp43:
0x2c6: {  	s0 =	spop @!p1 (v2sf);
	(pc) =	sbr.rel @!p3 .LBB3_45-.Ltmp43, $4  }
0x2c7: {  	p2 =	seq.s32 @!p1 s4, s0  }
0x2c8: {  	s6 =	simm.s32 $0x0;
	p2 =	por !p2, p1  }
0x2c9: {  	s7 =	simm.s32 $0xFFFFFFFF;
	s6 =	simm.s32 @p2 $0xFFFFFFFF  }
0x2ca: {  	s0 =	simm.s32 $0x1;
	s6 =	smov.u32 @p1 s7  }
.LBB3_44:
0x2cb: {  	s7 =	smov.u32 s6;
	p1 =	sne.s32 s6, $0xFFFFFFFF  }
0x2cc: {  	s5 =	sadd.s32 $0x1, s5;
	s6 =	smov.u32 s0;
	s0 =	sadd.s32 $0x1, s0  }
0x2cd: {  	p2 =	sne.s32 s2, s0;
	v1 =	vld.msk @!p1 [tilespmem:s5+$0x0], $0x1;
	_ =	sdelay $0x4  }
0x2ce: {  	(v2sf) =	vpush @!p1 v1, $0x0;
	_ =	sdelay $0xe  }
.Ltmp44:
0x2cf: {  	s8 =	spop @!p1 (v2sf);
	(pc) =	sbr.rel @p2 .LBB3_44-.Ltmp44, $4  }
0x2d0: {  	p3 =	seq.s32 @!p1 s4, s8  }
0x2d1: {  	p3 =	por !p3, p1  }
0x2d2: {  	s6 =	simm.s32 @p3 $0xFFFFFFFF  }
0x2d3: {  	s6 =	smov.u32 @p1 s7  }
.LBB3_45:
0x2d4: {  	p1 =	seq.s32 s6, $0xFFFFFFFF  }
.Ltmp45:
0x2d5: {  	_ = 	snop;
	(pc) =	sbr.rel @p1 .LBB3_47-.Ltmp45, $1  }
0x2d6: {  	_ =	sdelay $0x3  }
0x2d7: {  	s0 =	sshll.u32 s3, $0x7  }
0x2d8: {  	s0 =	sand.u32 $0x3FFFFF80, s0  }
0x2d9: {  	v0 =	vld [tilespmem:s0+$0xF238];
	_ =	sdelay $0x2  }
0x2da: {  	s4 =	sshll.u32 s6, $0x9  }
0x2db: {  	s4 =	sshra.s32 s4, $0x2  }
0x2dc: {  	[tilespmem:s4+$0xF238] =	vst.add.f32.msk $0xffff, v0  }
0x2dd: {  	v0 =	vld [tilespmem:s0+$0xF248];
	_ =	sdelay $0x4  }
0x2de: {  	[tilespmem:s4+$0xF248] =	vst.add.f32.msk $0xffff, v0  }
0x2df: {  	v0 =	vld [tilespmem:s0+$0xF258];
	_ =	sdelay $0x4  }
0x2e0: {  	[tilespmem:s4+$0xF258] =	vst.add.f32.msk $0xffff, v0  }
0x2e1: {  	v0 =	vld [tilespmem:s0+$0xF268];
	_ =	sdelay $0x4  }
0x2e2: {  	[tilespmem:s4+$0xF268] =	vst.add.f32.msk $0xffff, v0  }
0x2e3: {  	v0 =	vld [tilespmem:s0+$0xF278];
	_ =	sdelay $0x4  }
0x2e4: {  	[tilespmem:s4+$0xF278] =	vst.add.f32.msk $0xffff, v0  }
0x2e5: {  	v0 =	vld [tilespmem:s0+$0xF288];
	_ =	sdelay $0x4  }
0x2e6: {  	[tilespmem:s4+$0xF288] =	vst.add.f32.msk $0xffff, v0  }
0x2e7: {  	v0 =	vld [tilespmem:s0+$0xF298];
	_ =	sdelay $0x4  }
0x2e8: {  	[tilespmem:s4+$0xF298] =	vst.add.f32.msk $0xffff, v0  }
0x2e9: {  	v0 =	vld [tilespmem:s0+$0xF2A8]  }
.Ltmp46:
0x2ea: {  	_ = 	snop;
	(pc) =	sbr.rel .LBB3_48-.Ltmp46, $2  }
0x2eb: {  	_ =	sdelay $0x2  }
0x2ec: {  	[tilespmem:s4+$0xF2A8] =	vst.add.f32.msk $0xffff, v0  }
.LBB3_49:
0x2ed: {  	p1 =	slt.s32 s2, $0x1  }
.Ltmp47:
0x2ee: {  	_ = 	snop;
	(pc) =	sbr.rel @p1 .LBB3_53-.Ltmp47, $3  }
0x2ef: {  	_ =	sdelay $0x1  }
0x2f0: {  	s0 =	simm.s32 $0x8  }
0x2f1: {  	s3 =	simm.s32 $0x0;
	[sflag:s0] =	ssyncpa.u1 $0x1  }
0x2f2: {  	s0 =	simm.s32 $0xF218  }
0x2f3: {  	v0 =	vld.msk [tilespmem:s0+$0x0], $0x1;
	_ =	sdelay $0x4  }
0x2f4: {  	(v2sf) =	vpush v0, $0x0;
	_ =	sdelay $0xe  }
0x2f5: {  	s0 =	sadd.s32 $0xFFFFFFFF, s2;
	s5 =	spop (v2sf)  }
0x2f6: {  	p2 =	sne.s32 s0, $0x0;
	p1 =	sgt.u32 s5, $0x270F0  }
.Ltmp48:
0x2f7: {  	s6 =	sand.u32 @!p1 $0x3FFF8, s5;
	(pc) =	sbr.rel @!p2 .LBB3_52-.Ltmp48, $4  }
0x2f8: {  	s4 =	simm.s32 $0xF238;
	s5 =	sand.u32 @!p1 $0x7, s5;
	s2 =	sadd.s32 @!p1 s1, s6  }
0x2f9: {  	[hbm4b:s2+s5] =	stream.linear.scatter @!p1 [tilespmem:s4], [sflag:$0x7], $0x80, $0x38;
	[tilespmem:$0x1F6F8] =	vst v63  }
0x2fa: {  	s5 =	simm.s32 $0x0  }
0x2fb: {  	s2 =	simm.s32 $0xF219;
	s5 =	simm.s32 @!p1 $0x200  }
.LBB3_51:
0x2fc: {  	v0 =	vld.msk [tilespmem:s2+$0x0], $0x1;
	s0 =	sadd.s32 $0xFFFFFFFF, s0;
	s3 =	sadd.s32 s3, s5  }
0x2fd: {  	p1 =	sne.s32 s0, $0x0;
	_ =	sdelay $0x3  }
0x2fe: {  	(v2sf) =	vpush v0, $0x0;
	_ =	sdelay $0xe  }
.Ltmp49:
0x2ff: {  	s6 =	spop (v2sf);
	(pc) =	sbr.rel @p1 .LBB3_51-.Ltmp49, $4  }
0x300: {  	s5 =	simm.s32 $0x0;
	p2 =	sgt.u32 s6, $0x270F0  }
0x301: {  	s4 =	sadd.s32 $0x80, s4;
	s5 =	simm.s32 @!p2 $0x200;
	s7 =	sand.u32 @!p2 $0x3FFF8, s6  }
0x302: {  	s2 =	sadd.s32 $0x1, s2;
	s6 =	sand.u32 @!p2 $0x7, s6;
	s7 =	sadd.s32 @!p2 s1, s7  }
0x303: {  	[hbm4b:s7+s6] =	stream.linear.scatter @!p2 [tilespmem:s4], [sflag:$0x7], $0x80, $0x38;
	[tilespmem:$0x1F6F8] =	vst v63  }
.LBB3_52:
0x304: {  	s0 =	sadd.s32 s3, s5  }
0x305: {  	s3 =	sshrl.u32 s0, $0x2  }
.LBB3_53:
0x306: {  	s0 =	simm.s32 $0x7  }
0x307: {  	_ =	swait.ge [sflag:s0], s3  }
0x308: {  	s1 =	ssub.s32 $0x0, s3;
	[sflag:s0] =	ssyncset.done $0x0  }
0x309: {  	[sflag:s0] =	ssyncadd.s32 s1  }
0x30a: {  	[sflag:s0] =	ssyncpa.u1 $0x1  }
.LBB3_54:
0x30b: {  	_ =	sfence;
	s0 =	simm.s32 $0x1  }
0x30c: {  	[sflag:s0] =	ssyncpa.u1 $0x1  }
0x30d: {  	_ =	strace $0x90000050  }
0x30e: {  	[bflag:$0x2] =	sbarrier.arrive $0xFFFF  }
0x30f: {  	s0 =	rddreg [dreg:$0x4]  }
0x310: {  	s0 =	sadd.s32 @!p0 $0x100000, s0  }
0x311: {  	[sflag:s0] =	ssyncadd.tile.s32 @!p0 $0x1;
	_ =	shalt  }
.Lfunc_end3:
_tile_overlayer_lowered:
.L_overlay_start_3:
0x312: {  	(tag) =	ssettag $0x3  }
0x313: {  	s0 =	rddreg [dreg:$0x0];
	s2 =	stileid.u32  }
0x314: {  	s1 =	rddreg [dreg:$0x1];
	p0 =	sne.s32 s2, $0x0  }
0x315: {  	s3 =	rddreg [dreg:$0x2];
	[bflag:$0x3] =	sbarrier.arrive $0xFFFF;
	s2 =	simm.s32 @!p0 $0x1C01  }
0x316: {  	[timem:s3], [sflag:s2] =	dma.local @!p0 [hbm:s0], s1  }
0x317: {  	s0 =	simm.s32 @!p0 $0x1  }
0x318: {  	_ =	swait.ge @!p0 [sflag:s0], s1  }
0x319: {  	s1 =	ssub.s32 @!p0 $0x0, s1;
	[sflag:s0] =	ssyncset.done @!p0 $0x0  }
0x31a: {  	[sflag:s0] =	ssyncadd.s32 @!p0 s1  }
0x31b: {  	[bflag:$0x3] =	sbarrier.arrive $0xFFFF  }
0x31c: {  	_ =	shalt  }

</sc_bundles>
